<compile_context>
chip_gen: v7x
topology: tpu7x:2x2x1
jax: 0.10.2.dev20260603
libtpu: 0.0.44.dev20260713+nightly
codegen_flags: <defaults>
</compile_context>

<pallas_src>
import functools

import jax
import jax.numpy as jnp
from jax import lax
from jax.experimental import pallas as pl
from jax.experimental.pallas import tpu as pltpu
from jax.experimental.pallas import tpu_sc as plsc

_LANES = 16


def _sc_base_body(toks_per_w, n_used, stab_id_hbm, cycle_id_hbm, stab_hbm,
                  cyc_hbm, base_hbm, sidx, cidx, srows, crows, sem):
    D = srows.shape[1]
    wid = lax.axis_index("s") * 2 + lax.axis_index("c")

    @pl.when(wid < n_used)
    def _():
        tok0 = wid * toks_per_w
        cpi1 = pltpu.async_copy(stab_id_hbm.at[pl.ds(tok0, toks_per_w)],
                                sidx, sem)
        cpi2 = pltpu.async_copy(cycle_id_hbm.at[pl.ds(tok0, toks_per_w)],
                                cidx, sem)
        cpi1.wait()
        cpi2.wait()
        cpg1 = pltpu.async_copy(stab_hbm.at[sidx], srows, sem)
        cpg2 = pltpu.async_copy(cyc_hbm.at[cidx], crows, sem)
        cpg1.wait()
        cpg2.wait()
        for j in range(toks_per_w):
            for k in range(D // _LANES):
                ds = pl.ds(k * _LANES, _LANES)
                srows[j, ds] = srows[j, ds] + crows[j, ds]
        pltpu.sync_copy(srows, base_hbm.at[pl.ds(tok0, toks_per_w)])


def _sc_build_base(stab_id, cycle_id, stab_table, cycle_table):
    L = stab_id.shape[0]
    D = stab_table.shape[1]
    toks_per_w = 8
    n_used = L // toks_per_w
    mesh = plsc.VectorSubcoreMesh(core_axis_name="c", subcore_axis_name="s")
    body = functools.partial(_sc_base_body, toks_per_w, n_used)
    return pl.kernel(
        body,
        out_type=jax.ShapeDtypeStruct((L, D), jnp.float32),
        mesh=mesh,
        scratch_types=[
            pltpu.VMEM((toks_per_w,), jnp.int32),
            pltpu.VMEM((toks_per_w,), jnp.int32),
            pltpu.VMEM((toks_per_w, D), jnp.float32),
            pltpu.VMEM((toks_per_w, D), jnp.float32),
            pltpu.SemaphoreType.DMA,
        ],
    )(stab_id, cycle_id, stab_table, cycle_table)


def _tc_stream_body(syn_ref, base_ref, val_ref, out_ref):
    syn = syn_ref[...].astype(jnp.float32)
    b0 = base_ref[...] + val_ref[0, :][None, :]
    diff = val_ref[1, :] - val_ref[0, :]
    out_ref[...] = b0[None, :, :] + syn[:, :, None] * diff[None, None, :]


def kernel(syndrome, stab_id, cycle_id, stab_table, cycle_table, val_table):
    B, L = syndrome.shape
    D = stab_table.shape[1]
    BB = 32

    base = _sc_build_base(stab_id.astype(jnp.int32),
                          cycle_id.astype(jnp.int32),
                          stab_table, cycle_table)
    syn = syndrome.astype(jnp.int32)

    return pl.pallas_call(
        _tc_stream_body,
        grid=(B // BB,),
        in_specs=[
            pl.BlockSpec((BB, L), lambda i: (i, 0)),
            pl.BlockSpec((L, D), lambda i: (0, 0)),
            pl.BlockSpec((2, D), lambda i: (0, 0)),
        ],
        out_specs=pl.BlockSpec((BB, L, D), lambda i: (i, 0, 0)),
        out_shape=jax.ShapeDtypeStruct((B, L, D), jnp.float32),
    )(syn, base, val_table)

# --- scband reference (transcript-rebuilt; emitter-appended) ---
"""Pipeline reference for scband-stabilizer-embedding-1683627180747 (READ-ONLY COPY).

The authoritative reference and input builder live on the scoring server;
editing this copy changes nothing except your own understanding.
"""

import jax, jax.numpy as jnp
import numpy as np

NUM_STAB = 1000
NUM_CYCLES = 256
D_MODEL = 256
B, L = 1024, 200


def setup_inputs(seed: int = 0) -> dict:
    key = jax.random.key(seed)
    k1, k2, k3, k4, k5, k6 = jax.random.split(key, 6)
    syndrome = jax.random.randint(k1, (B, L), 0, 2)
    stab_id = jax.random.randint(k2, (L,), 0, NUM_STAB)
    cycle_id = jax.random.randint(k3, (L,), 0, NUM_CYCLES)
    stab_table = jax.random.normal(k4, (NUM_STAB, D_MODEL), dtype=jnp.float32)
    cycle_table = jax.random.normal(k5, (NUM_CYCLES, D_MODEL), dtype=jnp.float32)
    val_table = jax.random.normal(k6, (2, D_MODEL), dtype=jnp.float32)
    return {
        "syndrome": syndrome,
        "stab_id": stab_id,
        "cycle_id": cycle_id,
        "stab_table": stab_table,
        "cycle_table": cycle_table,
        "val_table": val_table,
    }


def reference(syndrome, stab_id, cycle_id, stab_table, cycle_table, val_table):
    Bx, Lx = syndrome.shape
    if stab_id.ndim == 1:
        stab_id_b = jnp.broadcast_to(stab_id[None, :], (Bx, Lx))
    else:
        stab_id_b = jnp.broadcast_to(stab_id, (Bx, Lx))
    if cycle_id.ndim == 1:
        cycle_id_b = jnp.broadcast_to(cycle_id[None, :], (Bx, Lx))
    else:
        cycle_id_b = jnp.broadcast_to(cycle_id, (Bx, Lx))
    e_stab = jnp.take(stab_table, stab_id_b, axis=0)
    e_cycle = jnp.take(cycle_table, cycle_id_b, axis=0)
    # syndrome is integer-valued (hard path) -> val_emb lookup
    e_val = jnp.take(val_table, syndrome.astype(jnp.int32), axis=0)
    return e_stab + e_cycle + e_val

if __name__ == "__main__":
    import jax
    _d = setup_inputs()
    print(jax.jit(kernel)(*tuple(_d.values())))

</pallas_src>

<mosaic_0001>
#map = affine_map<(d0, d1) -> (0)>
#map1 = affine_map<(d0, d1) -> (0, 0)>
module attributes {stable_mosaic.version = 14 : i64} {
  func.func @_sc_base_body(%arg0: i32, %arg1: i32, %arg2: memref<200xi32, #tpu.memory_space<hbm>>, %arg3: memref<200xi32, #tpu.memory_space<hbm>>, %arg4: memref<1000x256xf32, #tpu.memory_space<hbm>>, %arg5: memref<256x256xf32, #tpu.memory_space<hbm>>, %arg6: memref<200x256xf32, #tpu.memory_space<hbm>>, %arg7: memref<8xi32, #tpu.memory_space<vmem>>, %arg8: memref<8xi32, #tpu.memory_space<vmem>>, %arg9: memref<8x256xf32, #tpu.memory_space<vmem>>, %arg10: memref<8x256xf32, #tpu.memory_space<vmem>>, %arg11: memref<!tpu.dma_semaphore, #tpu.memory_space<semaphore_mem>>) attributes {dimension_semantics = [#tpu.dimension_semantics<core_parallel>, #tpu.dimension_semantics<subcore_parallel>], iteration_bounds = array<i64: 2, 16>, scalar_prefetch = 0 : i64, scratch_operands = 5 : i64, tpu.core_type = #tpu.core_type<sc_vector_subcore>, window_params = [{transform_indices = #map}, {transform_indices = #map}, {transform_indices = #map1}, {transform_indices = #map1}, {transform_indices = #map1}]} {
    %mul3A = arith.constant 2 : i32
    %mul3A_0 = arith.muli %arg1, %mul3A : i32
    %add3A = arith.addi %mul3A_0, %arg0 : i32
    %lt3A = arith.constant 25 : i32
    %lt3A_1 = arith.cmpi slt, %add3A, %lt3A : i32
    %convert_element_type3A = arith.extui %lt3A_1 : i1 to i32
    %cond3A = arith.constant 0 : i32
    %cond3A_2 = arith.cmpi ne, %convert_element_type3A, %cond3A : i32
    scf.if %cond3A_2 {
      %mul3A_3 = arith.constant 8 : i32
      %mul3A_4 = arith.muli %add3A, %mul3A_3 : i32
      %dma_start3A = tpu.memref_slice %arg2[%mul3A_4] : memref<200xi32, #tpu.memory_space<hbm>> -> memref<8xi32, #tpu.memory_space<hbm>>
      %dma_start3A_5 = tpu.memref_slice %arg2[%mul3A_4] : memref<200xi32, #tpu.memory_space<hbm>> -> memref<8xi32, #tpu.memory_space<hbm>>
      tpu.enqueue_dma source(%dma_start3A_5 : memref<8xi32, #tpu.memory_space<hbm>>) target(%arg7 : memref<8xi32, #tpu.memory_space<vmem>>) target_semaphore(%arg11 : memref<!tpu.dma_semaphore, #tpu.memory_space<semaphore_mem>>)
      %dma_start3A_6 = tpu.memref_slice %arg3[%mul3A_4] : memref<200xi32, #tpu.memory_space<hbm>> -> memref<8xi32, #tpu.memory_space<hbm>>
      %dma_start3A_7 = tpu.memref_slice %arg3[%mul3A_4] : memref<200xi32, #tpu.memory_space<hbm>> -> memref<8xi32, #tpu.memory_space<hbm>>
      tpu.enqueue_dma source(%dma_start3A_7 : memref<8xi32, #tpu.memory_space<hbm>>) target(%arg8 : memref<8xi32, #tpu.memory_space<vmem>>) target_semaphore(%arg11 : memref<!tpu.dma_semaphore, #tpu.memory_space<semaphore_mem>>)
      %dma_wait3A = tpu.memref_slice %arg2[%mul3A_4] : memref<200xi32, #tpu.memory_space<hbm>> -> memref<8xi32, #tpu.memory_space<hbm>>
      %dma_wait3A_8 = tpu.memref_slice %arg2[%mul3A_4] : memref<200xi32, #tpu.memory_space<hbm>> -> memref<8xi32, #tpu.memory_space<hbm>>
      tpu.wait_dma2 semaphore(%arg11 : memref<!tpu.dma_semaphore, #tpu.memory_space<semaphore_mem>>) src(%dma_wait3A_8 : memref<8xi32, #tpu.memory_space<hbm>>) dst(%arg7 : memref<8xi32, #tpu.memory_space<vmem>>)
      %dma_wait3A_9 = tpu.memref_slice %arg3[%mul3A_4] : memref<200xi32, #tpu.memory_space<hbm>> -> memref<8xi32, #tpu.memory_space<hbm>>
      %dma_wait3A_10 = tpu.memref_slice %arg3[%mul3A_4] : memref<200xi32, #tpu.memory_space<hbm>> -> memref<8xi32, #tpu.memory_space<hbm>>
      tpu.wait_dma2 semaphore(%arg11 : memref<!tpu.dma_semaphore, #tpu.memory_space<semaphore_mem>>) src(%dma_wait3A_10 : memref<8xi32, #tpu.memory_space<hbm>>) dst(%arg8 : memref<8xi32, #tpu.memory_space<vmem>>)
      %dma_start3A_11 = arith.constant 0 : i32
      %dma_start3A_12 = arith.constant 0 : i32
      %dma_start3A_13 = tpu.memref_slice %arg4[%dma_start3A_11, %dma_start3A_12] : memref<1000x256xf32, #tpu.memory_space<hbm>> -> memref<1000x256xf32, #tpu.memory_space<hbm>>
      tpu.enqueue_indirect_dma source(%dma_start3A_13 : memref<1000x256xf32, #tpu.memory_space<hbm>>) target(%arg9 : memref<8x256xf32, #tpu.memory_space<vmem>>) offsets(%arg7 : memref<8xi32, #tpu.memory_space<vmem>>) semaphore(%arg11 : memref<!tpu.dma_semaphore, #tpu.memory_space<semaphore_mem>>)
      %dma_start3A_14 = arith.constant 0 : i32
      %dma_start3A_15 = arith.constant 0 : i32
      %dma_start3A_16 = tpu.memref_slice %arg5[%dma_start3A_14, %dma_start3A_15] : memref<256x256xf32, #tpu.memory_space<hbm>> -> memref<256x256xf32, #tpu.memory_space<hbm>>
      tpu.enqueue_indirect_dma source(%dma_start3A_16 : memref<256x256xf32, #tpu.memory_space<hbm>>) target(%arg10 : memref<8x256xf32, #tpu.memory_space<vmem>>) offsets(%arg8 : memref<8xi32, #tpu.memory_space<vmem>>) semaphore(%arg11 : memref<!tpu.dma_semaphore, #tpu.memory_space<semaphore_mem>>)
      %dma_wait3A_17 = arith.constant 0 : i32
      %dma_wait3A_18 = arith.constant 0 : i32
      %dma_wait3A_19 = tpu.memref_slice %arg4[%dma_wait3A_17, %dma_wait3A_18] : memref<1000x256xf32, #tpu.memory_space<hbm>> -> memref<1000x256xf32, #tpu.memory_space<hbm>>
      tpu.wait_indirect_dma semaphore(%arg11 : memref<!tpu.dma_semaphore, #tpu.memory_space<semaphore_mem>>) src(%dma_wait3A_19 : memref<1000x256xf32, #tpu.memory_space<hbm>>) dst(%arg9 : memref<8x256xf32, #tpu.memory_space<vmem>>)
      %dma_wait3A_20 = arith.constant 0 : i32
      %dma_wait3A_21 = arith.constant 0 : i32
      %dma_wait3A_22 = tpu.memref_slice %arg5[%dma_wait3A_20, %dma_wait3A_21] : memref<256x256xf32, #tpu.memory_space<hbm>> -> memref<256x256xf32, #tpu.memory_space<hbm>>
      tpu.wait_indirect_dma semaphore(%arg11 : memref<!tpu.dma_semaphore, #tpu.memory_space<semaphore_mem>>) src(%dma_wait3A_22 : memref<256x256xf32, #tpu.memory_space<hbm>>) dst(%arg10 : memref<8x256xf32, #tpu.memory_space<vmem>>)
      %get3A = arith.constant 0 : i32
      %get3A_23 = arith.index_cast %get3A : i32 to index
      %get3A_24 = arith.constant 0 : index
      %get3A_25 = tpu.vector_load %arg9[%get3A_23, %get3A_24] {strides = array<i32>} : memref<8x256xf32, #tpu.memory_space<vmem>>, vector<1x16xf32>,
      %get3A_26 = vector.shape_cast %get3A_25 : vector<1x16xf32> to vector<16xf32>
      %get3A_27 = arith.constant 0 : i32
      %get3A_28 = arith.index_cast %get3A_27 : i32 to index
      %get3A_29 = arith.constant 0 : index
      %get3A_30 = tpu.vector_load %arg10[%get3A_28, %get3A_29] {strides = array<i32>} : memref<8x256xf32, #tpu.memory_space<vmem>>, vector<1x16xf32>,
      %get3A_31 = vector.shape_cast %get3A_30 : vector<1x16xf32> to vector<16xf32>
      %add3A_32 = arith.addf %get3A_26, %get3A_31 : vector<16xf32>
      %swap3A = arith.constant 0 : i32
      %swap3A_33 = arith.index_cast %swap3A : i32 to index
      %swap3A_34 = arith.constant 0 : index
      %swap3A_35 = tpu.vector_load %arg9[%swap3A_33, %swap3A_34] {strides = array<i32>} : memref<8x256xf32, #tpu.memory_space<vmem>>, vector<1x16xf32>,
      %swap3A_36 = vector.shape_cast %swap3A_35 : vector<1x16xf32> to vector<16xf32>
      %swap3A_37 = vector.shape_cast %add3A_32 : vector<16xf32> to vector<1x16xf32>
      tpu.vector_store %arg9[%swap3A_33, %swap3A_34], %swap3A_37 {strides = array<i32>} : memref<8x256xf32, #tpu.memory_space<vmem>>, vector<1x16xf32>,
      %get3A_38 = arith.constant 0 : i32
      %get3A_39 = arith.index_cast %get3A_38 : i32 to index
      %get3A_40 = arith.constant 16 : index
      %get3A_41 = tpu.vector_load %arg9[%get3A_39, %get3A_40] {strides = array<i32>} : memref<8x256xf32, #tpu.memory_space<vmem>>, vector<1x16xf32>,
      %get3A_42 = vector.shape_cast %get3A_41 : vector<1x16xf32> to vector<16xf32>
      %get3A_43 = arith.constant 0 : i32
      %get3A_44 = arith.index_cast %get3A_43 : i32 to index
      %get3A_45 = arith.constant 16 : index
      %get3A_46 = tpu.vector_load %arg10[%get3A_44, %get3A_45] {strides = array<i32>} : memref<8x256xf32, #tpu.memory_space<vmem>>, vector<1x16xf32>,
      %get3A_47 = vector.shape_cast %get3A_46 : vector<1x16xf32> to vector<16xf32>
      %add3A_48 = arith.addf %get3A_42, %get3A_47 : vector<16xf32>
      %swap3A_49 = arith.constant 0 : i32
      %swap3A_50 = arith.index_cast %swap3A_49 : i32 to index
      %swap3A_51 = arith.constant 16 : index
      %swap3A_52 = tpu.vector_load %arg9[%swap3A_50, %swap3A_51] {strides = array<i32>} : memref<8x256xf32, #tpu.memory_space<vmem>>, vector<1x16xf32>,
      %swap3A_53 = vector.shape_cast %swap3A_52 : vector<1x16xf32> to vector<16xf32>
      %swap3A_54 = vector.shape_cast %add3A_48 : vector<16xf32> to vector<1x16xf32>
      tpu.vector_store %arg9[%swap3A_50, %swap3A_51], %swap3A_54 {strides = array<i32>} : memref<8x256xf32, #tpu.memory_space<vmem>>, vector<1x16xf32>,
      %get3A_55 = arith.constant 0 : i32
      %get3A_56 = arith.index_cast %get3A_55 : i32 to index
      %get3A_57 = arith.constant 32 : index
      %get3A_58 = tpu.vector_load %arg9[%get3A_56, %get3A_57] {strides = array<i32>} : memref<8x256xf32, #tpu.memory_space<vmem>>, vector<1x16xf32>,
      %get3A_59 = vector.shape_cast %get3A_58 : vector<1x16xf32> to vector<16xf32>
      %get3A_60 = arith.constant 0 : i32
      %get3A_61 = arith.index_cast %get3A_60 : i32 to index
      %get3A_62 = arith.constant 32 : index
      %get3A_63 = tpu.vector_load %arg10[%get3A_61, %get3A_62] {strides = array<i32>} : memref<8x256xf32, #tpu.memory_space<vmem>>, vector<1x16xf32>,
      %get3A_64 = vector.shape_cast %get3A_63 : vector<1x16xf32> to vector<16xf32>
      %add3A_65 = arith.addf %get3A_59, %get3A_64 : vector<16xf32>
      %swap3A_66 = arith.constant 0 : i32
      %swap3A_67 = arith.index_cast %swap3A_66 : i32 to index
      %swap3A_68 = arith.constant 32 : index
      %swap3A_69 = tpu.vector_load %arg9[%swap3A_67, %swap3A_68] {strides = array<i32>} : memref<8x256xf32, #tpu.memory_space<vmem>>, vector<1x16xf32>,
      %swap3A_70 = vector.shape_cast %swap3A_69 : vector<1x16xf32> to vector<16xf32>
      %swap3A_71 = vector.shape_cast %add3A_65 : vector<16xf32> to vector<1x16xf32>
      tpu.vector_store %arg9[%swap3A_67, %swap3A_68], %swap3A_71 {strides = array<i32>} : memref<8x256xf32, #tpu.memory_space<vmem>>, vector<1x16xf32>,
      %get3A_72 = arith.constant 0 : i32
      %get3A_73 = arith.index_cast %get3A_72 : i32 to index
      %get3A_74 = arith.constant 48 : index
      %get3A_75 = tpu.vector_load %arg9[%get3A_73, %get3A_74] {strides = array<i32>} : memref<8x256xf32, #tpu.memory_space<vmem>>, vector<1x16xf32>,
      %get3A_76 = vector.shape_cast %get3A_75 : vector<1x16xf32> to vector<16xf32>
      %get3A_77 = arith.constant 0 : i32
      %get3A_78 = arith.index_cast %get3A_77 : i32 to index
      %get3A_79 = arith.constant 48 : index
      %get3A_80 = tpu.vector_load %arg10[%get3A_78, %get3A_79] {strides = array<i32>} : memref<8x256xf32, #tpu.memory_space<vmem>>, vector<1x16xf32>,
      %get3A_81 = vector.shape_cast %get3A_80 : vector<1x16xf32> to vector<16xf32>
      %add3A_82 = arith.addf %get3A_76, %get3A_81 : vector<16xf32>
      %swap3A_83 = arith.constant 0 : i32
      %swap3A_84 = arith.index_cast %swap3A_83 : i32 to index
      %swap3A_85 = arith.constant 48 : index
      %swap3A_86 = tpu.vector_load %arg9[%swap3A_84, %swap3A_85] {strides = array<i32>} : memref<8x256xf32, #tpu.memory_space<vmem>>, vector<1x16xf32>,
      %swap3A_87 = vector.shape_cast %swap3A_86 : vector<1x16xf32> to vector<16xf32>
      %swap3A_88 = vector.shape_cast %add3A_82 : vector<16xf32> to vector<1x16xf32>
      tpu.vector_store %arg9[%swap3A_84, %swap3A_85], %swap3A_88 {strides = array<i32>} : memref<8x256xf32, #tpu.memory_space<vmem>>, vector<1x16xf32>,
      %get3A_89 = arith.constant 0 : i32
      %get3A_90 = arith.index_cast %get3A_89 : i32 to index
      %get3A_91 = arith.constant 64 : index
      %get3A_92 = tpu.vector_load %arg9[%get3A_90, %get3A_91] {strides = array<i32>} : memref<8x256xf32, #tpu.memory_space<vmem>>, vector<1x16xf32>,
      %get3A_93 = vector.shape_cast %get3A_92 : vector<1x16xf32> to vector<16xf32>
      %get3A_94 = arith.constant 0 : i32
      %get3A_95 = arith.index_cast %get3A_94 : i32 to index
      %get3A_96 = arith.constant 64 : index
      %get3A_97 = tpu.vector_load %arg10[%get3A_95, %get3A_96] {strides = array<i32>} : memref<8x256xf32, #tpu.memory_space<vmem>>, vector<1x16xf32>,
      %get3A_98 = vector.shape_cast %get3A_97 : vector<1x16xf32> to vector<16xf32>
      %add3A_99 = arith.addf %get3A_93, %get3A_98 : vector<16xf32>
      %swap3A_100 = arith.constant 0 : i32
      %swap3A_101 = arith.index_cast %swap3A_100 : i32 to index
      %swap3A_102 = arith.constant 64 : index
      %swap3A_103 = tpu.vector_load %arg9[%swap3A_101, %swap3A_102] {strides = array<i32>} : memref<8x256xf32, #tpu.memory_space<vmem>>, vector<1x16xf32>,
      %swap3A_104 = vector.shape_cast %swap3A_103 : vector<1x16xf32> to vector<16xf32>
      %swap3A_105 = vector.shape_cast %add3A_99 : vector<16xf32> to vector<1x16xf32>
      tpu.vector_store %arg9[%swap3A_101, %swap3A_102], %swap3A_105 {strides = array<i32>} : memref<8x256xf32, #tpu.memory_space<vmem>>, vector<1x16xf32>,
      %get3A_106 = arith.constant 0 : i32
      %get3A_107 = arith.index_cast %get3A_106 : i32 to index
      %get3A_108 = arith.constant 80 : index
      %get3A_109 = tpu.vector_load %arg9[%get3A_107, %get3A_108] {strides = array<i32>} : memref<8x256xf32, #tpu.memory_space<vmem>>, vector<1x16xf32>,
      %get3A_110 = vector.shape_cast %get3A_109 : vector<1x16xf32> to vector<16xf32>
      %get3A_111 = arith.constant 0 : i32
      %get3A_112 = arith.index_cast %get3A_111 : i32 to index
      %get3A_113 = arith.constant 80 : index
      %get3A_114 = tpu.vector_load %arg10[%get3A_112, %get3A_113] {strides = array<i32>} : memref<8x256xf32, #tpu.memory_space<vmem>>, vector<1x16xf32>,
      %get3A_115 = vector.shape_cast %get3A_114 : vector<1x16xf32> to vector<16xf32>
      %add3A_116 = arith.addf %get3A_110, %get3A_115 : vector<16xf32>
      %swap3A_117 = arith.constant 0 : i32
      %swap3A_118 = arith.index_cast %swap3A_117 : i32 to index
      %swap3A_119 = arith.constant 80 : index
      %swap3A_120 = tpu.vector_load %arg9[%swap3A_118, %swap3A_119] {strides = array<i32>} : memref<8x256xf32, #tpu.memory_space<vmem>>, vector<1x16xf32>,
      %swap3A_121 = vector.shape_cast %swap3A_120 : vector<1x16xf32> to vector<16xf32>
      %swap3A_122 = vector.shape_cast %add3A_116 : vector<16xf32> to vector<1x16xf32>
      tpu.vector_store %arg9[%swap3A_118, %swap3A_119], %swap3A_122 {strides = array<i32>} : memref<8x256xf32, #tpu.memory_space<vmem>>, vector<1x16xf32>,
      %get3A_123 = arith.constant 0 : i32
      %get3A_124 = arith.index_cast %get3A_123 : i32 to index
      %get3A_125 = arith.constant 96 : index
      %get3A_126 = tpu.vector_load %arg9[%get3A_124, %get3A_125] {strides = array<i32>} : memref<8x256xf32, #tpu.memory_space<vmem>>, vector<1x16xf32>,
      %get3A_127 = vector.shape_cast %get3A_126 : vector<1x16xf32> to vector<16xf32>
      %get3A_128 = arith.constant 0 : i32
      %get3A_129 = arith.index_cast %get3A_128 : i32 to index
      %get3A_130 = arith.constant 96 : index
      %get3A_131 = tpu.vector_load %arg10[%get3A_129, %get3A_130] {strides = array<i32>} : memref<8x256xf32, #tpu.memory_space<vmem>>, vector<1x16xf32>,
      %get3A_132 = vector.shape_cast %get3A_131 : vector<1x16xf32> to vector<16xf32>
      %add3A_133 = arith.addf %get3A_127, %get3A_132 : vector<16xf32>
      %swap3A_134 = arith.constant 0 : i32
      %swap3A_135 = arith.index_cast %swap3A_134 : i32 to index
      %swap3A_136 = arith.constant 96 : index
      %swap3A_137 = tpu.vector_load %arg9[%swap3A_135, %swap3A_136] {strides = array<i32>} : memref<8x256xf32, #tpu.memory_space<vmem>>, vector<1x16xf32>,
      %swap3A_138 = vector.shape_cast %swap3A_137 : vector<1x16xf32> to vector<16xf32>
      %swap3A_139 = vector.shape_cast %add3A_133 : vector<16xf32> to vector<1x16xf32>
      tpu.vector_store %arg9[%swap3A_135, %swap3A_136], %swap3A_139 {strides = array<i32>} : memref<8x256xf32, #tpu.memory_space<vmem>>, vector<1x16xf32>,
      %get3A_140 = arith.constant 0 : i32
      %get3A_141 = arith.index_cast %get3A_140 : i32 to index
      %get3A_142 = arith.constant 112 : index
      %get3A_143 = tpu.vector_load %arg9[%get3A_141, %get3A_142] {strides = array<i32>} : memref<8x256xf32, #tpu.memory_space<vmem>>, vector<1x16xf32>,
      %get3A_144 = vector.shape_cast %get3A_143 : vector<1x16xf32> to vector<16xf32>
      %get3A_145 = arith.constant 0 : i32
      %get3A_146 = arith.index_cast %get3A_145 : i32 to index
      %get3A_147 = arith.constant 112 : index
      %get3A_148 = tpu.vector_load %arg10[%get3A_146, %get3A_147] {strides = array<i32>} : memref<8x256xf32, #tpu.memory_space<vmem>>, vector<1x16xf32>,
      %get3A_149 = vector.shape_cast %get3A_148 : vector<1x16xf32> to vector<16xf32>
      %add3A_150 = arith.addf %get3A_144, %get3A_149 : vector<16xf32>
      %swap3A_151 = arith.constant 0 : i32
      %swap3A_152 = arith.index_cast %swap3A_151 : i32 to index
      %swap3A_153 = arith.constant 112 : index
      %swap3A_154 = tpu.vector_load %arg9[%swap3A_152, %swap3A_153] {strides = array<i32>} : memref<8x256xf32, #tpu.memory_space<vmem>>, vector<1x16xf32>,
      %swap3A_155 = vector.shape_cast %swap3A_154 : vector<1x16xf32> to vector<16xf32>
      %swap3A_156 = vector.shape_cast %add3A_150 : vector<16xf32> to vector<1x16xf32>
      tpu.vector_store %arg9[%swap3A_152, %swap3A_153], %swap3A_156 {strides = array<i32>} : memref<8x256xf32, #tpu.memory_space<vmem>>, vector<1x16xf32>,
      %get3A_157 = arith.constant 0 : i32
      %get3A_158 = arith.index_cast %get3A_157 : i32 to index
      %get3A_159 = arith.constant 128 : index
      %get3A_160 = tpu.vector_load %arg9[%get3A_158, %get3A_159] {strides = array<i32>} : memref<8x256xf32, #tpu.memory_space<vmem>>, vector<1x16xf32>,
      %get3A_161 = vector.shape_cast %get3A_160 : vector<1x16xf32> to vector<16xf32>
      %get3A_162 = arith.constant 0 : i32
      %get3A_163 = arith.index_cast %get3A_162 : i32 to index
      %get3A_164 = arith.constant 128 : index
      %get3A_165 = tpu.vector_load %arg10[%get3A_163, %get3A_164] {strides = array<i32>} : memref<8x256xf32, #tpu.memory_space<vmem>>, vector<1x16xf32>,
      %get3A_166 = vector.shape_cast %get3A_165 : vector<1x16xf32> to vector<16xf32>
      %add3A_167 = arith.addf %get3A_161, %get3A_166 : vector<16xf32>
      %swap3A_168 = arith.constant 0 : i32
      %swap3A_169 = arith.index_cast %swap3A_168 : i32 to index
      %swap3A_170 = arith.constant 128 : index
      %swap3A_171 = tpu.vector_load %arg9[%swap3A_169, %swap3A_170] {strides = array<i32>} : memref<8x256xf32, #tpu.memory_space<vmem>>, vector<1x16xf32>,
      %swap3A_172 = vector.shape_cast %swap3A_171 : vector<1x16xf32> to vector<16xf32>
      %swap3A_173 = vector.shape_cast %add3A_167 : vector<16xf32> to vector<1x16xf32>
      tpu.vector_store %arg9[%swap3A_169, %swap3A_170], %swap3A_173 {strides = array<i32>} : memref<8x256xf32, #tpu.memory_space<vmem>>, vector<1x16xf32>,
      %get3A_174 = arith.constant 0 : i32
      %get3A_175 = arith.index_cast %get3A_174 : i32 to index
      %get3A_176 = arith.constant 144 : index
      %get3A_177 = tpu.vector_load %arg9[%get3A_175, %get3A_176] {strides = array<i32>} : memref<8x256xf32, #tpu.memory_space<vmem>>, vector<1x16xf32>,
      %get3A_178 = vector.shape_cast %get3A_177 : vector<1x16xf32> to vector<16xf32>
      %get3A_179 = arith.constant 0 : i32
      %get3A_180 = arith.index_cast %get3A_179 : i32 to index
      %get3A_181 = arith.constant 144 : index
      %get3A_182 = tpu.vector_load %arg10[%get3A_180, %get3A_181] {strides = array<i32>} : memref<8x256xf32, #tpu.memory_space<vmem>>, vector<1x16xf32>,
      %get3A_183 = vector.shape_cast %get3A_182 : vector<1x16xf32> to vector<16xf32>
      %add3A_184 = arith.addf %get3A_178, %get3A_183 : vector<16xf32>
      %swap3A_185 = arith.constant 0 : i32
      %swap3A_186 = arith.index_cast %swap3A_185 : i32 to index
      %swap3A_187 = arith.constant 144 : index
      %swap3A_188 = tpu.vector_load %arg9[%swap3A_186, %swap3A_187] {strides = array<i32>} : memref<8x256xf32, #tpu.memory_space<vmem>>, vector<1x16xf32>,
      %swap3A_189 = vector.shape_cast %swap3A_188 : vector<1x16xf32> to vector<16xf32>
      %swap3A_190 = vector.shape_cast %add3A_184 : vector<16xf32> to vector<1x16xf32>
      tpu.vector_store %arg9[%swap3A_186, %swap3A_187], %swap3A_190 {strides = array<i32>} : memref<8x256xf32, #tpu.memory_space<vmem>>, vector<1x16xf32>,
      %get3A_191 = arith.constant 0 : i32
      %get3A_192 = arith.index_cast %get3A_191 : i32 to index
      %get3A_193 = arith.constant 160 : index
      %get3A_194 = tpu.vector_load %arg9[%get3A_192, %get3A_193] {strides = array<i32>} : memref<8x256xf32, #tpu.memory_space<vmem>>, vector<1x16xf32>,
      %get3A_195 = vector.shape_cast %get3A_194 : vector<1x16xf32> to vector<16xf32>
      %get3A_196 = arith.constant 0 : i32
      %get3A_197 = arith.index_cast %get3A_196 : i32 to index
      %get3A_198 = arith.constant 160 : index
      %get3A_199 = tpu.vector_load %arg10[%get3A_197, %get3A_198] {strides = array<i32>} : memref<8x256xf32, #tpu.memory_space<vmem>>, vector<1x16xf32>,
      %get3A_200 = vector.shape_cast %get3A_199 : vector<1x16xf32> to vector<16xf32>
      %add3A_201 = arith.addf %get3A_195, %get3A_200 : vector<16xf32>
      %swap3A_202 = arith.constant 0 : i32
      %swap3A_203 = arith.index_cast %swap3A_202 : i32 to index
      %swap3A_204 = arith.constant 160 : index
      %swap3A_205 = tpu.vector_load %arg9[%swap3A_203, %swap3A_204] {strides = array<i32>} : memref<8x256xf32, #tpu.memory_space<vmem>>, vector<1x16xf32>,
      %swap3A_206 = vector.shape_cast %swap3A_205 : vector<1x16xf32> to vector<16xf32>
      %swap3A_207 = vector.shape_cast %add3A_201 : vector<16xf32> to vector<1x16xf32>
      tpu.vector_store %arg9[%swap3A_203, %swap3A_204], %swap3A_207 {strides = array<i32>} : memref<8x256xf32, #tpu.memory_space<vmem>>, vector<1x16xf32>,
      %get3A_208 = arith.constant 0 : i32
      %get3A_209 = arith.index_cast %get3A_208 : i32 to index
      %get3A_210 = arith.constant 176 : index
      %get3A_211 = tpu.vector_load %arg9[%get3A_209, %get3A_210] {strides = array<i32>} : memref<8x256xf32, #tpu.memory_space<vmem>>, vector<1x16xf32>,
      %get3A_212 = vector.shape_cast %get3A_211 : vector<1x16xf32> to vector<16xf32>
      %get3A_213 = arith.constant 0 : i32
      %get3A_214 = arith.index_cast %get3A_213 : i32 to index
      %get3A_215 = arith.constant 176 : index
      %get3A_216 = tpu.vector_load %arg10[%get3A_214, %get3A_215] {strides = array<i32>} : memref<8x256xf32, #tpu.memory_space<vmem>>, vector<1x16xf32>,
      %get3A_217 = vector.shape_cast %get3A_216 : vector<1x16xf32> to vector<16xf32>
      %add3A_218 = arith.addf %get3A_212, %get3A_217 : vector<16xf32>
      %swap3A_219 = arith.constant 0 : i32
      %swap3A_220 = arith.index_cast %swap3A_219 : i32 to index
      %swap3A_221 = arith.constant 176 : index
      %swap3A_222 = tpu.vector_load %arg9[%swap3A_220, %swap3A_221] {strides = array<i32>} : memref<8x256xf32, #tpu.memory_space<vmem>>, vector<1x16xf32>,
      %swap3A_223 = vector.shape_cast %swap3A_222 : vector<1x16xf32> to vector<16xf32>
      %swap3A_224 = vector.shape_cast %add3A_218 : vector<16xf32> to vector<1x16xf32>
      tpu.vector_store %arg9[%swap3A_220, %swap3A_221], %swap3A_224 {strides = array<i32>} : memref<8x256xf32, #tpu.memory_space<vmem>>, vector<1x16xf32>,
      %get3A_225 = arith.constant 0 : i32
      %get3A_226 = arith.index_cast %get3A_225 : i32 to index
      %get3A_227 = arith.constant 192 : index
      %get3A_228 = tpu.vector_load %arg9[%get3A_226, %get3A_227] {strides = array<i32>} : memref<8x256xf32, #tpu.memory_space<vmem>>, vector<1x16xf32>,
      %get3A_229 = vector.shape_cast %get3A_228 : vector<1x16xf32> to vector<16xf32>
      %get3A_230 = arith.constant 0 : i32
      %get3A_231 = arith.index_cast %get3A_230 : i32 to index
      %get3A_232 = arith.constant 192 : index
      %get3A_233 = tpu.vector_load %arg10[%get3A_231, %get3A_232] {strides = array<i32>} : memref<8x256xf32, #tpu.memory_space<vmem>>, vector<1x16xf32>,
      %get3A_234 = vector.shape_cast %get3A_233 : vector<1x16xf32> to vector<16xf32>
      %add3A_235 = arith.addf %get3A_229, %get3A_234 : vector<16xf32>
      %swap3A_236 = arith.constant 0 : i32
      %swap3A_237 = arith.index_cast %swap3A_236 : i32 to index
      %swap3A_238 = arith.constant 192 : index
      %swap3A_239 = tpu.vector_load %arg9[%swap3A_237, %swap3A_238] {strides = array<i32>} : memref<8x256xf32, #tpu.memory_space<vmem>>, vector<1x16xf32>,
      %swap3A_240 = vector.shape_cast %swap3A_239 : vector<1x16xf32> to vector<16xf32>
      %swap3A_241 = vector.shape_cast %add3A_235 : vector<16xf32> to vector<1x16xf32>
      tpu.vector_store %arg9[%swap3A_237, %swap3A_238], %swap3A_241 {strides = array<i32>} : memref<8x256xf32, #tpu.memory_space<vmem>>, vector<1x16xf32>,
      %get3A_242 = arith.constant 0 : i32
      %get3A_243 = arith.index_cast %get3A_242 : i32 to index
      %get3A_244 = arith.constant 208 : index
      %get3A_245 = tpu.vector_load %arg9[%get3A_243, %get3A_244] {strides = array<i32>} : memref<8x256xf32, #tpu.memory_space<vmem>>, vector<1x16xf32>,
      %get3A_246 = vector.shape_cast %get3A_245 : vector<1x16xf32> to vector<16xf32>
      %get3A_247 = arith.constant 0 : i32
      %get3A_248 = arith.index_cast %get3A_247 : i32 to index
      %get3A_249 = arith.constant 208 : index
      %get3A_250 = tpu.vector_load %arg10[%get3A_248, %get3A_249] {strides = array<i32>} : memref<8x256xf32, #tpu.memory_space<vmem>>, vector<1x16xf32>,
      %get3A_251 = vector.shape_cast %get3A_250 : vector<1x16xf32> to vector<16xf32>
      %add3A_252 = arith.addf %get3A_246, %get3A_251 : vector<16xf32>
      %swap3A_253 = arith.constant 0 : i32
      %swap3A_254 = arith.index_cast %swap3A_253 : i32 to index
      %swap3A_255 = arith.constant 208 : index
      %swap3A_256 = tpu.vector_load %arg9[%swap3A_254, %swap3A_255] {strides = array<i32>} : memref<8x256xf32, #tpu.memory_space<vmem>>, vector<1x16xf32>,
      %swap3A_257 = vector.shape_cast %swap3A_256 : vector<1x16xf32> to vector<16xf32>
      %swap3A_258 = vector.shape_cast %add3A_252 : vector<16xf32> to vector<1x16xf32>
      tpu.vector_store %arg9[%swap3A_254, %swap3A_255], %swap3A_258 {strides = array<i32>} : memref<8x256xf32, #tpu.memory_space<vmem>>, vector<1x16xf32>,
      %get3A_259 = arith.constant 0 : i32
      %get3A_260 = arith.index_cast %get3A_259 : i32 to index
      %get3A_261 = arith.constant 224 : index
      %get3A_262 = tpu.vector_load %arg9[%get3A_260, %get3A_261] {strides = array<i32>} : memref<8x256xf32, #tpu.memory_space<vmem>>, vector<1x16xf32>,
      %get3A_263 = vector.shape_cast %get3A_262 : vector<1x16xf32> to vector<16xf32>
      %get3A_264 = arith.constant 0 : i32
      %get3A_265 = arith.index_cast %get3A_264 : i32 to index
      %get3A_266 = arith.constant 224 : index
      %get3A_267 = tpu.vector_load %arg10[%get3A_265, %get3A_266] {strides = array<i32>} : memref<8x256xf32, #tpu.memory_space<vmem>>, vector<1x16xf32>,
      %get3A_268 = vector.shape_cast %get3A_267 : vector<1x16xf32> to vector<16xf32>
      %add3A_269 = arith.addf %get3A_263, %get3A_268 : vector<16xf32>
      %swap3A_270 = arith.constant 0 : i32
      %swap3A_271 = arith.index_cast %swap3A_270 : i32 to index
      %swap3A_272 = arith.constant 224 : index
      %swap3A_273 = tpu.vector_load %arg9[%swap3A_271, %swap3A_272] {strides = array<i32>} : memref<8x256xf32, #tpu.memory_space<vmem>>, vector<1x16xf32>,
      %swap3A_274 = vector.shape_cast %swap3A_273 : vector<1x16xf32> to vector<16xf32>
      %swap3A_275 = vector.shape_cast %add3A_269 : vector<16xf32> to vector<1x16xf32>
      tpu.vector_store %arg9[%swap3A_271, %swap3A_272], %swap3A_275 {strides = array<i32>} : memref<8x256xf32, #tpu.memory_space<vmem>>, vector<1x16xf32>,
      %get3A_276 = arith.constant 0 : i32
      %get3A_277 = arith.index_cast %get3A_276 : i32 to index
      %get3A_278 = arith.constant 240 : index
      %get3A_279 = tpu.vector_load %arg9[%get3A_277, %get3A_278] {strides = array<i32>} : memref<8x256xf32, #tpu.memory_space<vmem>>, vector<1x16xf32>,
      %get3A_280 = vector.shape_cast %get3A_279 : vector<1x16xf32> to vector<16xf32>
      %get3A_281 = arith.constant 0 : i32
      %get3A_282 = arith.index_cast %get3A_281 : i32 to index
      %get3A_283 = arith.constant 240 : index
      %get3A_284 = tpu.vector_load %arg10[%get3A_282, %get3A_283] {strides = array<i32>} : memref<8x256xf32, #tpu.memory_space<vmem>>, vector<1x16xf32>,
      %get3A_285 = vector.shape_cast %get3A_284 : vector<1x16xf32> to vector<16xf32>
      %add3A_286 = arith.addf %get3A_280, %get3A_285 : vector<16xf32>
      %swap3A_287 = arith.constant 0 : i32
      %swap3A_288 = arith.index_cast %swap3A_287 : i32 to index
      %swap3A_289 = arith.constant 240 : index
      %swap3A_290 = tpu.vector_load %arg9[%swap3A_288, %swap3A_289] {strides = array<i32>} : memref<8x256xf32, #tpu.memory_space<vmem>>, vector<1x16xf32>,
      %swap3A_291 = vector.shape_cast %swap3A_290 : vector<1x16xf32> to vector<16xf32>
      %swap3A_292 = vector.shape_cast %add3A_286 : vector<16xf32> to vector<1x16xf32>
      tpu.vector_store %arg9[%swap3A_288, %swap3A_289], %swap3A_292 {strides = array<i32>} : memref<8x256xf32, #tpu.memory_space<vmem>>, vector<1x16xf32>,
      %get3A_293 = arith.constant 1 : i32
      %get3A_294 = arith.index_cast %get3A_293 : i32 to index
      %get3A_295 = arith.constant 0 : index
      %get3A_296 = tpu.vector_load %arg9[%get3A_294, %get3A_295] {strides = array<i32>} : memref<8x256xf32, #tpu.memory_space<vmem>>, vector<1x16xf32>,
      %get3A_297 = vector.shape_cast %get3A_296 : vector<1x16xf32> to vector<16xf32>
      %get3A_298 = arith.constant 1 : i32
      %get3A_299 = arith.index_cast %get3A_298 : i32 to index
      %get3A_300 = arith.constant 0 : index
      %get3A_301 = tpu.vector_load %arg10[%get3A_299, %get3A_300] {strides = array<i32>} : memref<8x256xf32, #tpu.memory_space<vmem>>, vector<1x16xf32>,
      %get3A_302 = vector.shape_cast %get3A_301 : vector<1x16xf32> to vector<16xf32>
      %add3A_303 = arith.addf %get3A_297, %get3A_302 : vector<16xf32>
      %swap3A_304 = arith.constant 1 : i32
      %swap3A_305 = arith.index_cast %swap3A_304 : i32 to index
      %swap3A_306 = arith.constant 0 : index
      %swap3A_307 = tpu.vector_load %arg9[%swap3A_305, %swap3A_306] {strides = array<i32>} : memref<8x256xf32, #tpu.memory_space<vmem>>, vector<1x16xf32>,
      %swap3A_308 = vector.shape_cast %swap3A_307 : vector<1x16xf32> to vector<16xf32>
      %swap3A_309 = vector.shape_cast %add3A_303 : vector<16xf32> to vector<1x16xf32>
      tpu.vector_store %arg9[%swap3A_305, %swap3A_306], %swap3A_309 {strides = array<i32>} : memref<8x256xf32, #tpu.memory_space<vmem>>, vector<1x16xf32>,
      %get3A_310 = arith.constant 1 : i32
      %get3A_311 = arith.index_cast %get3A_310 : i32 to index
      %get3A_312 = arith.constant 16 : index
      %get3A_313 = tpu.vector_load %arg9[%get3A_311, %get3A_312] {strides = array<i32>} : memref<8x256xf32, #tpu.memory_space<vmem>>, vector<1x16xf32>,
      %get3A_314 = vector.shape_cast %get3A_313 : vector<1x16xf32> to vector<16xf32>
      %get3A_315 = arith.constant 1 : i32
      %get3A_316 = arith.index_cast %get3A_315 : i32 to index
      %get3A_317 = arith.constant 16 : index
      %get3A_318 = tpu.vector_load %arg10[%get3A_316, %get3A_317] {strides = array<i32>} : memref<8x256xf32, #tpu.memory_space<vmem>>, vector<1x16xf32>,
      %get3A_319 = vector.shape_cast %get3A_318 : vector<1x16xf32> to vector<16xf32>
      %add3A_320 = arith.addf %get3A_314, %get3A_319 : vector<16xf32>
      %swap3A_321 = arith.constant 1 : i32
      %swap3A_322 = arith.index_cast %swap3A_321 : i32 to index
      %swap3A_323 = arith.constant 16 : index
      %swap3A_324 = tpu.vector_load %arg9[%swap3A_322, %swap3A_323] {strides = array<i32>} : memref<8x256xf32, #tpu.memory_space<vmem>>, vector<1x16xf32>,
      %swap3A_325 = vector.shape_cast %swap3A_324 : vector<1x16xf32> to vector<16xf32>
      %swap3A_326 = vector.shape_cast %add3A_320 : vector<16xf32> to vector<1x16xf32>
      tpu.vector_store %arg9[%swap3A_322, %swap3A_323], %swap3A_326 {strides = array<i32>} : memref<8x256xf32, #tpu.memory_space<vmem>>, vector<1x16xf32>,
      %get3A_327 = arith.constant 1 : i32
      %get3A_328 = arith.index_cast %get3A_327 : i32 to index
      %get3A_329 = arith.constant 32 : index
      %get3A_330 = tpu.vector_load %arg9[%get3A_328, %get3A_329] {strides = array<i32>} : memref<8x256xf32, #tpu.memory_space<vmem>>, vector<1x16xf32>,
      %get3A_331 = vector.shape_cast %get3A_330 : vector<1x16xf32> to vector<16xf32>
      %get3A_332 = arith.constant 1 : i32
      %get3A_333 = arith.index_cast %get3A_332 : i32 to index
      %get3A_334 = arith.constant 32 : index
      %get3A_335 = tpu.vector_load %arg10[%get3A_333, %get3A_334] {strides = array<i32>} : memref<8x256xf32, #tpu.memory_space<vmem>>, vector<1x16xf32>,
      %get3A_336 = vector.shape_cast %get3A_335 : vector<1x16xf32> to vector<16xf32>
      %add3A_337 = arith.addf %get3A_331, %get3A_336 : vector<16xf32>
      %swap3A_338 = arith.constant 1 : i32
      %swap3A_339 = arith.index_cast %swap3A_338 : i32 to index
      %swap3A_340 = arith.constant 32 : index
      %swap3A_341 = tpu.vector_load %arg9[%swap3A_339, %swap3A_340] {strides = array<i32>} : memref<8x256xf32, #tpu.memory_space<vmem>>, vector<1x16xf32>,
      %swap3A_342 = vector.shape_cast %swap3A_341 : vector<1x16xf32> to vector<16xf32>
      %swap3A_343 = vector.shape_cast %add3A_337 : vector<16xf32> to vector<1x16xf32>
      tpu.vector_store %arg9[%swap3A_339, %swap3A_340], %swap3A_343 {strides = array<i32>} : memref<8x256xf32, #tpu.memory_space<vmem>>, vector<1x16xf32>,
      %get3A_344 = arith.constant 1 : i32
      %get3A_345 = arith.index_cast %get3A_344 : i32 to index
      %get3A_346 = arith.constant 48 : index
      %get3A_347 = tpu.vector_load %arg9[%get3A_345, %get3A_346] {strides = array<i32>} : memref<8x256xf32, #tpu.memory_space<vmem>>, vector<1x16xf32>,
      %get3A_348 = vector.shape_cast %get3A_347 : vector<1x16xf32> to vector<16xf32>
      %get3A_349 = arith.constant 1 : i32
      %get3A_350 = arith.index_cast %get3A_349 : i32 to index
      %get3A_351 = arith.constant 48 : index
      %get3A_352 = tpu.vector_load %arg10[%get3A_350, %get3A_351] {strides = array<i32>} : memref<8x256xf32, #tpu.memory_space<vmem>>, vector<1x16xf32>,
      %get3A_353 = vector.shape_cast %get3A_352 : vector<1x16xf32> to vector<16xf32>
      %add3A_354 = arith.addf %get3A_348, %get3A_353 : vector<16xf32>
      %swap3A_355 = arith.constant 1 : i32
      %swap3A_356 = arith.index_cast %swap3A_355 : i32 to index
      %swap3A_357 = arith.constant 48 : index
      %swap3A_358 = tpu.vector_load %arg9[%swap3A_356, %swap3A_357] {strides = array<i32>} : memref<8x256xf32, #tpu.memory_space<vmem>>, vector<1x16xf32>,
      %swap3A_359 = vector.shape_cast %swap3A_358 : vector<1x16xf32> to vector<16xf32>
      %swap3A_360 = vector.shape_cast %add3A_354 : vector<16xf32> to vector<1x16xf32>
      tpu.vector_store %arg9[%swap3A_356, %swap3A_357], %swap3A_360 {strides = array<i32>} : memref<8x256xf32, #tpu.memory_space<vmem>>, vector<1x16xf32>,
      %get3A_361 = arith.constant 1 : i32
      %get3A_362 = arith.index_cast %get3A_361 : i32 to index
      %get3A_363 = arith.constant 64 : index
      %get3A_364 = tpu.vector_load %arg9[%get3A_362, %get3A_363] {strides = array<i32>} : memref<8x256xf32, #tpu.memory_space<vmem>>, vector<1x16xf32>,
      %get3A_365 = vector.shape_cast %get3A_364 : vector<1x16xf32> to vector<16xf32>
      %get3A_366 = arith.constant 1 : i32
      %get3A_367 = arith.index_cast %get3A_366 : i32 to index
      %get3A_368 = arith.constant 64 : index
      %get3A_369 = tpu.vector_load %arg10[%get3A_367, %get3A_368] {strides = array<i32>} : memref<8x256xf32, #tpu.memory_space<vmem>>, vector<1x16xf32>,
      %get3A_370 = vector.shape_cast %get3A_369 : vector<1x16xf32> to vector<16xf32>
      %add3A_371 = arith.addf %get3A_365, %get3A_370 : vector<16xf32>
      %swap3A_372 = arith.constant 1 : i32
      %swap3A_373 = arith.index_cast %swap3A_372 : i32 to index
      %swap3A_374 = arith.constant 64 : index
      %swap3A_375 = tpu.vector_load %arg9[%swap3A_373, %swap3A_374] {strides = array<i32>} : memref<8x256xf32, #tpu.memory_space<vmem>>, vector<1x16xf32>,
      %swap3A_376 = vector.shape_cast %swap3A_375 : vector<1x16xf32> to vector<16xf32>
      %swap3A_377 = vector.shape_cast %add3A_371 : vector<16xf32> to vector<1x16xf32>
      tpu.vector_store %arg9[%swap3A_373, %swap3A_374], %swap3A_377 {strides = array<i32>} : memref<8x256xf32, #tpu.memory_space<vmem>>, vector<1x16xf32>,
      %get3A_378 = arith.constant 1 : i32
      %get3A_379 = arith.index_cast %get3A_378 : i32 to index
      %get3A_380 = arith.constant 80 : index
      %get3A_381 = tpu.vector_load %arg9[%get3A_379, %get3A_380] {strides = array<i32>} : memref<8x256xf32, #tpu.memory_space<vmem>>, vector<1x16xf32>,
      %get3A_382 = vector.shape_cast %get3A_381 : vector<1x16xf32> to vector<16xf32>
      %get3A_383 = arith.constant 1 : i32
      %get3A_384 = arith.index_cast %get3A_383 : i32 to index
      %get3A_385 = arith.constant 80 : index
      %get3A_386 = tpu.vector_load %arg10[%get3A_384, %get3A_385] {strides = array<i32>} : memref<8x256xf32, #tpu.memory_space<vmem>>, vector<1x16xf32>,
      %get3A_387 = vector.shape_cast %get3A_386 : vector<1x16xf32> to vector<16xf32>
      %add3A_388 = arith.addf %get3A_382, %get3A_387 : vector<16xf32>
      %swap3A_389 = arith.constant 1 : i32
      %swap3A_390 = arith.index_cast %swap3A_389 : i32 to index
      %swap3A_391 = arith.constant 80 : index
      %swap3A_392 = tpu.vector_load %arg9[%swap3A_390, %swap3A_391] {strides = array<i32>} : memref<8x256xf32, #tpu.memory_space<vmem>>, vector<1x16xf32>,
      %swap3A_393 = vector.shape_cast %swap3A_392 : vector<1x16xf32> to vector<16xf32>
      %swap3A_394 = vector.shape_cast %add3A_388 : vector<16xf32> to vector<1x16xf32>
      tpu.vector_store %arg9[%swap3A_390, %swap3A_391], %swap3A_394 {strides = array<i32>} : memref<8x256xf32, #tpu.memory_space<vmem>>, vector<1x16xf32>,
      %get3A_395 = arith.constant 1 : i32
      %get3A_396 = arith.index_cast %get3A_395 : i32 to index
      %get3A_397 = arith.constant 96 : index
      %get3A_398 = tpu.vector_load %arg9[%get3A_396, %get3A_397] {strides = array<i32>} : memref<8x256xf32, #tpu.memory_space<vmem>>, vector<1x16xf32>,
      %get3A_399 = vector.shape_cast %get3A_398 : vector<1x16xf32> to vector<16xf32>
      %get3A_400 = arith.constant 1 : i32
      %get3A_401 = arith.index_cast %get3A_400 : i32 to index
      %get3A_402 = arith.constant 96 : index
      %get3A_403 = tpu.vector_load %arg10[%get3A_401, %get3A_402] {strides = array<i32>} : memref<8x256xf32, #tpu.memory_space<vmem>>, vector<1x16xf32>,
      %get3A_404 = vector.shape_cast %get3A_403 : vector<1x16xf32> to vector<16xf32>
      %add3A_405 = arith.addf %get3A_399, %get3A_404 : vector<16xf32>
      %swap3A_406 = arith.constant 1 : i32
      %swap3A_407 = arith.index_cast %swap3A_406 : i32 to index
      %swap3A_408 = arith.constant 96 : index
      %swap3A_409 = tpu.vector_load %arg9[%swap3A_407, %swap3A_408] {strides = array<i32>} : memref<8x256xf32, #tpu.memory_space<vmem>>, vector<1x16xf32>,
      %swap3A_410 = vector.shape_cast %swap3A_409 : vector<1x16xf32> to vector<16xf32>
      %swap3A_411 = vector.shape_cast %add3A_405 : vector<16xf32> to vector<1x16xf32>
      tpu.vector_store %arg9[%swap3A_407, %swap3A_408], %swap3A_411 {strides = array<i32>} : memref<8x256xf32, #tpu.memory_space<vmem>>, vector<1x16xf32>,
      %get3A_412 = arith.constant 1 : i32
      %get3A_413 = arith.index_cast %get3A_412 : i32 to index
      %get3A_414 = arith.constant 112 : index
      %get3A_415 = tpu.vector_load %arg9[%get3A_413, %get3A_414] {strides = array<i32>} : memref<8x256xf32, #tpu.memory_space<vmem>>, vector<1x16xf32>,
      %get3A_416 = vector.shape_cast %get3A_415 : vector<1x16xf32> to vector<16xf32>
      %get3A_417 = arith.constant 1 : i32
      %get3A_418 = arith.index_cast %get3A_417 : i32 to index
      %get3A_419 = arith.constant 112 : index
      %get3A_420 = tpu.vector_load %arg10[%get3A_418, %get3A_419] {strides = array<i32>} : memref<8x256xf32, #tpu.memory_space<vmem>>, vector<1x16xf32>,
      %get3A_421 = vector.shape_cast %get3A_420 : vector<1x16xf32> to vector<16xf32>
      %add3A_422 = arith.addf %get3A_416, %get3A_421 : vector<16xf32>
      %swap3A_423 = arith.constant 1 : i32
      %swap3A_424 = arith.index_cast %swap3A_423 : i32 to index
      %swap3A_425 = arith.constant 112 : index
      %swap3A_426 = tpu.vector_load %arg9[%swap3A_424, %swap3A_425] {strides = array<i32>} : memref<8x256xf32, #tpu.memory_space<vmem>>, vector<1x16xf32>,
      %swap3A_427 = vector.shape_cast %swap3A_426 : vector<1x16xf32> to vector<16xf32>
      %swap3A_428 = vector.shape_cast %add3A_422 : vector<16xf32> to vector<1x16xf32>
      tpu.vector_store %arg9[%swap3A_424, %swap3A_425], %swap3A_428 {strides = array<i32>} : memref<8x256xf32, #tpu.memory_space<vmem>>, vector<1x16xf32>,
      %get3A_429 = arith.constant 1 : i32
      %get3A_430 = arith.index_cast %get3A_429 : i32 to index
      %get3A_431 = arith.constant 128 : index
      %get3A_432 = tpu.vector_load %arg9[%get3A_430, %get3A_431] {strides = array<i32>} : memref<8x256xf32, #tpu.memory_space<vmem>>, vector<1x16xf32>,
      %get3A_433 = vector.shape_cast %get3A_432 : vector<1x16xf32> to vector<16xf32>
      %get3A_434 = arith.constant 1 : i32
      %get3A_435 = arith.index_cast %get3A_434 : i32 to index
      %get3A_436 = arith.constant 128 : index
      %get3A_437 = tpu.vector_load %arg10[%get3A_435, %get3A_436] {strides = array<i32>} : memref<8x256xf32, #tpu.memory_space<vmem>>, vector<1x16xf32>,
      %get3A_438 = vector.shape_cast %get3A_437 : vector<1x16xf32> to vector<16xf32>
      %add3A_439 = arith.addf %get3A_433, %get3A_438 : vector<16xf32>
      %swap3A_440 = arith.constant 1 : i32
      %swap3A_441 = arith.index_cast %swap3A_440 : i32 to index
      %swap3A_442 = arith.constant 128 : index
      %swap3A_443 = tpu.vector_load %arg9[%swap3A_441, %swap3A_442] {strides = array<i32>} : memref<8x256xf32, #tpu.memory_space<vmem>>, vector<1x16xf32>,
      %swap3A_444 = vector.shape_cast %swap3A_443 : vector<1x16xf32> to vector<16xf32>
      %swap3A_445 = vector.shape_cast %add3A_439 : vector<16xf32> to vector<1x16xf32>
      tpu.vector_store %arg9[%swap3A_441, %swap3A_442], %swap3A_445 {strides = array<i32>} : memref<8x256xf32, #tpu.memory_space<vmem>>, vector<1x16xf32>,
      %get3A_446 = arith.constant 1 : i32
      %get3A_447 = arith.index_cast %get3A_446 : i32 to index
      %get3A_448 = arith.constant 144 : index
      %get3A_449 = tpu.vector_load %arg9[%get3A_447, %get3A_448] {strides = array<i32>} : memref<8x256xf32, #tpu.memory_space<vmem>>, vector<1x16xf32>,
      %get3A_450 = vector.shape_cast %get3A_449 : vector<1x16xf32> to vector<16xf32>
      %get3A_451 = arith.constant 1 : i32
      %get3A_452 = arith.index_cast %get3A_451 : i32 to index
      %get3A_453 = arith.constant 144 : index
      %get3A_454 = tpu.vector_load %arg10[%get3A_452, %get3A_453] {strides = array<i32>} : memref<8x256xf32, #tpu.memory_space<vmem>>, vector<1x16xf32>,
      %get3A_455 = vector.shape_cast %get3A_454 : vector<1x16xf32> to vector<16xf32>
      %add3A_456 = arith.addf %get3A_450, %get3A_455 : vector<16xf32>
      %swap3A_457 = arith.constant 1 : i32
      %swap3A_458 = arith.index_cast %swap3A_457 : i32 to index
      %swap3A_459 = arith.constant 144 : index
      %swap3A_460 = tpu.vector_load %arg9[%swap3A_458, %swap3A_459] {strides = array<i32>} : memref<8x256xf32, #tpu.memory_space<vmem>>, vector<1x16xf32>,
      %swap3A_461 = vector.shape_cast %swap3A_460 : vector<1x16xf32> to vector<16xf32>
      %swap3A_462 = vector.shape_cast %add3A_456 : vector<16xf32> to vector<1x16xf32>
      tpu.vector_store %arg9[%swap3A_458, %swap3A_459], %swap3A_462 {strides = array<i32>} : memref<8x256xf32, #tpu.memory_space<vmem>>, vector<1x16xf32>,
      %get3A_463 = arith.constant 1 : i32
      %get3A_464 = arith.index_cast %get3A_463 : i32 to index
      %get3A_465 = arith.constant 160 : index
      %get3A_466 = tpu.vector_load %arg9[%get3A_464, %get3A_465] {strides = array<i32>} : memref<8x256xf32, #tpu.memory_space<vmem>>, vector<1x16xf32>,
      %get3A_467 = vector.shape_cast %get3A_466 : vector<1x16xf32> to vector<16xf32>
      %get3A_468 = arith.constant 1 : i32
      %get3A_469 = arith.index_cast %get3A_468 : i32 to index
      %get3A_470 = arith.constant 160 : index
      %get3A_471 = tpu.vector_load %arg10[%get3A_469, %get3A_470] {strides = array<i32>} : memref<8x256xf32, #tpu.memory_space<vmem>>, vector<1x16xf32>,
      %get3A_472 = vector.shape_cast %get3A_471 : vector<1x16xf32> to vector<16xf32>
      %add3A_473 = arith.addf %get3A_467, %get3A_472 : vector<16xf32>
      %swap3A_474 = arith.constant 1 : i32
      %swap3A_475 = arith.index_cast %swap3A_474 : i32 to index
      %swap3A_476 = arith.constant 160 : index
      %swap3A_477 = tpu.vector_load %arg9[%swap3A_475, %swap3A_476] {strides = array<i32>} : memref<8x256xf32, #tpu.memory_space<vmem>>, vector<1x16xf32>,
      %swap3A_478 = vector.shape_cast %swap3A_477 : vector<1x16xf32> to vector<16xf32>
      %swap3A_479 = vector.shape_cast %add3A_473 : vector<16xf32> to vector<1x16xf32>
      tpu.vector_store %arg9[%swap3A_475, %swap3A_476], %swap3A_479 {strides = array<i32>} : memref<8x256xf32, #tpu.memory_space<vmem>>, vector<1x16xf32>,
      %get3A_480 = arith.constant 1 : i32
      %get3A_481 = arith.index_cast %get3A_480 : i32 to index
      %get3A_482 = arith.constant 176 : index
      %get3A_483 = tpu.vector_load %arg9[%get3A_481, %get3A_482] {strides = array<i32>} : memref<8x256xf32, #tpu.memory_space<vmem>>, vector<1x16xf32>,
      %get3A_484 = vector.shape_cast %get3A_483 : vector<1x16xf32> to vector<16xf32>
      %get3A_485 = arith.constant 1 : i32
      %get3A_486 = arith.index_cast %get3A_485 : i32 to index
      %get3A_487 = arith.constant 176 : index
      %get3A_488 = tpu.vector_load %arg10[%get3A_486, %get3A_487] {strides = array<i32>} : memref<8x256xf32, #tpu.memory_space<vmem>>, vector<1x16xf32>,
      %get3A_489 = vector.shape_cast %get3A_488 : vector<1x16xf32> to vector<16xf32>
      %add3A_490 = arith.addf %get3A_484, %get3A_489 : vector<16xf32>
      %swap3A_491 = arith.constant 1 : i32
      %swap3A_492 = arith.index_cast %swap3A_491 : i32 to index
      %swap3A_493 = arith.constant 176 : index
      %swap3A_494 = tpu.vector_load %arg9[%swap3A_492, %swap3A_493] {strides = array<i32>} : memref<8x256xf32, #tpu.memory_space<vmem>>, vector<1x16xf32>,
      %swap3A_495 = vector.shape_cast %swap3A_494 : vector<1x16xf32> to vector<16xf32>
      %swap3A_496 = vector.shape_cast %add3A_490 : vector<16xf32> to vector<1x16xf32>
      tpu.vector_store %arg9[%swap3A_492, %swap3A_493], %swap3A_496 {strides = array<i32>} : memref<8x256xf32, #tpu.memory_space<vmem>>, vector<1x16xf32>,
      %get3A_497 = arith.constant 1 : i32
      %get3A_498 = arith.index_cast %get3A_497 : i32 to index
      %get3A_499 = arith.constant 192 : index
      %get3A_500 = tpu.vector_load %arg9[%get3A_498, %get3A_499] {strides = array<i32>} : memref<8x256xf32, #tpu.memory_space<vmem>>, vector<1x16xf32>,
      %get3A_501 = vector.shape_cast %get3A_500 : vector<1x16xf32> to vector<16xf32>
      %get3A_502 = arith.constant 1 : i32
      %get3A_503 = arith.index_cast %get3A_502 : i32 to index
      %get3A_504 = arith.constant 192 : index
      %get3A_505 = tpu.vector_load %arg10[%get3A_503, %get3A_504] {strides = array<i32>} : memref<8x256xf32, #tpu.memory_space<vmem>>, vector<1x16xf32>,
      %get3A_506 = vector.shape_cast %get3A_505 : vector<1x16xf32> to vector<16xf32>
      %add3A_507 = arith.addf %get3A_501, %get3A_506 : vector<16xf32>
      %swap3A_508 = arith.constant 1 : i32
      %swap3A_509 = arith.index_cast %swap3A_508 : i32 to index
      %swap3A_510 = arith.constant 192 : index
      %swap3A_511 = tpu.vector_load %arg9[%swap3A_509, %swap3A_510] {strides = array<i32>} : memref<8x256xf32, #tpu.memory_space<vmem>>, vector<1x16xf32>,
      %swap3A_512 = vector.shape_cast %swap3A_511 : vector<1x16xf32> to vector<16xf32>
      %swap3A_513 = vector.shape_cast %add3A_507 : vector<16xf32> to vector<1x16xf32>
      tpu.vector_store %arg9[%swap3A_509, %swap3A_510], %swap3A_513 {strides = array<i32>} : memref<8x256xf32, #tpu.memory_space<vmem>>, vector<1x16xf32>,
      %get3A_514 = arith.constant 1 : i32
      %get3A_515 = arith.index_cast %get3A_514 : i32 to index
      %get3A_516 = arith.constant 208 : index
      %get3A_517 = tpu.vector_load %arg9[%get3A_515, %get3A_516] {strides = array<i32>} : memref<8x256xf32, #tpu.memory_space<vmem>>, vector<1x16xf32>,
      %get3A_518 = vector.shape_cast %get3A_517 : vector<1x16xf32> to vector<16xf32>
      %get3A_519 = arith.constant 1 : i32
      %get3A_520 = arith.index_cast %get3A_519 : i32 to index
      %get3A_521 = arith.constant 208 : index
      %get3A_522 = tpu.vector_load %arg10[%get3A_520, %get3A_521] {strides = array<i32>} : memref<8x256xf32, #tpu.memory_space<vmem>>, vector<1x16xf32>,
      %get3A_523 = vector.shape_cast %get3A_522 : vector<1x16xf32> to vector<16xf32>
      %add3A_524 = arith.addf %get3A_518, %get3A_523 : vector<16xf32>
      %swap3A_525 = arith.constant 1 : i32
      %swap3A_526 = arith.index_cast %swap3A_525 : i32 to index
      %swap3A_527 = arith.constant 208 : index
      %swap3A_528 = tpu.vector_load %arg9[%swap3A_526, %swap3A_527] {strides = array<i32>} : memref<8x256xf32, #tpu.memory_space<vmem>>, vector<1x16xf32>,
      %swap3A_529 = vector.shape_cast %swap3A_528 : vector<1x16xf32> to vector<16xf32>
      %swap3A_530 = vector.shape_cast %add3A_524 : vector<16xf32> to vector<1x16xf32>
      tpu.vector_store %arg9[%swap3A_526, %swap3A_527], %swap3A_530 {strides = array<i32>} : memref<8x256xf32, #tpu.memory_space<vmem>>, vector<1x16xf32>,
      %get3A_531 = arith.constant 1 : i32
      %get3A_532 = arith.index_cast %get3A_531 : i32 to index
      %get3A_533 = arith.constant 224 : index
      %get3A_534 = tpu.vector_load %arg9[%get3A_532, %get3A_533] {strides = array<i32>} : memref<8x256xf32, #tpu.memory_space<vmem>>, vector<1x16xf32>,
      %get3A_535 = vector.shape_cast %get3A_534 : vector<1x16xf32> to vector<16xf32>
      %get3A_536 = arith.constant 1 : i32
      %get3A_537 = arith.index_cast %get3A_536 : i32 to index
      %get3A_538 = arith.constant 224 : index
      %get3A_539 = tpu.vector_load %arg10[%get3A_537, %get3A_538] {strides = array<i32>} : memref<8x256xf32, #tpu.memory_space<vmem>>, vector<1x16xf32>,
      %get3A_540 = vector.shape_cast %get3A_539 : vector<1x16xf32> to vector<16xf32>
      %add3A_541 = arith.addf %get3A_535, %get3A_540 : vector<16xf32>
      %swap3A_542 = arith.constant 1 : i32
      %swap3A_543 = arith.index_cast %swap3A_542 : i32 to index
      %swap3A_544 = arith.constant 224 : index
      %swap3A_545 = tpu.vector_load %arg9[%swap3A_543, %swap3A_544] {strides = array<i32>} : memref<8x256xf32, #tpu.memory_space<vmem>>, vector<1x16xf32>,
      %swap3A_546 = vector.shape_cast %swap3A_545 : vector<1x16xf32> to vector<16xf32>
      %swap3A_547 = vector.shape_cast %add3A_541 : vector<16xf32> to vector<1x16xf32>
      tpu.vector_store %arg9[%swap3A_543, %swap3A_544], %swap3A_547 {strides = array<i32>} : memref<8x256xf32, #tpu.memory_space<vmem>>, vector<1x16xf32>,
      %get3A_548 = arith.constant 1 : i32
      %get3A_549 = arith.index_cast %get3A_548 : i32 to index
      %get3A_550 = arith.constant 240 : index
      %get3A_551 = tpu.vector_load %arg9[%get3A_549, %get3A_550] {strides = array<i32>} : memref<8x256xf32, #tpu.memory_space<vmem>>, vector<1x16xf32>,
      %get3A_552 = vector.shape_cast %get3A_551 : vector<1x16xf32> to vector<16xf32>
      %get3A_553 = arith.constant 1 : i32
      %get3A_554 = arith.index_cast %get3A_553 : i32 to index
      %get3A_555 = arith.constant 240 : index
      %get3A_556 = tpu.vector_load %arg10[%get3A_554, %get3A_555] {strides = array<i32>} : memref<8x256xf32, #tpu.memory_space<vmem>>, vector<1x16xf32>,
      %get3A_557 = vector.shape_cast %get3A_556 : vector<1x16xf32> to vector<16xf32>
      %add3A_558 = arith.addf %get3A_552, %get3A_557 : vector<16xf32>
      %swap3A_559 = arith.constant 1 : i32
      %swap3A_560 = arith.index_cast %swap3A_559 : i32 to index
      %swap3A_561 = arith.constant 240 : index
      %swap3A_562 = tpu.vector_load %arg9[%swap3A_560, %swap3A_561] {strides = array<i32>} : memref<8x256xf32, #tpu.memory_space<vmem>>, vector<1x16xf32>,
      %swap3A_563 = vector.shape_cast %swap3A_562 : vector<1x16xf32> to vector<16xf32>
      %swap3A_564 = vector.shape_cast %add3A_558 : vector<16xf32> to vector<1x16xf32>
      tpu.vector_store %arg9[%swap3A_560, %swap3A_561], %swap3A_564 {strides = array<i32>} : memref<8x256xf32, #tpu.memory_space<vmem>>, vector<1x16xf32>,
      %get3A_565 = arith.constant 2 : i32
      %get3A_566 = arith.index_cast %get3A_565 : i32 to index
      %get3A_567 = arith.constant 0 : index
      %get3A_568 = tpu.vector_load %arg9[%get3A_566, %get3A_567] {strides = array<i32>} : memref<8x256xf32, #tpu.memory_space<vmem>>, vector<1x16xf32>,
      %get3A_569 = vector.shape_cast %get3A_568 : vector<1x16xf32> to vector<16xf32>
      %get3A_570 = arith.constant 2 : i32
      %get3A_571 = arith.index_cast %get3A_570 : i32 to index
      %get3A_572 = arith.constant 0 : index
      %get3A_573 = tpu.vector_load %arg10[%get3A_571, %get3A_572] {strides = array<i32>} : memref<8x256xf32, #tpu.memory_space<vmem>>, vector<1x16xf32>,
      %get3A_574 = vector.shape_cast %get3A_573 : vector<1x16xf32> to vector<16xf32>
      %add3A_575 = arith.addf %get3A_569, %get3A_574 : vector<16xf32>
      %swap3A_576 = arith.constant 2 : i32
      %swap3A_577 = arith.index_cast %swap3A_576 : i32 to index
      %swap3A_578 = arith.constant 0 : index
      %swap3A_579 = tpu.vector_load %arg9[%swap3A_577, %swap3A_578] {strides = array<i32>} : memref<8x256xf32, #tpu.memory_space<vmem>>, vector<1x16xf32>,
      %swap3A_580 = vector.shape_cast %swap3A_579 : vector<1x16xf32> to vector<16xf32>
      %swap3A_581 = vector.shape_cast %add3A_575 : vector<16xf32> to vector<1x16xf32>
      tpu.vector_store %arg9[%swap3A_577, %swap3A_578], %swap3A_581 {strides = array<i32>} : memref<8x256xf32, #tpu.memory_space<vmem>>, vector<1x16xf32>,
      %get3A_582 = arith.constant 2 : i32
      %get3A_583 = arith.index_cast %get3A_582 : i32 to index
      %get3A_584 = arith.constant 16 : index
      %get3A_585 = tpu.vector_load %arg9[%get3A_583, %get3A_584] {strides = array<i32>} : memref<8x256xf32, #tpu.memory_space<vmem>>, vector<1x16xf32>,
      %get3A_586 = vector.shape_cast %get3A_585 : vector<1x16xf32> to vector<16xf32>
      %get3A_587 = arith.constant 2 : i32
      %get3A_588 = arith.index_cast %get3A_587 : i32 to index
      %get3A_589 = arith.constant 16 : index
      %get3A_590 = tpu.vector_load %arg10[%get3A_588, %get3A_589] {strides = array<i32>} : memref<8x256xf32, #tpu.memory_space<vmem>>, vector<1x16xf32>,
      %get3A_591 = vector.shape_cast %get3A_590 : vector<1x16xf32> to vector<16xf32>
      %add3A_592 = arith.addf %get3A_586, %get3A_591 : vector<16xf32>
      %swap3A_593 = arith.constant 2 : i32
      %swap3A_594 = arith.index_cast %swap3A_593 : i32 to index
      %swap3A_595 = arith.constant 16 : index
      %swap3A_596 = tpu.vector_load %arg9[%swap3A_594, %swap3A_595] {strides = array<i32>} : memref<8x256xf32, #tpu.memory_space<vmem>>, vector<1x16xf32>,
      %swap3A_597 = vector.shape_cast %swap3A_596 : vector<1x16xf32> to vector<16xf32>
      %swap3A_598 = vector.shape_cast %add3A_592 : vector<16xf32> to vector<1x16xf32>
      tpu.vector_store %arg9[%swap3A_594, %swap3A_595], %swap3A_598 {strides = array<i32>} : memref<8x256xf32, #tpu.memory_space<vmem>>, vector<1x16xf32>,
      %get3A_599 = arith.constant 2 : i32
      %get3A_600 = arith.index_cast %get3A_599 : i32 to index
      %get3A_601 = arith.constant 32 : index
      %get3A_602 = tpu.vector_load %arg9[%get3A_600, %get3A_601] {strides = array<i32>} : memref<8x256xf32, #tpu.memory_space<vmem>>, vector<1x16xf32>,
      %get3A_603 = vector.shape_cast %get3A_602 : vector<1x16xf32> to vector<16xf32>
      %get3A_604 = arith.constant 2 : i32
      %get3A_605 = arith.index_cast %get3A_604 : i32 to index
      %get3A_606 = arith.constant 32 : index
      %get3A_607 = tpu.vector_load %arg10[%get3A_605, %get3A_606] {strides = array<i32>} : memref<8x256xf32, #tpu.memory_space<vmem>>, vector<1x16xf32>,
      %get3A_608 = vector.shape_cast %get3A_607 : vector<1x16xf32> to vector<16xf32>
      %add3A_609 = arith.addf %get3A_603, %get3A_608 : vector<16xf32>
      %swap3A_610 = arith.constant 2 : i32
      %swap3A_611 = arith.index_cast %swap3A_610 : i32 to index
      %swap3A_612 = arith.constant 32 : index
      %swap3A_613 = tpu.vector_load %arg9[%swap3A_611, %swap3A_612] {strides = array<i32>} : memref<8x256xf32, #tpu.memory_space<vmem>>, vector<1x16xf32>,
      %swap3A_614 = vector.shape_cast %swap3A_613 : vector<1x16xf32> to vector<16xf32>
      %swap3A_615 = vector.shape_cast %add3A_609 : vector<16xf32> to vector<1x16xf32>
      tpu.vector_store %arg9[%swap3A_611, %swap3A_612], %swap3A_615 {strides = array<i32>} : memref<8x256xf32, #tpu.memory_space<vmem>>, vector<1x16xf32>,
      %get3A_616 = arith.constant 2 : i32
      %get3A_617 = arith.index_cast %get3A_616 : i32 to index
      %get3A_618 = arith.constant 48 : index
      %get3A_619 = tpu.vector_load %arg9[%get3A_617, %get3A_618] {strides = array<i32>} : memref<8x256xf32, #tpu.memory_space<vmem>>, vector<1x16xf32>,
      %get3A_620 = vector.shape_cast %get3A_619 : vector<1x16xf32> to vector<16xf32>
      %get3A_621 = arith.constant 2 : i32
      %get3A_622 = arith.index_cast %get3A_621 : i32 to index
      %get3A_623 = arith.constant 48 : index
      %get3A_624 = tpu.vector_load %arg10[%get3A_622, %get3A_623] {strides = array<i32>} : memref<8x256xf32, #tpu.memory_space<vmem>>, vector<1x16xf32>,
      %get3A_625 = vector.shape_cast %get3A_624 : vector<1x16xf32> to vector<16xf32>
      %add3A_626 = arith.addf %get3A_620, %get3A_625 : vector<16xf32>
      %swap3A_627 = arith.constant 2 : i32
      %swap3A_628 = arith.index_cast %swap3A_627 : i32 to index
      %swap3A_629 = arith.constant 48 : index
      %swap3A_630 = tpu.vector_load %arg9[%swap3A_628, %swap3A_629] {strides = array<i32>} : memref<8x256xf32, #tpu.memory_space<vmem>>, vector<1x16xf32>,
      %swap3A_631 = vector.shape_cast %swap3A_630 : vector<1x16xf32> to vector<16xf32>
      %swap3A_632 = vector.shape_cast %add3A_626 : vector<16xf32> to vector<1x16xf32>
      tpu.vector_store %arg9[%swap3A_628, %swap3A_629], %swap3A_632 {strides = array<i32>} : memref<8x256xf32, #tpu.memory_space<vmem>>, vector<1x16xf32>,
      %get3A_633 = arith.constant 2 : i32
      %get3A_634 = arith.index_cast %get3A_633 : i32 to index
      %get3A_635 = arith.constant 64 : index
      %get3A_636 = tpu.vector_load %arg9[%get3A_634, %get3A_635] {strides = array<i32>} : memref<8x256xf32, #tpu.memory_space<vmem>>, vector<1x16xf32>,
      %get3A_637 = vector.shape_cast %get3A_636 : vector<1x16xf32> to vector<16xf32>
      %get3A_638 = arith.constant 2 : i32
      %get3A_639 = arith.index_cast %get3A_638 : i32 to index
      %get3A_640 = arith.constant 64 : index
      %get3A_641 = tpu.vector_load %arg10[%get3A_639, %get3A_640] {strides = array<i32>} : memref<8x256xf32, #tpu.memory_space<vmem>>, vector<1x16xf32>,
      %get3A_642 = vector.shape_cast %get3A_641 : vector<1x16xf32> to vector<16xf32>
      %add3A_643 = arith.addf %get3A_637, %get3A_642 : vector<16xf32>
      %swap3A_644 = arith.constant 2 : i32
      %swap3A_645 = arith.index_cast %swap3A_644 : i32 to index
      %swap3A_646 = arith.constant 64 : index
      %swap3A_647 = tpu.vector_load %arg9[%swap3A_645, %swap3A_646] {strides = array<i32>} : memref<8x256xf32, #tpu.memory_space<vmem>>, vector<1x16xf32>,
      %swap3A_648 = vector.shape_cast %swap3A_647 : vector<1x16xf32> to vector<16xf32>
      %swap3A_649 = vector.shape_cast %add3A_643 : vector<16xf32> to vector<1x16xf32>
      tpu.vector_store %arg9[%swap3A_645, %swap3A_646], %swap3A_649 {strides = array<i32>} : memref<8x256xf32, #tpu.memory_space<vmem>>, vector<1x16xf32>,
      %get3A_650 = arith.constant 2 : i32
      %get3A_651 = arith.index_cast %get3A_650 : i32 to index
      %get3A_652 = arith.constant 80 : index
      %get3A_653 = tpu.vector_load %arg9[%get3A_651, %get3A_652] {strides = array<i32>} : memref<8x256xf32, #tpu.memory_space<vmem>>, vector<1x16xf32>,
      %get3A_654 = vector.shape_cast %get3A_653 : vector<1x16xf32> to vector<16xf32>
      %get3A_655 = arith.constant 2 : i32
      %get3A_656 = arith.index_cast %get3A_655 : i32 to index
      %get3A_657 = arith.constant 80 : index
      %get3A_658 = tpu.vector_load %arg10[%get3A_656, %get3A_657] {strides = array<i32>} : memref<8x256xf32, #tpu.memory_space<vmem>>, vector<1x16xf32>,
      %get3A_659 = vector.shape_cast %get3A_658 : vector<1x16xf32> to vector<16xf32>
      %add3A_660 = arith.addf %get3A_654, %get3A_659 : vector<16xf32>
      %swap3A_661 = arith.constant 2 : i32
      %swap3A_662 = arith.index_cast %swap3A_661 : i32 to index
      %swap3A_663 = arith.constant 80 : index
      %swap3A_664 = tpu.vector_load %arg9[%swap3A_662, %swap3A_663] {strides = array<i32>} : memref<8x256xf32, #tpu.memory_space<vmem>>, vector<1x16xf32>,
      %swap3A_665 = vector.shape_cast %swap3A_664 : vector<1x16xf32> to vector<16xf32>
      %swap3A_666 = vector.shape_cast %add3A_660 : vector<16xf32> to vector<1x16xf32>
      tpu.vector_store %arg9[%swap3A_662, %swap3A_663], %swap3A_666 {strides = array<i32>} : memref<8x256xf32, #tpu.memory_space<vmem>>, vector<1x16xf32>,
      %get3A_667 = arith.constant 2 : i32
      %get3A_668 = arith.index_cast %get3A_667 : i32 to index
      %get3A_669 = arith.constant 96 : index
      %get3A_670 = tpu.vector_load %arg9[%get3A_668, %get3A_669] {strides = array<i32>} : memref<8x256xf32, #tpu.memory_space<vmem>>, vector<1x16xf32>,
      %get3A_671 = vector.shape_cast %get3A_670 : vector<1x16xf32> to vector<16xf32>
      %get3A_672 = arith.constant 2 : i32
      %get3A_673 = arith.index_cast %get3A_672 : i32 to index
      %get3A_674 = arith.constant 96 : index
      %get3A_675 = tpu.vector_load %arg10[%get3A_673, %get3A_674] {strides = array<i32>} : memref<8x256xf32, #tpu.memory_space<vmem>>, vector<1x16xf32>,
      %get3A_676 = vector.shape_cast %get3A_675 : vector<1x16xf32> to vector<16xf32>
      %add3A_677 = arith.addf %get3A_671, %get3A_676 : vector<16xf32>
      %swap3A_678 = arith.constant 2 : i32
      %swap3A_679 = arith.index_cast %swap3A_678 : i32 to index
      %swap3A_680 = arith.constant 96 : index
      %swap3A_681 = tpu.vector_load %arg9[%swap3A_679, %swap3A_680] {strides = array<i32>} : memref<8x256xf32, #tpu.memory_space<vmem>>, vector<1x16xf32>,
      %swap3A_682 = vector.shape_cast %swap3A_681 : vector<1x16xf32> to vector<16xf32>
      %swap3A_683 = vector.shape_cast %add3A_677 : vector<16xf32> to vector<1x16xf32>
      tpu.vector_store %arg9[%swap3A_679, %swap3A_680], %swap3A_683 {strides = array<i32>} : memref<8x256xf32, #tpu.memory_space<vmem>>, vector<1x16xf32>,
      %get3A_684 = arith.constant 2 : i32
      %get3A_685 = arith.index_cast %get3A_684 : i32 to index
      %get3A_686 = arith.constant 112 : index
      %get3A_687 = tpu.vector_load %arg9[%get3A_685, %get3A_686] {strides = array<i32>} : memref<8x256xf32, #tpu.memory_space<vmem>>, vector<1x16xf32>,
      %get3A_688 = vector.shape_cast %get3A_687 : vector<1x16xf32> to vector<16xf32>
      %get3A_689 = arith.constant 2 : i32
      %get3A_690 = arith.index_cast %get3A_689 : i32 to index
      %get3A_691 = arith.constant 112 : index
      %get3A_692 = tpu.vector_load %arg10[%get3A_690, %get3A_691] {strides = array<i32>} : memref<8x256xf32, #tpu.memory_space<vmem>>, vector<1x16xf32>,
      %get3A_693 = vector.shape_cast %get3A_692 : vector<1x16xf32> to vector<16xf32>
      %add3A_694 = arith.addf %get3A_688, %get3A_693 : vector<16xf32>
      %swap3A_695 = arith.constant 2 : i32
      %swap3A_696 = arith.index_cast %swap3A_695 : i32 to index
      %swap3A_697 = arith.constant 112 : index
      %swap3A_698 = tpu.vector_load %arg9[%swap3A_696, %swap3A_697] {strides = array<i32>} : memref<8x256xf32, #tpu.memory_space<vmem>>, vector<1x16xf32>,
      %swap3A_699 = vector.shape_cast %swap3A_698 : vector<1x16xf32> to vector<16xf32>
      %swap3A_700 = vector.shape_cast %add3A_694 : vector<16xf32> to vector<1x16xf32>
      tpu.vector_store %arg9[%swap3A_696, %swap3A_697], %swap3A_700 {strides = array<i32>} : memref<8x256xf32, #tpu.memory_space<vmem>>, vector<1x16xf32>,
      %get3A_701 = arith.constant 2 : i32
      %get3A_702 = arith.index_cast %get3A_701 : i32 to index
      %get3A_703 = arith.constant 128 : index
      %get3A_704 = tpu.vector_load %arg9[%get3A_702, %get3A_703] {strides = array<i32>} : memref<8x256xf32, #tpu.memory_space<vmem>>, vector<1x16xf32>,
      %get3A_705 = vector.shape_cast %get3A_704 : vector<1x16xf32> to vector<16xf32>
      %get3A_706 = arith.constant 2 : i32
      %get3A_707 = arith.index_cast %get3A_706 : i32 to index
      %get3A_708 = arith.constant 128 : index
      %get3A_709 = tpu.vector_load %arg10[%get3A_707, %get3A_708] {strides = array<i32>} : memref<8x256xf32, #tpu.memory_space<vmem>>, vector<1x16xf32>,
      %get3A_710 = vector.shape_cast %get3A_709 : vector<1x16xf32> to vector<16xf32>
      %add3A_711 = arith.addf %get3A_705, %get3A_710 : vector<16xf32>
      %swap3A_712 = arith.constant 2 : i32
      %swap3A_713 = arith.index_cast %swap3A_712 : i32 to index
      %swap3A_714 = arith.constant 128 : index
      %swap3A_715 = tpu.vector_load %arg9[%swap3A_713, %swap3A_714] {strides = array<i32>} : memref<8x256xf32, #tpu.memory_space<vmem>>, vector<1x16xf32>,
      %swap3A_716 = vector.shape_cast %swap3A_715 : vector<1x16xf32> to vector<16xf32>
      %swap3A_717 = vector.shape_cast %add3A_711 : vector<16xf32> to vector<1x16xf32>
      tpu.vector_store %arg9[%swap3A_713, %swap3A_714], %swap3A_717 {strides = array<i32>} : memref<8x256xf32, #tpu.memory_space<vmem>>, vector<1x16xf32>,
      %get3A_718 = arith.constant 2 : i32
      %get3A_719 = arith.index_cast %get3A_718 : i32 to index
      %get3A_720 = arith.constant 144 : index
      %get3A_721 = tpu.vector_load %arg9[%get3A_719, %get3A_720] {strides = array<i32>} : memref<8x256xf32, #tpu.memory_space<vmem>>, vector<1x16xf32>,
      %get3A_722 = vector.shape_cast %get3A_721 : vector<1x16xf32> to vector<16xf32>
      %get3A_723 = arith.constant 2 : i32
      %get3A_724 = arith.index_cast %get3A_723 : i32 to index
      %get3A_725 = arith.constant 144 : index
      %get3A_726 = tpu.vector_load %arg10[%get3A_724, %get3A_725] {strides = array<i32>} : memref<8x256xf32, #tpu.memory_space<vmem>>, vector<1x16xf32>,
      %get3A_727 = vector.shape_cast %get3A_726 : vector<1x16xf32> to vector<16xf32>
      %add3A_728 = arith.addf %get3A_722, %get3A_727 : vector<16xf32>
      %swap3A_729 = arith.constant 2 : i32
      %swap3A_730 = arith.index_cast %swap3A_729 : i32 to index
      %swap3A_731 = arith.constant 144 : index
      %swap3A_732 = tpu.vector_load %arg9[%swap3A_730, %swap3A_731] {strides = array<i32>} : memref<8x256xf32, #tpu.memory_space<vmem>>, vector<1x16xf32>,
      %swap3A_733 = vector.shape_cast %swap3A_732 : vector<1x16xf32> to vector<16xf32>
      %swap3A_734 = vector.shape_cast %add3A_728 : vector<16xf32> to vector<1x16xf32>
      tpu.vector_store %arg9[%swap3A_730, %swap3A_731], %swap3A_734 {strides = array<i32>} : memref<8x256xf32, #tpu.memory_space<vmem>>, vector<1x16xf32>,
      %get3A_735 = arith.constant 2 : i32
      %get3A_736 = arith.index_cast %get3A_735 : i32 to index
      %get3A_737 = arith.constant 160 : index
      %get3A_738 = tpu.vector_load %arg9[%get3A_736, %get3A_737] {strides = array<i32>} : memref<8x256xf32, #tpu.memory_space<vmem>>, vector<1x16xf32>,
      %get3A_739 = vector.shape_cast %get3A_738 : vector<1x16xf32> to vector<16xf32>
      %get3A_740 = arith.constant 2 : i32
      %get3A_741 = arith.index_cast %get3A_740 : i32 to index
      %get3A_742 = arith.constant 160 : index
      %get3A_743 = tpu.vector_load %arg10[%get3A_741, %get3A_742] {strides = array<i32>} : memref<8x256xf32, #tpu.memory_space<vmem>>, vector<1x16xf32>,
      %get3A_744 = vector.shape_cast %get3A_743 : vector<1x16xf32> to vector<16xf32>
      %add3A_745 = arith.addf %get3A_739, %get3A_744 : vector<16xf32>
      %swap3A_746 = arith.constant 2 : i32
      %swap3A_747 = arith.index_cast %swap3A_746 : i32 to index
      %swap3A_748 = arith.constant 160 : index
      %swap3A_749 = tpu.vector_load %arg9[%swap3A_747, %swap3A_748] {strides = array<i32>} : memref<8x256xf32, #tpu.memory_space<vmem>>, vector<1x16xf32>,
      %swap3A_750 = vector.shape_cast %swap3A_749 : vector<1x16xf32> to vector<16xf32>
      %swap3A_751 = vector.shape_cast %add3A_745 : vector<16xf32> to vector<1x16xf32>
      tpu.vector_store %arg9[%swap3A_747, %swap3A_748], %swap3A_751 {strides = array<i32>} : memref<8x256xf32, #tpu.memory_space<vmem>>, vector<1x16xf32>,
      %get3A_752 = arith.constant 2 : i32
      %get3A_753 = arith.index_cast %get3A_752 : i32 to index
      %get3A_754 = arith.constant 176 : index
      %get3A_755 = tpu.vector_load %arg9[%get3A_753, %get3A_754] {strides = array<i32>} : memref<8x256xf32, #tpu.memory_space<vmem>>, vector<1x16xf32>,
      %get3A_756 = vector.shape_cast %get3A_755 : vector<1x16xf32> to vector<16xf32>
      %get3A_757 = arith.constant 2 : i32
      %get3A_758 = arith.index_cast %get3A_757 : i32 to index
      %get3A_759 = arith.constant 176 : index
      %get3A_760 = tpu.vector_load %arg10[%get3A_758, %get3A_759] {strides = array<i32>} : memref<8x256xf32, #tpu.memory_space<vmem>>, vector<1x16xf32>,
      %get3A_761 = vector.shape_cast %get3A_760 : vector<1x16xf32> to vector<16xf32>
      %add3A_762 = arith.addf %get3A_756, %get3A_761 : vector<16xf32>
      %swap3A_763 = arith.constant 2 : i32
      %swap3A_764 = arith.index_cast %swap3A_763 : i32 to index
      %swap3A_765 = arith.constant 176 : index
      %swap3A_766 = tpu.vector_load %arg9[%swap3A_764, %swap3A_765] {strides = array<i32>} : memref<8x256xf32, #tpu.memory_space<vmem>>, vector<1x16xf32>,
      %swap3A_767 = vector.shape_cast %swap3A_766 : vector<1x16xf32> to vector<16xf32>
      %swap3A_768 = vector.shape_cast %add3A_762 : vector<16xf32> to vector<1x16xf32>
      tpu.vector_store %arg9[%swap3A_764, %swap3A_765], %swap3A_768 {strides = array<i32>} : memref<8x256xf32, #tpu.memory_space<vmem>>, vector<1x16xf32>,
      %get3A_769 = arith.constant 2 : i32
      %get3A_770 = arith.index_cast %get3A_769 : i32 to index
      %get3A_771 = arith.constant 192 : index
      %get3A_772 = tpu.vector_load %arg9[%get3A_770, %get3A_771] {strides = array<i32>} : memref<8x256xf32, #tpu.memory_space<vmem>>, vector<1x16xf32>,
      %get3A_773 = vector.shape_cast %get3A_772 : vector<1x16xf32> to vector<16xf32>
      %get3A_774 = arith.constant 2 : i32
      %get3A_775 = arith.index_cast %get3A_774 : i32 to index
      %get3A_776 = arith.constant 192 : index
      %get3A_777 = tpu.vector_load %arg10[%get3A_775, %get3A_776] {strides = array<i32>} : memref<8x256xf32, #tpu.memory_space<vmem>>, vector<1x16xf32>,
      %get3A_778 = vector.shape_cast %get3A_777 : vector<1x16xf32> to vector<16xf32>
      %add3A_779 = arith.addf %get3A_773, %get3A_778 : vector<16xf32>
      %swap3A_780 = arith.constant 2 : i32
      %swap3A_781 = arith.index_cast %swap3A_780 : i32 to index
      %swap3A_782 = arith.constant 192 : index
      %swap3A_783 = tpu.vector_load %arg9[%swap3A_781, %swap3A_782] {strides = array<i32>} : memref<8x256xf32, #tpu.memory_space<vmem>>, vector<1x16xf32>,
      %swap3A_784 = vector.shape_cast %swap3A_783 : vector<1x16xf32> to vector<16xf32>
      %swap3A_785 = vector.shape_cast %add3A_779 : vector<16xf32> to vector<1x16xf32>
      tpu.vector_store %arg9[%swap3A_781, %swap3A_782], %swap3A_785 {strides = array<i32>} : memref<8x256xf32, #tpu.memory_space<vmem>>, vector<1x16xf32>,
      %get3A_786 = arith.constant 2 : i32
      %get3A_787 = arith.index_cast %get3A_786 : i32 to index
      %get3A_788 = arith.constant 208 : index
      %get3A_789 = tpu.vector_load %arg9[%get3A_787, %get3A_788] {strides = array<i32>} : memref<8x256xf32, #tpu.memory_space<vmem>>, vector<1x16xf32>,
      %get3A_790 = vector.shape_cast %get3A_789 : vector<1x16xf32> to vector<16xf32>
      %get3A_791 = arith.constant 2 : i32
      %get3A_792 = arith.index_cast %get3A_791 : i32 to index
      %get3A_793 = arith.constant 208 : index
      %get3A_794 = tpu.vector_load %arg10[%get3A_792, %get3A_793] {strides = array<i32>} : memref<8x256xf32, #tpu.memory_space<vmem>>, vector<1x16xf32>,
      %get3A_795 = vector.shape_cast %get3A_794 : vector<1x16xf32> to vector<16xf32>
      %add3A_796 = arith.addf %get3A_790, %get3A_795 : vector<16xf32>
      %swap3A_797 = arith.constant 2 : i32
      %swap3A_798 = arith.index_cast %swap3A_797 : i32 to index
      %swap3A_799 = arith.constant 208 : index
      %swap3A_800 = tpu.vector_load %arg9[%swap3A_798, %swap3A_799] {strides = array<i32>} : memref<8x256xf32, #tpu.memory_space<vmem>>, vector<1x16xf32>,
      %swap3A_801 = vector.shape_cast %swap3A_800 : vector<1x16xf32> to vector<16xf32>
      %swap3A_802 = vector.shape_cast %add3A_796 : vector<16xf32> to vector<1x16xf32>
      tpu.vector_store %arg9[%swap3A_798, %swap3A_799], %swap3A_802 {strides = array<i32>} : memref<8x256xf32, #tpu.memory_space<vmem>>, vector<1x16xf32>,
      %get3A_803 = arith.constant 2 : i32
      %get3A_804 = arith.index_cast %get3A_803 : i32 to index
      %get3A_805 = arith.constant 224 : index
      %get3A_806 = tpu.vector_load %arg9[%get3A_804, %get3A_805] {strides = array<i32>} : memref<8x256xf32, #tpu.memory_space<vmem>>, vector<1x16xf32>,
      %get3A_807 = vector.shape_cast %get3A_806 : vector<1x16xf32> to vector<16xf32>
      %get3A_808 = arith.constant 2 : i32
      %get3A_809 = arith.index_cast %get3A_808 : i32 to index
      %get3A_810 = arith.constant 224 : index
      %get3A_811 = tpu.vector_load %arg10[%get3A_809, %get3A_810] {strides = array<i32>} : memref<8x256xf32, #tpu.memory_space<vmem>>, vector<1x16xf32>,
      %get3A_812 = vector.shape_cast %get3A_811 : vector<1x16xf32> to vector<16xf32>
      %add3A_813 = arith.addf %get3A_807, %get3A_812 : vector<16xf32>
      %swap3A_814 = arith.constant 2 : i32
      %swap3A_815 = arith.index_cast %swap3A_814 : i32 to index
      %swap3A_816 = arith.constant 224 : index
      %swap3A_817 = tpu.vector_load %arg9[%swap3A_815, %swap3A_816] {strides = array<i32>} : memref<8x256xf32, #tpu.memory_space<vmem>>, vector<1x16xf32>,
      %swap3A_818 = vector.shape_cast %swap3A_817 : vector<1x16xf32> to vector<16xf32>
      %swap3A_819 = vector.shape_cast %add3A_813 : vector<16xf32> to vector<1x16xf32>
      tpu.vector_store %arg9[%swap3A_815, %swap3A_816], %swap3A_819 {strides = array<i32>} : memref<8x256xf32, #tpu.memory_space<vmem>>, vector<1x16xf32>,
      %get3A_820 = arith.constant 2 : i32
      %get3A_821 = arith.index_cast %get3A_820 : i32 to index
      %get3A_822 = arith.constant 240 : index
      %get3A_823 = tpu.vector_load %arg9[%get3A_821, %get3A_822] {strides = array<i32>} : memref<8x256xf32, #tpu.memory_space<vmem>>, vector<1x16xf32>,
      %get3A_824 = vector.shape_cast %get3A_823 : vector<1x16xf32> to vector<16xf32>
      %get3A_825 = arith.constant 2 : i32
      %get3A_826 = arith.index_cast %get3A_825 : i32 to index
      %get3A_827 = arith.constant 240 : index
      %get3A_828 = tpu.vector_load %arg10[%get3A_826, %get3A_827] {strides = array<i32>} : memref<8x256xf32, #tpu.memory_space<vmem>>, vector<1x16xf32>,
      %get3A_829 = vector.shape_cast %get3A_828 : vector<1x16xf32> to vector<16xf32>
      %add3A_830 = arith.addf %get3A_824, %get3A_829 : vector<16xf32>
      %swap3A_831 = arith.constant 2 : i32
      %swap3A_832 = arith.index_cast %swap3A_831 : i32 to index
      %swap3A_833 = arith.constant 240 : index
      %swap3A_834 = tpu.vector_load %arg9[%swap3A_832, %swap3A_833] {strides = array<i32>} : memref<8x256xf32, #tpu.memory_space<vmem>>, vector<1x16xf32>,
      %swap3A_835 = vector.shape_cast %swap3A_834 : vector<1x16xf32> to vector<16xf32>
      %swap3A_836 = vector.shape_cast %add3A_830 : vector<16xf32> to vector<1x16xf32>
      tpu.vector_store %arg9[%swap3A_832, %swap3A_833], %swap3A_836 {strides = array<i32>} : memref<8x256xf32, #tpu.memory_space<vmem>>, vector<1x16xf32>,
      %get3A_837 = arith.constant 3 : i32
      %get3A_838 = arith.index_cast %get3A_837 : i32 to index
      %get3A_839 = arith.constant 0 : index
      %get3A_840 = tpu.vector_load %arg9[%get3A_838, %get3A_839] {strides = array<i32>} : memref<8x256xf32, #tpu.memory_space<vmem>>, vector<1x16xf32>,
      %get3A_841 = vector.shape_cast %get3A_840 : vector<1x16xf32> to vector<16xf32>
      %get3A_842 = arith.constant 3 : i32
      %get3A_843 = arith.index_cast %get3A_842 : i32 to index
      %get3A_844 = arith.constant 0 : index
      %get3A_845 = tpu.vector_load %arg10[%get3A_843, %get3A_844] {strides = array<i32>} : memref<8x256xf32, #tpu.memory_space<vmem>>, vector<1x16xf32>,
      %get3A_846 = vector.shape_cast %get3A_845 : vector<1x16xf32> to vector<16xf32>
      %add3A_847 = arith.addf %get3A_841, %get3A_846 : vector<16xf32>
      %swap3A_848 = arith.constant 3 : i32
      %swap3A_849 = arith.index_cast %swap3A_848 : i32 to index
      %swap3A_850 = arith.constant 0 : index
      %swap3A_851 = tpu.vector_load %arg9[%swap3A_849, %swap3A_850] {strides = array<i32>} : memref<8x256xf32, #tpu.memory_space<vmem>>, vector<1x16xf32>,
      %swap3A_852 = vector.shape_cast %swap3A_851 : vector<1x16xf32> to vector<16xf32>
      %swap3A_853 = vector.shape_cast %add3A_847 : vector<16xf32> to vector<1x16xf32>
      tpu.vector_store %arg9[%swap3A_849, %swap3A_850], %swap3A_853 {strides = array<i32>} : memref<8x256xf32, #tpu.memory_space<vmem>>, vector<1x16xf32>,
      %get3A_854 = arith.constant 3 : i32
      %get3A_855 = arith.index_cast %get3A_854 : i32 to index
      %get3A_856 = arith.constant 16 : index
      %get3A_857 = tpu.vector_load %arg9[%get3A_855, %get3A_856] {strides = array<i32>} : memref<8x256xf32, #tpu.memory_space<vmem>>, vector<1x16xf32>,
      %get3A_858 = vector.shape_cast %get3A_857 : vector<1x16xf32> to vector<16xf32>
      %get3A_859 = arith.constant 3 : i32
      %get3A_860 = arith.index_cast %get3A_859 : i32 to index
      %get3A_861 = arith.constant 16 : index
      %get3A_862 = tpu.vector_load %arg10[%get3A_860, %get3A_861] {strides = array<i32>} : memref<8x256xf32, #tpu.memory_space<vmem>>, vector<1x16xf32>,
      %get3A_863 = vector.shape_cast %get3A_862 : vector<1x16xf32> to vector<16xf32>
      %add3A_864 = arith.addf %get3A_858, %get3A_863 : vector<16xf32>
      %swap3A_865 = arith.constant 3 : i32
      %swap3A_866 = arith.index_cast %swap3A_865 : i32 to index
      %swap3A_867 = arith.constant 16 : index
      %swap3A_868 = tpu.vector_load %arg9[%swap3A_866, %swap3A_867] {strides = array<i32>} : memref<8x256xf32, #tpu.memory_space<vmem>>, vector<1x16xf32>,
      %swap3A_869 = vector.shape_cast %swap3A_868 : vector<1x16xf32> to vector<16xf32>
      %swap3A_870 = vector.shape_cast %add3A_864 : vector<16xf32> to vector<1x16xf32>
      tpu.vector_store %arg9[%swap3A_866, %swap3A_867], %swap3A_870 {strides = array<i32>} : memref<8x256xf32, #tpu.memory_space<vmem>>, vector<1x16xf32>,
      %get3A_871 = arith.constant 3 : i32
      %get3A_872 = arith.index_cast %get3A_871 : i32 to index
      %get3A_873 = arith.constant 32 : index
      %get3A_874 = tpu.vector_load %arg9[%get3A_872, %get3A_873] {strides = array<i32>} : memref<8x256xf32, #tpu.memory_space<vmem>>, vector<1x16xf32>,
      %get3A_875 = vector.shape_cast %get3A_874 : vector<1x16xf32> to vector<16xf32>
      %get3A_876 = arith.constant 3 : i32
      %get3A_877 = arith.index_cast %get3A_876 : i32 to index
      %get3A_878 = arith.constant 32 : index
      %get3A_879 = tpu.vector_load %arg10[%get3A_877, %get3A_878] {strides = array<i32>} : memref<8x256xf32, #tpu.memory_space<vmem>>, vector<1x16xf32>,
      %get3A_880 = vector.shape_cast %get3A_879 : vector<1x16xf32> to vector<16xf32>
      %add3A_881 = arith.addf %get3A_875, %get3A_880 : vector<16xf32>
      %swap3A_882 = arith.constant 3 : i32
      %swap3A_883 = arith.index_cast %swap3A_882 : i32 to index
      %swap3A_884 = arith.constant 32 : index
      %swap3A_885 = tpu.vector_load %arg9[%swap3A_883, %swap3A_884] {strides = array<i32>} : memref<8x256xf32, #tpu.memory_space<vmem>>, vector<1x16xf32>,
      %swap3A_886 = vector.shape_cast %swap3A_885 : vector<1x16xf32> to vector<16xf32>
      %swap3A_887 = vector.shape_cast %add3A_881 : vector<16xf32> to vector<1x16xf32>
      tpu.vector_store %arg9[%swap3A_883, %swap3A_884], %swap3A_887 {strides = array<i32>} : memref<8x256xf32, #tpu.memory_space<vmem>>, vector<1x16xf32>,
      %get3A_888 = arith.constant 3 : i32
      %get3A_889 = arith.index_cast %get3A_888 : i32 to index
      %get3A_890 = arith.constant 48 : index
      %get3A_891 = tpu.vector_load %arg9[%get3A_889, %get3A_890] {strides = array<i32>} : memref<8x256xf32, #tpu.memory_space<vmem>>, vector<1x16xf32>,
      %get3A_892 = vector.shape_cast %get3A_891 : vector<1x16xf32> to vector<16xf32>
      %get3A_893 = arith.constant 3 : i32
      %get3A_894 = arith.index_cast %get3A_893 : i32 to index
      %get3A_895 = arith.constant 48 : index
      %get3A_896 = tpu.vector_load %arg10[%get3A_894, %get3A_895] {strides = array<i32>} : memref<8x256xf32, #tpu.memory_space<vmem>>, vector<1x16xf32>,
      %get3A_897 = vector.shape_cast %get3A_896 : vector<1x16xf32> to vector<16xf32>
      %add3A_898 = arith.addf %get3A_892, %get3A_897 : vector<16xf32>
      %swap3A_899 = arith.constant 3 : i32
      %swap3A_900 = arith.index_cast %swap3A_899 : i32 to index
      %swap3A_901 = arith.constant 48 : index
      %swap3A_902 = tpu.vector_load %arg9[%swap3A_900, %swap3A_901] {strides = array<i32>} : memref<8x256xf32, #tpu.memory_space<vmem>>, vector<1x16xf32>,
      %swap3A_903 = vector.shape_cast %swap3A_902 : vector<1x16xf32> to vector<16xf32>
      %swap3A_904 = vector.shape_cast %add3A_898 : vector<16xf32> to vector<1x16xf32>
      tpu.vector_store %arg9[%swap3A_900, %swap3A_901], %swap3A_904 {strides = array<i32>} : memref<8x256xf32, #tpu.memory_space<vmem>>, vector<1x16xf32>,
      %get3A_905 = arith.constant 3 : i32
      %get3A_906 = arith.index_cast %get3A_905 : i32 to index
      %get3A_907 = arith.constant 64 : index
      %get3A_908 = tpu.vector_load %arg9[%get3A_906, %get3A_907] {strides = array<i32>} : memref<8x256xf32, #tpu.memory_space<vmem>>, vector<1x16xf32>,
      %get3A_909 = vector.shape_cast %get3A_908 : vector<1x16xf32> to vector<16xf32>
      %get3A_910 = arith.constant 3 : i32
      %get3A_911 = arith.index_cast %get3A_910 : i32 to index
      %get3A_912 = arith.constant 64 : index
      %get3A_913 = tpu.vector_load %arg10[%get3A_911, %get3A_912] {strides = array<i32>} : memref<8x256xf32, #tpu.memory_space<vmem>>, vector<1x16xf32>,
      %get3A_914 = vector.shape_cast %get3A_913 : vector<1x16xf32> to vector<16xf32>
      %add3A_915 = arith.addf %get3A_909, %get3A_914 : vector<16xf32>
      %swap3A_916 = arith.constant 3 : i32
      %swap3A_917 = arith.index_cast %swap3A_916 : i32 to index
      %swap3A_918 = arith.constant 64 : index
      %swap3A_919 = tpu.vector_load %arg9[%swap3A_917, %swap3A_918] {strides = array<i32>} : memref<8x256xf32, #tpu.memory_space<vmem>>, vector<1x16xf32>,
      %swap3A_920 = vector.shape_cast %swap3A_919 : vector<1x16xf32> to vector<16xf32>
      %swap3A_921 = vector.shape_cast %add3A_915 : vector<16xf32> to vector<1x16xf32>
      tpu.vector_store %arg9[%swap3A_917, %swap3A_918], %swap3A_921 {strides = array<i32>} : memref<8x256xf32, #tpu.memory_space<vmem>>, vector<1x16xf32>,
      %get3A_922 = arith.constant 3 : i32
      %get3A_923 = arith.index_cast %get3A_922 : i32 to index
      %get3A_924 = arith.constant 80 : index
      %get3A_925 = tpu.vector_load %arg9[%get3A_923, %get3A_924] {strides = array<i32>} : memref<8x256xf32, #tpu.memory_space<vmem>>, vector<1x16xf32>,
      %get3A_926 = vector.shape_cast %get3A_925 : vector<1x16xf32> to vector<16xf32>
      %get3A_927 = arith.constant 3 : i32
      %get3A_928 = arith.index_cast %get3A_927 : i32 to index
      %get3A_929 = arith.constant 80 : index
      %get3A_930 = tpu.vector_load %arg10[%get3A_928, %get3A_929] {strides = array<i32>} : memref<8x256xf32, #tpu.memory_space<vmem>>, vector<1x16xf32>,
      %get3A_931 = vector.shape_cast %get3A_930 : vector<1x16xf32> to vector<16xf32>
      %add3A_932 = arith.addf %get3A_926, %get3A_931 : vector<16xf32>
      %swap3A_933 = arith.constant 3 : i32
      %swap3A_934 = arith.index_cast %swap3A_933 : i32 to index
      %swap3A_935 = arith.constant 80 : index
      %swap3A_936 = tpu.vector_load %arg9[%swap3A_934, %swap3A_935] {strides = array<i32>} : memref<8x256xf32, #tpu.memory_space<vmem>>, vector<1x16xf32>,
      %swap3A_937 = vector.shape_cast %swap3A_936 : vector<1x16xf32> to vector<16xf32>
      %swap3A_938 = vector.shape_cast %add3A_932 : vector<16xf32> to vector<1x16xf32>
      tpu.vector_store %arg9[%swap3A_934, %swap3A_935], %swap3A_938 {strides = array<i32>} : memref<8x256xf32, #tpu.memory_space<vmem>>, vector<1x16xf32>,
      %get3A_939 = arith.constant 3 : i32
      %get3A_940 = arith.index_cast %get3A_939 : i32 to index
      %get3A_941 = arith.constant 96 : index
      %get3A_942 = tpu.vector_load %arg9[%get3A_940, %get3A_941] {strides = array<i32>} : memref<8x256xf32, #tpu.memory_space<vmem>>, vector<1x16xf32>,
      %get3A_943 = vector.shape_cast %get3A_942 : vector<1x16xf32> to vector<16xf32>
      %get3A_944 = arith.constant 3 : i32
      %get3A_945 = arith.index_cast %get3A_944 : i32 to index
      %get3A_946 = arith.constant 96 : index
      %get3A_947 = tpu.vector_load %arg10[%get3A_945, %get3A_946] {strides = array<i32>} : memref<8x256xf32, #tpu.memory_space<vmem>>, vector<1x16xf32>,
      %get3A_948 = vector.shape_cast %get3A_947 : vector<1x16xf32> to vector<16xf32>
      %add3A_949 = arith.addf %get3A_943, %get3A_948 : vector<16xf32>
      %swap3A_950 = arith.constant 3 : i32
      %swap3A_951 = arith.index_cast %swap3A_950 : i32 to index
      %swap3A_952 = arith.constant 96 : index
      %swap3A_953 = tpu.vector_load %arg9[%swap3A_951, %swap3A_952] {strides = array<i32>} : memref<8x256xf32, #tpu.memory_space<vmem>>, vector<1x16xf32>,
      %swap3A_954 = vector.shape_cast %swap3A_953 : vector<1x16xf32> to vector<16xf32>
      %swap3A_955 = vector.shape_cast %add3A_949 : vector<16xf32> to vector<1x16xf32>
      tpu.vector_store %arg9[%swap3A_951, %swap3A_952], %swap3A_955 {strides = array<i32>} : memref<8x256xf32, #tpu.memory_space<vmem>>, vector<1x16xf32>,
      %get3A_956 = arith.constant 3 : i32
      %get3A_957 = arith.index_cast %get3A_956 : i32 to index
      %get3A_958 = arith.constant 112 : index
      %get3A_959 = tpu.vector_load %arg9[%get3A_957, %get3A_958] {strides = array<i32>} : memref<8x256xf32, #tpu.memory_space<vmem>>, vector<1x16xf32>,
      %get3A_960 = vector.shape_cast %get3A_959 : vector<1x16xf32> to vector<16xf32>
      %get3A_961 = arith.constant 3 : i32
      %get3A_962 = arith.index_cast %get3A_961 : i32 to index
      %get3A_963 = arith.constant 112 : index
      %get3A_964 = tpu.vector_load %arg10[%get3A_962, %get3A_963] {strides = array<i32>} : memref<8x256xf32, #tpu.memory_space<vmem>>, vector<1x16xf32>,
      %get3A_965 = vector.shape_cast %get3A_964 : vector<1x16xf32> to vector<16xf32>
      %add3A_966 = arith.addf %get3A_960, %get3A_965 : vector<16xf32>
      %swap3A_967 = arith.constant 3 : i32
      %swap3A_968 = arith.index_cast %swap3A_967 : i32 to index
      %swap3A_969 = arith.constant 112 : index
      %swap3A_970 = tpu.vector_load %arg9[%swap3A_968, %swap3A_969] {strides = array<i32>} : memref<8x256xf32, #tpu.memory_space<vmem>>, vector<1x16xf32>,
      %swap3A_971 = vector.shape_cast %swap3A_970 : vector<1x16xf32> to vector<16xf32>
      %swap3A_972 = vector.shape_cast %add3A_966 : vector<16xf32> to vector<1x16xf32>
      tpu.vector_store %arg9[%swap3A_968, %swap3A_969], %swap3A_972 {strides = array<i32>} : memref<8x256xf32, #tpu.memory_space<vmem>>, vector<1x16xf32>,
      %get3A_973 = arith.constant 3 : i32
      %get3A_974 = arith.index_cast %get3A_973 : i32 to index
      %get3A_975 = arith.constant 128 : index
      %get3A_976 = tpu.vector_load %arg9[%get3A_974, %get3A_975] {strides = array<i32>} : memref<8x256xf32, #tpu.memory_space<vmem>>, vector<1x16xf32>,
      %get3A_977 = vector.shape_cast %get3A_976 : vector<1x16xf32> to vector<16xf32>
      %get3A_978 = arith.constant 3 : i32
      %get3A_979 = arith.index_cast %get3A_978 : i32 to index
      %get3A_980 = arith.constant 128 : index
      %get3A_981 = tpu.vector_load %arg10[%get3A_979, %get3A_980] {strides = array<i32>} : memref<8x256xf32, #tpu.memory_space<vmem>>, vector<1x16xf32>,
      %get3A_982 = vector.shape_cast %get3A_981 : vector<1x16xf32> to vector<16xf32>
      %add3A_983 = arith.addf %get3A_977, %get3A_982 : vector<16xf32>
      %swap3A_984 = arith.constant 3 : i32
      %swap3A_985 = arith.index_cast %swap3A_984 : i32 to index
      %swap3A_986 = arith.constant 128 : index
      %swap3A_987 = tpu.vector_load %arg9[%swap3A_985, %swap3A_986] {strides = array<i32>} : memref<8x256xf32, #tpu.memory_space<vmem>>, vector<1x16xf32>,
      %swap3A_988 = vector.shape_cast %swap3A_987 : vector<1x16xf32> to vector<16xf32>
      %swap3A_989 = vector.shape_cast %add3A_983 : vector<16xf32> to vector<1x16xf32>
      tpu.vector_store %arg9[%swap3A_985, %swap3A_986], %swap3A_989 {strides = array<i32>} : memref<8x256xf32, #tpu.memory_space<vmem>>, vector<1x16xf32>,
      %get3A_990 = arith.constant 3 : i32
      %get3A_991 = arith.index_cast %get3A_990 : i32 to index
      %get3A_992 = arith.constant 144 : index
      %get3A_993 = tpu.vector_load %arg9[%get3A_991, %get3A_992] {strides = array<i32>} : memref<8x256xf32, #tpu.memory_space<vmem>>, vector<1x16xf32>,
      %get3A_994 = vector.shape_cast %get3A_993 : vector<1x16xf32> to vector<16xf32>
      %get3A_995 = arith.constant 3 : i32
      %get3A_996 = arith.index_cast %get3A_995 : i32 to index
      %get3A_997 = arith.constant 144 : index
      %get3A_998 = tpu.vector_load %arg10[%get3A_996, %get3A_997] {strides = array<i32>} : memref<8x256xf32, #tpu.memory_space<vmem>>, vector<1x16xf32>,
      %get3A_999 = vector.shape_cast %get3A_998 : vector<1x16xf32> to vector<16xf32>
      %add3A_1000 = arith.addf %get3A_994, %get3A_999 : vector<16xf32>
      %swap3A_1001 = arith.constant 3 : i32
      %swap3A_1002 = arith.index_cast %swap3A_1001 : i32 to index
      %swap3A_1003 = arith.constant 144 : index
      %swap3A_1004 = tpu.vector_load %arg9[%swap3A_1002, %swap3A_1003] {strides = array<i32>} : memref<8x256xf32, #tpu.memory_space<vmem>>, vector<1x16xf32>,
      %swap3A_1005 = vector.shape_cast %swap3A_1004 : vector<1x16xf32> to vector<16xf32>
      %swap3A_1006 = vector.shape_cast %add3A_1000 : vector<16xf32> to vector<1x16xf32>
      tpu.vector_store %arg9[%swap3A_1002, %swap3A_1003], %swap3A_1006 {strides = array<i32>} : memref<8x256xf32, #tpu.memory_space<vmem>>, vector<1x16xf32>,
      %get3A_1007 = arith.constant 3 : i32
      %get3A_1008 = arith.index_cast %get3A_1007 : i32 to index
      %get3A_1009 = arith.constant 160 : index
      %get3A_1010 = tpu.vector_load %arg9[%get3A_1008, %get3A_1009] {strides = array<i32>} : memref<8x256xf32, #tpu.memory_space<vmem>>, vector<1x16xf32>,
      %get3A_1011 = vector.shape_cast %get3A_1010 : vector<1x16xf32> to vector<16xf32>
      %get3A_1012 = arith.constant 3 : i32
      %get3A_1013 = arith.index_cast %get3A_1012 : i32 to index
      %get3A_1014 = arith.constant 160 : index
      %get3A_1015 = tpu.vector_load %arg10[%get3A_1013, %get3A_1014] {strides = array<i32>} : memref<8x256xf32, #tpu.memory_space<vmem>>, vector<1x16xf32>,
      %get3A_1016 = vector.shape_cast %get3A_1015 : vector<1x16xf32> to vector<16xf32>
      %add3A_1017 = arith.addf %get3A_1011, %get3A_1016 : vector<16xf32>
      %swap3A_1018 = arith.constant 3 : i32
      %swap3A_1019 = arith.index_cast %swap3A_1018 : i32 to index
      %swap3A_1020 = arith.constant 160 : index
      %swap3A_1021 = tpu.vector_load %arg9[%swap3A_1019, %swap3A_1020] {strides = array<i32>} : memref<8x256xf32, #tpu.memory_space<vmem>>, vector<1x16xf32>,
      %swap3A_1022 = vector.shape_cast %swap3A_1021 : vector<1x16xf32> to vector<16xf32>
      %swap3A_1023 = vector.shape_cast %add3A_1017 : vector<16xf32> to vector<1x16xf32>
      tpu.vector_store %arg9[%swap3A_1019, %swap3A_1020], %swap3A_1023 {strides = array<i32>} : memref<8x256xf32, #tpu.memory_space<vmem>>, vector<1x16xf32>,
      %get3A_1024 = arith.constant 3 : i32
      %get3A_1025 = arith.index_cast %get3A_1024 : i32 to index
      %get3A_1026 = arith.constant 176 : index
      %get3A_1027 = tpu.vector_load %arg9[%get3A_1025, %get3A_1026] {strides = array<i32>} : memref<8x256xf32, #tpu.memory_space<vmem>>, vector<1x16xf32>,
      %get3A_1028 = vector.shape_cast %get3A_1027 : vector<1x16xf32> to vector<16xf32>
      %get3A_1029 = arith.constant 3 : i32
      %get3A_1030 = arith.index_cast %get3A_1029 : i32 to index
      %get3A_1031 = arith.constant 176 : index
      %get3A_1032 = tpu.vector_load %arg10[%get3A_1030, %get3A_1031] {strides = array<i32>} : memref<8x256xf32, #tpu.memory_space<vmem>>, vector<1x16xf32>,
      %get3A_1033 = vector.shape_cast %get3A_1032 : vector<1x16xf32> to vector<16xf32>
      %add3A_1034 = arith.addf %get3A_1028, %get3A_1033 : vector<16xf32>
      %swap3A_1035 = arith.constant 3 : i32
      %swap3A_1036 = arith.index_cast %swap3A_1035 : i32 to index
      %swap3A_1037 = arith.constant 176 : index
      %swap3A_1038 = tpu.vector_load %arg9[%swap3A_1036, %swap3A_1037] {strides = array<i32>} : memref<8x256xf32, #tpu.memory_space<vmem>>, vector<1x16xf32>,
      %swap3A_1039 = vector.shape_cast %swap3A_1038 : vector<1x16xf32> to vector<16xf32>
      %swap3A_1040 = vector.shape_cast %add3A_1034 : vector<16xf32> to vector<1x16xf32>
      tpu.vector_store %arg9[%swap3A_1036, %swap3A_1037], %swap3A_1040 {strides = array<i32>} : memref<8x256xf32, #tpu.memory_space<vmem>>, vector<1x16xf32>,
      %get3A_1041 = arith.constant 3 : i32
      %get3A_1042 = arith.index_cast %get3A_1041 : i32 to index
      %get3A_1043 = arith.constant 192 : index
      %get3A_1044 = tpu.vector_load %arg9[%get3A_1042, %get3A_1043] {strides = array<i32>} : memref<8x256xf32, #tpu.memory_space<vmem>>, vector<1x16xf32>,
      %get3A_1045 = vector.shape_cast %get3A_1044 : vector<1x16xf32> to vector<16xf32>
      %get3A_1046 = arith.constant 3 : i32
      %get3A_1047 = arith.index_cast %get3A_1046 : i32 to index
      %get3A_1048 = arith.constant 192 : index
      %get3A_1049 = tpu.vector_load %arg10[%get3A_1047, %get3A_1048] {strides = array<i32>} : memref<8x256xf32, #tpu.memory_space<vmem>>, vector<1x16xf32>,
      %get3A_1050 = vector.shape_cast %get3A_1049 : vector<1x16xf32> to vector<16xf32>
      %add3A_1051 = arith.addf %get3A_1045, %get3A_1050 : vector<16xf32>
      %swap3A_1052 = arith.constant 3 : i32
      %swap3A_1053 = arith.index_cast %swap3A_1052 : i32 to index
      %swap3A_1054 = arith.constant 192 : index
      %swap3A_1055 = tpu.vector_load %arg9[%swap3A_1053, %swap3A_1054] {strides = array<i32>} : memref<8x256xf32, #tpu.memory_space<vmem>>, vector<1x16xf32>,
      %swap3A_1056 = vector.shape_cast %swap3A_1055 : vector<1x16xf32> to vector<16xf32>
      %swap3A_1057 = vector.shape_cast %add3A_1051 : vector<16xf32> to vector<1x16xf32>
      tpu.vector_store %arg9[%swap3A_1053, %swap3A_1054], %swap3A_1057 {strides = array<i32>} : memref<8x256xf32, #tpu.memory_space<vmem>>, vector<1x16xf32>,
      %get3A_1058 = arith.constant 3 : i32
      %get3A_1059 = arith.index_cast %get3A_1058 : i32 to index
      %get3A_1060 = arith.constant 208 : index
      %get3A_1061 = tpu.vector_load %arg9[%get3A_1059, %get3A_1060] {strides = array<i32>} : memref<8x256xf32, #tpu.memory_space<vmem>>, vector<1x16xf32>,
      %get3A_1062 = vector.shape_cast %get3A_1061 : vector<1x16xf32> to vector<16xf32>
      %get3A_1063 = arith.constant 3 : i32
      %get3A_1064 = arith.index_cast %get3A_1063 : i32 to index
      %get3A_1065 = arith.constant 208 : index
      %get3A_1066 = tpu.vector_load %arg10[%get3A_1064, %get3A_1065] {strides = array<i32>} : memref<8x256xf32, #tpu.memory_space<vmem>>, vector<1x16xf32>,
      %get3A_1067 = vector.shape_cast %get3A_1066 : vector<1x16xf32> to vector<16xf32>
      %add3A_1068 = arith.addf %get3A_1062, %get3A_1067 : vector<16xf32>
      %swap3A_1069 = arith.constant 3 : i32
      %swap3A_1070 = arith.index_cast %swap3A_1069 : i32 to index
      %swap3A_1071 = arith.constant 208 : index
      %swap3A_1072 = tpu.vector_load %arg9[%swap3A_1070, %swap3A_1071] {strides = array<i32>} : memref<8x256xf32, #tpu.memory_space<vmem>>, vector<1x16xf32>,
      %swap3A_1073 = vector.shape_cast %swap3A_1072 : vector<1x16xf32> to vector<16xf32>
      %swap3A_1074 = vector.shape_cast %add3A_1068 : vector<16xf32> to vector<1x16xf32>
      tpu.vector_store %arg9[%swap3A_1070, %swap3A_1071], %swap3A_1074 {strides = array<i32>} : memref<8x256xf32, #tpu.memory_space<vmem>>, vector<1x16xf32>,
      %get3A_1075 = arith.constant 3 : i32
      %get3A_1076 = arith.index_cast %get3A_1075 : i32 to index
      %get3A_1077 = arith.constant 224 : index
      %get3A_1078 = tpu.vector_load %arg9[%get3A_1076, %get3A_1077] {strides = array<i32>} : memref<8x256xf32, #tpu.memory_space<vmem>>, vector<1x16xf32>,
      %get3A_1079 = vector.shape_cast %get3A_1078 : vector<1x16xf32> to vector<16xf32>
      %get3A_1080 = arith.constant 3 : i32
      %get3A_1081 = arith.index_cast %get3A_1080 : i32 to index
      %get3A_1082 = arith.constant 224 : index
      %get3A_1083 = tpu.vector_load %arg10[%get3A_1081, %get3A_1082] {strides = array<i32>} : memref<8x256xf32, #tpu.memory_space<vmem>>, vector<1x16xf32>,
      %get3A_1084 = vector.shape_cast %get3A_1083 : vector<1x16xf32> to vector<16xf32>
      %add3A_1085 = arith.addf %get3A_1079, %get3A_1084 : vector<16xf32>
      %swap3A_1086 = arith.constant 3 : i32
      %swap3A_1087 = arith.index_cast %swap3A_1086 : i32 to index
      %swap3A_1088 = arith.constant 224 : index
      %swap3A_1089 = tpu.vector_load %arg9[%swap3A_1087, %swap3A_1088] {strides = array<i32>} : memref<8x256xf32, #tpu.memory_space<vmem>>, vector<1x16xf32>,
      %swap3A_1090 = vector.shape_cast %swap3A_1089 : vector<1x16xf32> to vector<16xf32>
      %swap3A_1091 = vector.shape_cast %add3A_1085 : vector<16xf32> to vector<1x16xf32>
      tpu.vector_store %arg9[%swap3A_1087, %swap3A_1088], %swap3A_1091 {strides = array<i32>} : memref<8x256xf32, #tpu.memory_space<vmem>>, vector<1x16xf32>,
      %get3A_1092 = arith.constant 3 : i32
      %get3A_1093 = arith.index_cast %get3A_1092 : i32 to index
      %get3A_1094 = arith.constant 240 : index
      %get3A_1095 = tpu.vector_load %arg9[%get3A_1093, %get3A_1094] {strides = array<i32>} : memref<8x256xf32, #tpu.memory_space<vmem>>, vector<1x16xf32>,
      %get3A_1096 = vector.shape_cast %get3A_1095 : vector<1x16xf32> to vector<16xf32>
      %get3A_1097 = arith.constant 3 : i32
      %get3A_1098 = arith.index_cast %get3A_1097 : i32 to index
      %get3A_1099 = arith.constant 240 : index
      %get3A_1100 = tpu.vector_load %arg10[%get3A_1098, %get3A_1099] {strides = array<i32>} : memref<8x256xf32, #tpu.memory_space<vmem>>, vector<1x16xf32>,
      %get3A_1101 = vector.shape_cast %get3A_1100 : vector<1x16xf32> to vector<16xf32>
      %add3A_1102 = arith.addf %get3A_1096, %get3A_1101 : vector<16xf32>
      %swap3A_1103 = arith.constant 3 : i32
      %swap3A_1104 = arith.index_cast %swap3A_1103 : i32 to index
      %swap3A_1105 = arith.constant 240 : index
      %swap3A_1106 = tpu.vector_load %arg9[%swap3A_1104, %swap3A_1105] {strides = array<i32>} : memref<8x256xf32, #tpu.memory_space<vmem>>, vector<1x16xf32>,
      %swap3A_1107 = vector.shape_cast %swap3A_1106 : vector<1x16xf32> to vector<16xf32>
      %swap3A_1108 = vector.shape_cast %add3A_1102 : vector<16xf32> to vector<1x16xf32>
      tpu.vector_store %arg9[%swap3A_1104, %swap3A_1105], %swap3A_1108 {strides = array<i32>} : memref<8x256xf32, #tpu.memory_space<vmem>>, vector<1x16xf32>,
      %get3A_1109 = arith.constant 4 : i32
      %get3A_1110 = arith.index_cast %get3A_1109 : i32 to index
      %get3A_1111 = arith.constant 0 : index
      %get3A_1112 = tpu.vector_load %arg9[%get3A_1110, %get3A_1111] {strides = array<i32>} : memref<8x256xf32, #tpu.memory_space<vmem>>, vector<1x16xf32>,
      %get3A_1113 = vector.shape_cast %get3A_1112 : vector<1x16xf32> to vector<16xf32>
      %get3A_1114 = arith.constant 4 : i32
      %get3A_1115 = arith.index_cast %get3A_1114 : i32 to index
      %get3A_1116 = arith.constant 0 : index
      %get3A_1117 = tpu.vector_load %arg10[%get3A_1115, %get3A_1116] {strides = array<i32>} : memref<8x256xf32, #tpu.memory_space<vmem>>, vector<1x16xf32>,
      %get3A_1118 = vector.shape_cast %get3A_1117 : vector<1x16xf32> to vector<16xf32>
      %add3A_1119 = arith.addf %get3A_1113, %get3A_1118 : vector<16xf32>
      %swap3A_1120 = arith.constant 4 : i32
      %swap3A_1121 = arith.index_cast %swap3A_1120 : i32 to index
      %swap3A_1122 = arith.constant 0 : index
      %swap3A_1123 = tpu.vector_load %arg9[%swap3A_1121, %swap3A_1122] {strides = array<i32>} : memref<8x256xf32, #tpu.memory_space<vmem>>, vector<1x16xf32>,
      %swap3A_1124 = vector.shape_cast %swap3A_1123 : vector<1x16xf32> to vector<16xf32>
      %swap3A_1125 = vector.shape_cast %add3A_1119 : vector<16xf32> to vector<1x16xf32>
      tpu.vector_store %arg9[%swap3A_1121, %swap3A_1122], %swap3A_1125 {strides = array<i32>} : memref<8x256xf32, #tpu.memory_space<vmem>>, vector<1x16xf32>,
      %get3A_1126 = arith.constant 4 : i32
      %get3A_1127 = arith.index_cast %get3A_1126 : i32 to index
      %get3A_1128 = arith.constant 16 : index
      %get3A_1129 = tpu.vector_load %arg9[%get3A_1127, %get3A_1128] {strides = array<i32>} : memref<8x256xf32, #tpu.memory_space<vmem>>, vector<1x16xf32>,
      %get3A_1130 = vector.shape_cast %get3A_1129 : vector<1x16xf32> to vector<16xf32>
      %get3A_1131 = arith.constant 4 : i32
      %get3A_1132 = arith.index_cast %get3A_1131 : i32 to index
      %get3A_1133 = arith.constant 16 : index
      %get3A_1134 = tpu.vector_load %arg10[%get3A_1132, %get3A_1133] {strides = array<i32>} : memref<8x256xf32, #tpu.memory_space<vmem>>, vector<1x16xf32>,
      %get3A_1135 = vector.shape_cast %get3A_1134 : vector<1x16xf32> to vector<16xf32>
      %add3A_1136 = arith.addf %get3A_1130, %get3A_1135 : vector<16xf32>
      %swap3A_1137 = arith.constant 4 : i32
      %swap3A_1138 = arith.index_cast %swap3A_1137 : i32 to index
      %swap3A_1139 = arith.constant 16 : index
      %swap3A_1140 = tpu.vector_load %arg9[%swap3A_1138, %swap3A_1139] {strides = array<i32>} : memref<8x256xf32, #tpu.memory_space<vmem>>, vector<1x16xf32>,
      %swap3A_1141 = vector.shape_cast %swap3A_1140 : vector<1x16xf32> to vector<16xf32>
      %swap3A_1142 = vector.shape_cast %add3A_1136 : vector<16xf32> to vector<1x16xf32>
      tpu.vector_store %arg9[%swap3A_1138, %swap3A_1139], %swap3A_1142 {strides = array<i32>} : memref<8x256xf32, #tpu.memory_space<vmem>>, vector<1x16xf32>,
      %get3A_1143 = arith.constant 4 : i32
      %get3A_1144 = arith.index_cast %get3A_1143 : i32 to index
      %get3A_1145 = arith.constant 32 : index
      %get3A_1146 = tpu.vector_load %arg9[%get3A_1144, %get3A_1145] {strides = array<i32>} : memref<8x256xf32, #tpu.memory_space<vmem>>, vector<1x16xf32>,
      %get3A_1147 = vector.shape_cast %get3A_1146 : vector<1x16xf32> to vector<16xf32>
      %get3A_1148 = arith.constant 4 : i32
      %get3A_1149 = arith.index_cast %get3A_1148 : i32 to index
      %get3A_1150 = arith.constant 32 : index
      %get3A_1151 = tpu.vector_load %arg10[%get3A_1149, %get3A_1150] {strides = array<i32>} : memref<8x256xf32, #tpu.memory_space<vmem>>, vector<1x16xf32>,
      %get3A_1152 = vector.shape_cast %get3A_1151 : vector<1x16xf32> to vector<16xf32>
      %add3A_1153 = arith.addf %get3A_1147, %get3A_1152 : vector<16xf32>
      %swap3A_1154 = arith.constant 4 : i32
      %swap3A_1155 = arith.index_cast %swap3A_1154 : i32 to index
      %swap3A_1156 = arith.constant 32 : index
      %swap3A_1157 = tpu.vector_load %arg9[%swap3A_1155, %swap3A_1156] {strides = array<i32>} : memref<8x256xf32, #tpu.memory_space<vmem>>, vector<1x16xf32>,
      %swap3A_1158 = vector.shape_cast %swap3A_1157 : vector<1x16xf32> to vector<16xf32>
      %swap3A_1159 = vector.shape_cast %add3A_1153 : vector<16xf32> to vector<1x16xf32>
      tpu.vector_store %arg9[%swap3A_1155, %swap3A_1156], %swap3A_1159 {strides = array<i32>} : memref<8x256xf32, #tpu.memory_space<vmem>>, vector<1x16xf32>,
      %get3A_1160 = arith.constant 4 : i32
      %get3A_1161 = arith.index_cast %get3A_1160 : i32 to index
      %get3A_1162 = arith.constant 48 : index
      %get3A_1163 = tpu.vector_load %arg9[%get3A_1161, %get3A_1162] {strides = array<i32>} : memref<8x256xf32, #tpu.memory_space<vmem>>, vector<1x16xf32>,
      %get3A_1164 = vector.shape_cast %get3A_1163 : vector<1x16xf32> to vector<16xf32>
      %get3A_1165 = arith.constant 4 : i32
      %get3A_1166 = arith.index_cast %get3A_1165 : i32 to index
      %get3A_1167 = arith.constant 48 : index
      %get3A_1168 = tpu.vector_load %arg10[%get3A_1166, %get3A_1167] {strides = array<i32>} : memref<8x256xf32, #tpu.memory_space<vmem>>, vector<1x16xf32>,
      %get3A_1169 = vector.shape_cast %get3A_1168 : vector<1x16xf32> to vector<16xf32>
      %add3A_1170 = arith.addf %get3A_1164, %get3A_1169 : vector<16xf32>
      %swap3A_1171 = arith.constant 4 : i32
      %swap3A_1172 = arith.index_cast %swap3A_1171 : i32 to index
      %swap3A_1173 = arith.constant 48 : index
      %swap3A_1174 = tpu.vector_load %arg9[%swap3A_1172, %swap3A_1173] {strides = array<i32>} : memref<8x256xf32, #tpu.memory_space<vmem>>, vector<1x16xf32>,
      %swap3A_1175 = vector.shape_cast %swap3A_1174 : vector<1x16xf32> to vector<16xf32>
      %swap3A_1176 = vector.shape_cast %add3A_1170 : vector<16xf32> to vector<1x16xf32>
      tpu.vector_store %arg9[%swap3A_1172, %swap3A_1173], %swap3A_1176 {strides = array<i32>} : memref<8x256xf32, #tpu.memory_space<vmem>>, vector<1x16xf32>,
      %get3A_1177 = arith.constant 4 : i32
      %get3A_1178 = arith.index_cast %get3A_1177 : i32 to index
      %get3A_1179 = arith.constant 64 : index
      %get3A_1180 = tpu.vector_load %arg9[%get3A_1178, %get3A_1179] {strides = array<i32>} : memref<8x256xf32, #tpu.memory_space<vmem>>, vector<1x16xf32>,
      %get3A_1181 = vector.shape_cast %get3A_1180 : vector<1x16xf32> to vector<16xf32>
      %get3A_1182 = arith.constant 4 : i32
      %get3A_1183 = arith.index_cast %get3A_1182 : i32 to index
      %get3A_1184 = arith.constant 64 : index
      %get3A_1185 = tpu.vector_load %arg10[%get3A_1183, %get3A_1184] {strides = array<i32>} : memref<8x256xf32, #tpu.memory_space<vmem>>, vector<1x16xf32>,
      %get3A_1186 = vector.shape_cast %get3A_1185 : vector<1x16xf32> to vector<16xf32>
      %add3A_1187 = arith.addf %get3A_1181, %get3A_1186 : vector<16xf32>
      %swap3A_1188 = arith.constant 4 : i32
      %swap3A_1189 = arith.index_cast %swap3A_1188 : i32 to index
      %swap3A_1190 = arith.constant 64 : index
      %swap3A_1191 = tpu.vector_load %arg9[%swap3A_1189, %swap3A_1190] {strides = array<i32>} : memref<8x256xf32, #tpu.memory_space<vmem>>, vector<1x16xf32>,
      %swap3A_1192 = vector.shape_cast %swap3A_1191 : vector<1x16xf32> to vector<16xf32>
      %swap3A_1193 = vector.shape_cast %add3A_1187 : vector<16xf32> to vector<1x16xf32>
      tpu.vector_store %arg9[%swap3A_1189, %swap3A_1190], %swap3A_1193 {strides = array<i32>} : memref<8x256xf32, #tpu.memory_space<vmem>>, vector<1x16xf32>,
      %get3A_1194 = arith.constant 4 : i32
      %get3A_1195 = arith.index_cast %get3A_1194 : i32 to index
      %get3A_1196 = arith.constant 80 : index
      %get3A_1197 = tpu.vector_load %arg9[%get3A_1195, %get3A_1196] {strides = array<i32>} : memref<8x256xf32, #tpu.memory_space<vmem>>, vector<1x16xf32>,
      %get3A_1198 = vector.shape_cast %get3A_1197 : vector<1x16xf32> to vector<16xf32>
      %get3A_1199 = arith.constant 4 : i32
      %get3A_1200 = arith.index_cast %get3A_1199 : i32 to index
      %get3A_1201 = arith.constant 80 : index
      %get3A_1202 = tpu.vector_load %arg10[%get3A_1200, %get3A_1201] {strides = array<i32>} : memref<8x256xf32, #tpu.memory_space<vmem>>, vector<1x16xf32>,
      %get3A_1203 = vector.shape_cast %get3A_1202 : vector<1x16xf32> to vector<16xf32>
      %add3A_1204 = arith.addf %get3A_1198, %get3A_1203 : vector<16xf32>
      %swap3A_1205 = arith.constant 4 : i32
      %swap3A_1206 = arith.index_cast %swap3A_1205 : i32 to index
      %swap3A_1207 = arith.constant 80 : index
      %swap3A_1208 = tpu.vector_load %arg9[%swap3A_1206, %swap3A_1207] {strides = array<i32>} : memref<8x256xf32, #tpu.memory_space<vmem>>, vector<1x16xf32>,
      %swap3A_1209 = vector.shape_cast %swap3A_1208 : vector<1x16xf32> to vector<16xf32>
      %swap3A_1210 = vector.shape_cast %add3A_1204 : vector<16xf32> to vector<1x16xf32>
      tpu.vector_store %arg9[%swap3A_1206, %swap3A_1207], %swap3A_1210 {strides = array<i32>} : memref<8x256xf32, #tpu.memory_space<vmem>>, vector<1x16xf32>,
      %get3A_1211 = arith.constant 4 : i32
      %get3A_1212 = arith.index_cast %get3A_1211 : i32 to index
      %get3A_1213 = arith.constant 96 : index
      %get3A_1214 = tpu.vector_load %arg9[%get3A_1212, %get3A_1213] {strides = array<i32>} : memref<8x256xf32, #tpu.memory_space<vmem>>, vector<1x16xf32>,
      %get3A_1215 = vector.shape_cast %get3A_1214 : vector<1x16xf32> to vector<16xf32>
      %get3A_1216 = arith.constant 4 : i32
      %get3A_1217 = arith.index_cast %get3A_1216 : i32 to index
      %get3A_1218 = arith.constant 96 : index
      %get3A_1219 = tpu.vector_load %arg10[%get3A_1217, %get3A_1218] {strides = array<i32>} : memref<8x256xf32, #tpu.memory_space<vmem>>, vector<1x16xf32>,
      %get3A_1220 = vector.shape_cast %get3A_1219 : vector<1x16xf32> to vector<16xf32>
      %add3A_1221 = arith.addf %get3A_1215, %get3A_1220 : vector<16xf32>
      %swap3A_1222 = arith.constant 4 : i32
      %swap3A_1223 = arith.index_cast %swap3A_1222 : i32 to index
      %swap3A_1224 = arith.constant 96 : index
      %swap3A_1225 = tpu.vector_load %arg9[%swap3A_1223, %swap3A_1224] {strides = array<i32>} : memref<8x256xf32, #tpu.memory_space<vmem>>, vector<1x16xf32>,
      %swap3A_1226 = vector.shape_cast %swap3A_1225 : vector<1x16xf32> to vector<16xf32>
      %swap3A_1227 = vector.shape_cast %add3A_1221 : vector<16xf32> to vector<1x16xf32>
      tpu.vector_store %arg9[%swap3A_1223, %swap3A_1224], %swap3A_1227 {strides = array<i32>} : memref<8x256xf32, #tpu.memory_space<vmem>>, vector<1x16xf32>,
      %get3A_1228 = arith.constant 4 : i32
      %get3A_1229 = arith.index_cast %get3A_1228 : i32 to index
      %get3A_1230 = arith.constant 112 : index
      %get3A_1231 = tpu.vector_load %arg9[%get3A_1229, %get3A_1230] {strides = array<i32>} : memref<8x256xf32, #tpu.memory_space<vmem>>, vector<1x16xf32>,
      %get3A_1232 = vector.shape_cast %get3A_1231 : vector<1x16xf32> to vector<16xf32>
      %get3A_1233 = arith.constant 4 : i32
      %get3A_1234 = arith.index_cast %get3A_1233 : i32 to index
      %get3A_1235 = arith.constant 112 : index
      %get3A_1236 = tpu.vector_load %arg10[%get3A_1234, %get3A_1235] {strides = array<i32>} : memref<8x256xf32, #tpu.memory_space<vmem>>, vector<1x16xf32>,
      %get3A_1237 = vector.shape_cast %get3A_1236 : vector<1x16xf32> to vector<16xf32>
      %add3A_1238 = arith.addf %get3A_1232, %get3A_1237 : vector<16xf32>
      %swap3A_1239 = arith.constant 4 : i32
      %swap3A_1240 = arith.index_cast %swap3A_1239 : i32 to index
      %swap3A_1241 = arith.constant 112 : index
      %swap3A_1242 = tpu.vector_load %arg9[%swap3A_1240, %swap3A_1241] {strides = array<i32>} : memref<8x256xf32, #tpu.memory_space<vmem>>, vector<1x16xf32>,
      %swap3A_1243 = vector.shape_cast %swap3A_1242 : vector<1x16xf32> to vector<16xf32>
      %swap3A_1244 = vector.shape_cast %add3A_1238 : vector<16xf32> to vector<1x16xf32>
      tpu.vector_store %arg9[%swap3A_1240, %swap3A_1241], %swap3A_1244 {strides = array<i32>} : memref<8x256xf32, #tpu.memory_space<vmem>>, vector<1x16xf32>,
      %get3A_1245 = arith.constant 4 : i32
      %get3A_1246 = arith.index_cast %get3A_1245 : i32 to index
      %get3A_1247 = arith.constant 128 : index
      %get3A_1248 = tpu.vector_load %arg9[%get3A_1246, %get3A_1247] {strides = array<i32>} : memref<8x256xf32, #tpu.memory_space<vmem>>, vector<1x16xf32>,
      %get3A_1249 = vector.shape_cast %get3A_1248 : vector<1x16xf32> to vector<16xf32>
      %get3A_1250 = arith.constant 4 : i32
      %get3A_1251 = arith.index_cast %get3A_1250 : i32 to index
      %get3A_1252 = arith.constant 128 : index
      %get3A_1253 = tpu.vector_load %arg10[%get3A_1251, %get3A_1252] {strides = array<i32>} : memref<8x256xf32, #tpu.memory_space<vmem>>, vector<1x16xf32>,
      %get3A_1254 = vector.shape_cast %get3A_1253 : vector<1x16xf32> to vector<16xf32>
      %add3A_1255 = arith.addf %get3A_1249, %get3A_1254 : vector<16xf32>
      %swap3A_1256 = arith.constant 4 : i32
      %swap3A_1257 = arith.index_cast %swap3A_1256 : i32 to index
      %swap3A_1258 = arith.constant 128 : index
      %swap3A_1259 = tpu.vector_load %arg9[%swap3A_1257, %swap3A_1258] {strides = array<i32>} : memref<8x256xf32, #tpu.memory_space<vmem>>, vector<1x16xf32>,
      %swap3A_1260 = vector.shape_cast %swap3A_1259 : vector<1x16xf32> to vector<16xf32>
      %swap3A_1261 = vector.shape_cast %add3A_1255 : vector<16xf32> to vector<1x16xf32>
      tpu.vector_store %arg9[%swap3A_1257, %swap3A_1258], %swap3A_1261 {strides = array<i32>} : memref<8x256xf32, #tpu.memory_space<vmem>>, vector<1x16xf32>,
      %get3A_1262 = arith.constant 4 : i32
      %get3A_1263 = arith.index_cast %get3A_1262 : i32 to index
      %get3A_1264 = arith.constant 144 : index
      %get3A_1265 = tpu.vector_load %arg9[%get3A_1263, %get3A_1264] {strides = array<i32>} : memref<8x256xf32, #tpu.memory_space<vmem>>, vector<1x16xf32>,
      %get3A_1266 = vector.shape_cast %get3A_1265 : vector<1x16xf32> to vector<16xf32>
      %get3A_1267 = arith.constant 4 : i32
      %get3A_1268 = arith.index_cast %get3A_1267 : i32 to index
      %get3A_1269 = arith.constant 144 : index
      %get3A_1270 = tpu.vector_load %arg10[%get3A_1268, %get3A_1269] {strides = array<i32>} : memref<8x256xf32, #tpu.memory_space<vmem>>, vector<1x16xf32>,
      %get3A_1271 = vector.shape_cast %get3A_1270 : vector<1x16xf32> to vector<16xf32>
      %add3A_1272 = arith.addf %get3A_1266, %get3A_1271 : vector<16xf32>
      %swap3A_1273 = arith.constant 4 : i32
      %swap3A_1274 = arith.index_cast %swap3A_1273 : i32 to index
      %swap3A_1275 = arith.constant 144 : index
      %swap3A_1276 = tpu.vector_load %arg9[%swap3A_1274, %swap3A_1275] {strides = array<i32>} : memref<8x256xf32, #tpu.memory_space<vmem>>, vector<1x16xf32>,
      %swap3A_1277 = vector.shape_cast %swap3A_1276 : vector<1x16xf32> to vector<16xf32>
      %swap3A_1278 = vector.shape_cast %add3A_1272 : vector<16xf32> to vector<1x16xf32>
      tpu.vector_store %arg9[%swap3A_1274, %swap3A_1275], %swap3A_1278 {strides = array<i32>} : memref<8x256xf32, #tpu.memory_space<vmem>>, vector<1x16xf32>,
      %get3A_1279 = arith.constant 4 : i32
      %get3A_1280 = arith.index_cast %get3A_1279 : i32 to index
      %get3A_1281 = arith.constant 160 : index
      %get3A_1282 = tpu.vector_load %arg9[%get3A_1280, %get3A_1281] {strides = array<i32>} : memref<8x256xf32, #tpu.memory_space<vmem>>, vector<1x16xf32>,
      %get3A_1283 = vector.shape_cast %get3A_1282 : vector<1x16xf32> to vector<16xf32>
      %get3A_1284 = arith.constant 4 : i32
      %get3A_1285 = arith.index_cast %get3A_1284 : i32 to index
      %get3A_1286 = arith.constant 160 : index
      %get3A_1287 = tpu.vector_load %arg10[%get3A_1285, %get3A_1286] {strides = array<i32>} : memref<8x256xf32, #tpu.memory_space<vmem>>, vector<1x16xf32>,
      %get3A_1288 = vector.shape_cast %get3A_1287 : vector<1x16xf32> to vector<16xf32>
      %add3A_1289 = arith.addf %get3A_1283, %get3A_1288 : vector<16xf32>
      %swap3A_1290 = arith.constant 4 : i32
      %swap3A_1291 = arith.index_cast %swap3A_1290 : i32 to index
      %swap3A_1292 = arith.constant 160 : index
      %swap3A_1293 = tpu.vector_load %arg9[%swap3A_1291, %swap3A_1292] {strides = array<i32>} : memref<8x256xf32, #tpu.memory_space<vmem>>, vector<1x16xf32>,
      %swap3A_1294 = vector.shape_cast %swap3A_1293 : vector<1x16xf32> to vector<16xf32>
      %swap3A_1295 = vector.shape_cast %add3A_1289 : vector<16xf32> to vector<1x16xf32>
      tpu.vector_store %arg9[%swap3A_1291, %swap3A_1292], %swap3A_1295 {strides = array<i32>} : memref<8x256xf32, #tpu.memory_space<vmem>>, vector<1x16xf32>,
      %get3A_1296 = arith.constant 4 : i32
      %get3A_1297 = arith.index_cast %get3A_1296 : i32 to index
      %get3A_1298 = arith.constant 176 : index
      %get3A_1299 = tpu.vector_load %arg9[%get3A_1297, %get3A_1298] {strides = array<i32>} : memref<8x256xf32, #tpu.memory_space<vmem>>, vector<1x16xf32>,
      %get3A_1300 = vector.shape_cast %get3A_1299 : vector<1x16xf32> to vector<16xf32>
      %get3A_1301 = arith.constant 4 : i32
      %get3A_1302 = arith.index_cast %get3A_1301 : i32 to index
      %get3A_1303 = arith.constant 176 : index
      %get3A_1304 = tpu.vector_load %arg10[%get3A_1302, %get3A_1303] {strides = array<i32>} : memref<8x256xf32, #tpu.memory_space<vmem>>, vector<1x16xf32>,
      %get3A_1305 = vector.shape_cast %get3A_1304 : vector<1x16xf32> to vector<16xf32>
      %add3A_1306 = arith.addf %get3A_1300, %get3A_1305 : vector<16xf32>
      %swap3A_1307 = arith.constant 4 : i32
      %swap3A_1308 = arith.index_cast %swap3A_1307 : i32 to index
      %swap3A_1309 = arith.constant 176 : index
      %swap3A_1310 = tpu.vector_load %arg9[%swap3A_1308, %swap3A_1309] {strides = array<i32>} : memref<8x256xf32, #tpu.memory_space<vmem>>, vector<1x16xf32>,
      %swap3A_1311 = vector.shape_cast %swap3A_1310 : vector<1x16xf32> to vector<16xf32>
      %swap3A_1312 = vector.shape_cast %add3A_1306 : vector<16xf32> to vector<1x16xf32>
      tpu.vector_store %arg9[%swap3A_1308, %swap3A_1309], %swap3A_1312 {strides = array<i32>} : memref<8x256xf32, #tpu.memory_space<vmem>>, vector<1x16xf32>,
      %get3A_1313 = arith.constant 4 : i32
      %get3A_1314 = arith.index_cast %get3A_1313 : i32 to index
      %get3A_1315 = arith.constant 192 : index
      %get3A_1316 = tpu.vector_load %arg9[%get3A_1314, %get3A_1315] {strides = array<i32>} : memref<8x256xf32, #tpu.memory_space<vmem>>, vector<1x16xf32>,
      %get3A_1317 = vector.shape_cast %get3A_1316 : vector<1x16xf32> to vector<16xf32>
      %get3A_1318 = arith.constant 4 : i32
      %get3A_1319 = arith.index_cast %get3A_1318 : i32 to index
      %get3A_1320 = arith.constant 192 : index
      %get3A_1321 = tpu.vector_load %arg10[%get3A_1319, %get3A_1320] {strides = array<i32>} : memref<8x256xf32, #tpu.memory_space<vmem>>, vector<1x16xf32>,
      %get3A_1322 = vector.shape_cast %get3A_1321 : vector<1x16xf32> to vector<16xf32>
      %add3A_1323 = arith.addf %get3A_1317, %get3A_1322 : vector<16xf32>
      %swap3A_1324 = arith.constant 4 : i32
      %swap3A_1325 = arith.index_cast %swap3A_1324 : i32 to index
      %swap3A_1326 = arith.constant 192 : index
      %swap3A_1327 = tpu.vector_load %arg9[%swap3A_1325, %swap3A_1326] {strides = array<i32>} : memref<8x256xf32, #tpu.memory_space<vmem>>, vector<1x16xf32>,
      %swap3A_1328 = vector.shape_cast %swap3A_1327 : vector<1x16xf32> to vector<16xf32>
      %swap3A_1329 = vector.shape_cast %add3A_1323 : vector<16xf32> to vector<1x16xf32>
      tpu.vector_store %arg9[%swap3A_1325, %swap3A_1326], %swap3A_1329 {strides = array<i32>} : memref<8x256xf32, #tpu.memory_space<vmem>>, vector<1x16xf32>,
      %get3A_1330 = arith.constant 4 : i32
      %get3A_1331 = arith.index_cast %get3A_1330 : i32 to index
      %get3A_1332 = arith.constant 208 : index
      %get3A_1333 = tpu.vector_load %arg9[%get3A_1331, %get3A_1332] {strides = array<i32>} : memref<8x256xf32, #tpu.memory_space<vmem>>, vector<1x16xf32>,
      %get3A_1334 = vector.shape_cast %get3A_1333 : vector<1x16xf32> to vector<16xf32>
      %get3A_1335 = arith.constant 4 : i32
      %get3A_1336 = arith.index_cast %get3A_1335 : i32 to index
      %get3A_1337 = arith.constant 208 : index
      %get3A_1338 = tpu.vector_load %arg10[%get3A_1336, %get3A_1337] {strides = array<i32>} : memref<8x256xf32, #tpu.memory_space<vmem>>, vector<1x16xf32>,
      %get3A_1339 = vector.shape_cast %get3A_1338 : vector<1x16xf32> to vector<16xf32>
      %add3A_1340 = arith.addf %get3A_1334, %get3A_1339 : vector<16xf32>
      %swap3A_1341 = arith.constant 4 : i32
      %swap3A_1342 = arith.index_cast %swap3A_1341 : i32 to index
      %swap3A_1343 = arith.constant 208 : index
      %swap3A_1344 = tpu.vector_load %arg9[%swap3A_1342, %swap3A_1343] {strides = array<i32>} : memref<8x256xf32, #tpu.memory_space<vmem>>, vector<1x16xf32>,
      %swap3A_1345 = vector.shape_cast %swap3A_1344 : vector<1x16xf32> to vector<16xf32>
      %swap3A_1346 = vector.shape_cast %add3A_1340 : vector<16xf32> to vector<1x16xf32>
      tpu.vector_store %arg9[%swap3A_1342, %swap3A_1343], %swap3A_1346 {strides = array<i32>} : memref<8x256xf32, #tpu.memory_space<vmem>>, vector<1x16xf32>,
      %get3A_1347 = arith.constant 4 : i32
      %get3A_1348 = arith.index_cast %get3A_1347 : i32 to index
      %get3A_1349 = arith.constant 224 : index
      %get3A_1350 = tpu.vector_load %arg9[%get3A_1348, %get3A_1349] {strides = array<i32>} : memref<8x256xf32, #tpu.memory_space<vmem>>, vector<1x16xf32>,
      %get3A_1351 = vector.shape_cast %get3A_1350 : vector<1x16xf32> to vector<16xf32>
      %get3A_1352 = arith.constant 4 : i32
      %get3A_1353 = arith.index_cast %get3A_1352 : i32 to index
      %get3A_1354 = arith.constant 224 : index
      %get3A_1355 = tpu.vector_load %arg10[%get3A_1353, %get3A_1354] {strides = array<i32>} : memref<8x256xf32, #tpu.memory_space<vmem>>, vector<1x16xf32>,
      %get3A_1356 = vector.shape_cast %get3A_1355 : vector<1x16xf32> to vector<16xf32>
      %add3A_1357 = arith.addf %get3A_1351, %get3A_1356 : vector<16xf32>
      %swap3A_1358 = arith.constant 4 : i32
      %swap3A_1359 = arith.index_cast %swap3A_1358 : i32 to index
      %swap3A_1360 = arith.constant 224 : index
      %swap3A_1361 = tpu.vector_load %arg9[%swap3A_1359, %swap3A_1360] {strides = array<i32>} : memref<8x256xf32, #tpu.memory_space<vmem>>, vector<1x16xf32>,
      %swap3A_1362 = vector.shape_cast %swap3A_1361 : vector<1x16xf32> to vector<16xf32>
      %swap3A_1363 = vector.shape_cast %add3A_1357 : vector<16xf32> to vector<1x16xf32>
      tpu.vector_store %arg9[%swap3A_1359, %swap3A_1360], %swap3A_1363 {strides = array<i32>} : memref<8x256xf32, #tpu.memory_space<vmem>>, vector<1x16xf32>,
      %get3A_1364 = arith.constant 4 : i32
      %get3A_1365 = arith.index_cast %get3A_1364 : i32 to index
      %get3A_1366 = arith.constant 240 : index
      %get3A_1367 = tpu.vector_load %arg9[%get3A_1365, %get3A_1366] {strides = array<i32>} : memref<8x256xf32, #tpu.memory_space<vmem>>, vector<1x16xf32>,
      %get3A_1368 = vector.shape_cast %get3A_1367 : vector<1x16xf32> to vector<16xf32>
      %get3A_1369 = arith.constant 4 : i32
      %get3A_1370 = arith.index_cast %get3A_1369 : i32 to index
      %get3A_1371 = arith.constant 240 : index
      %get3A_1372 = tpu.vector_load %arg10[%get3A_1370, %get3A_1371] {strides = array<i32>} : memref<8x256xf32, #tpu.memory_space<vmem>>, vector<1x16xf32>,
      %get3A_1373 = vector.shape_cast %get3A_1372 : vector<1x16xf32> to vector<16xf32>
      %add3A_1374 = arith.addf %get3A_1368, %get3A_1373 : vector<16xf32>
      %swap3A_1375 = arith.constant 4 : i32
      %swap3A_1376 = arith.index_cast %swap3A_1375 : i32 to index
      %swap3A_1377 = arith.constant 240 : index
      %swap3A_1378 = tpu.vector_load %arg9[%swap3A_1376, %swap3A_1377] {strides = array<i32>} : memref<8x256xf32, #tpu.memory_space<vmem>>, vector<1x16xf32>,
      %swap3A_1379 = vector.shape_cast %swap3A_1378 : vector<1x16xf32> to vector<16xf32>
      %swap3A_1380 = vector.shape_cast %add3A_1374 : vector<16xf32> to vector<1x16xf32>
      tpu.vector_store %arg9[%swap3A_1376, %swap3A_1377], %swap3A_1380 {strides = array<i32>} : memref<8x256xf32, #tpu.memory_space<vmem>>, vector<1x16xf32>,
      %get3A_1381 = arith.constant 5 : i32
      %get3A_1382 = arith.index_cast %get3A_1381 : i32 to index
      %get3A_1383 = arith.constant 0 : index
      %get3A_1384 = tpu.vector_load %arg9[%get3A_1382, %get3A_1383] {strides = array<i32>} : memref<8x256xf32, #tpu.memory_space<vmem>>, vector<1x16xf32>,
      %get3A_1385 = vector.shape_cast %get3A_1384 : vector<1x16xf32> to vector<16xf32>
      %get3A_1386 = arith.constant 5 : i32
      %get3A_1387 = arith.index_cast %get3A_1386 : i32 to index
      %get3A_1388 = arith.constant 0 : index
      %get3A_1389 = tpu.vector_load %arg10[%get3A_1387, %get3A_1388] {strides = array<i32>} : memref<8x256xf32, #tpu.memory_space<vmem>>, vector<1x16xf32>,
      %get3A_1390 = vector.shape_cast %get3A_1389 : vector<1x16xf32> to vector<16xf32>
      %add3A_1391 = arith.addf %get3A_1385, %get3A_1390 : vector<16xf32>
      %swap3A_1392 = arith.constant 5 : i32
      %swap3A_1393 = arith.index_cast %swap3A_1392 : i32 to index
      %swap3A_1394 = arith.constant 0 : index
      %swap3A_1395 = tpu.vector_load %arg9[%swap3A_1393, %swap3A_1394] {strides = array<i32>} : memref<8x256xf32, #tpu.memory_space<vmem>>, vector<1x16xf32>,
      %swap3A_1396 = vector.shape_cast %swap3A_1395 : vector<1x16xf32> to vector<16xf32>
      %swap3A_1397 = vector.shape_cast %add3A_1391 : vector<16xf32> to vector<1x16xf32>
      tpu.vector_store %arg9[%swap3A_1393, %swap3A_1394], %swap3A_1397 {strides = array<i32>} : memref<8x256xf32, #tpu.memory_space<vmem>>, vector<1x16xf32>,
      %get3A_1398 = arith.constant 5 : i32
      %get3A_1399 = arith.index_cast %get3A_1398 : i32 to index
      %get3A_1400 = arith.constant 16 : index
      %get3A_1401 = tpu.vector_load %arg9[%get3A_1399, %get3A_1400] {strides = array<i32>} : memref<8x256xf32, #tpu.memory_space<vmem>>, vector<1x16xf32>,
      %get3A_1402 = vector.shape_cast %get3A_1401 : vector<1x16xf32> to vector<16xf32>
      %get3A_1403 = arith.constant 5 : i32
      %get3A_1404 = arith.index_cast %get3A_1403 : i32 to index
      %get3A_1405 = arith.constant 16 : index
      %get3A_1406 = tpu.vector_load %arg10[%get3A_1404, %get3A_1405] {strides = array<i32>} : memref<8x256xf32, #tpu.memory_space<vmem>>, vector<1x16xf32>,
      %get3A_1407 = vector.shape_cast %get3A_1406 : vector<1x16xf32> to vector<16xf32>
      %add3A_1408 = arith.addf %get3A_1402, %get3A_1407 : vector<16xf32>
      %swap3A_1409 = arith.constant 5 : i32
      %swap3A_1410 = arith.index_cast %swap3A_1409 : i32 to index
      %swap3A_1411 = arith.constant 16 : index
      %swap3A_1412 = tpu.vector_load %arg9[%swap3A_1410, %swap3A_1411] {strides = array<i32>} : memref<8x256xf32, #tpu.memory_space<vmem>>, vector<1x16xf32>,
      %swap3A_1413 = vector.shape_cast %swap3A_1412 : vector<1x16xf32> to vector<16xf32>
      %swap3A_1414 = vector.shape_cast %add3A_1408 : vector<16xf32> to vector<1x16xf32>
      tpu.vector_store %arg9[%swap3A_1410, %swap3A_1411], %swap3A_1414 {strides = array<i32>} : memref<8x256xf32, #tpu.memory_space<vmem>>, vector<1x16xf32>,
      %get3A_1415 = arith.constant 5 : i32
      %get3A_1416 = arith.index_cast %get3A_1415 : i32 to index
      %get3A_1417 = arith.constant 32 : index
      %get3A_1418 = tpu.vector_load %arg9[%get3A_1416, %get3A_1417] {strides = array<i32>} : memref<8x256xf32, #tpu.memory_space<vmem>>, vector<1x16xf32>,
      %get3A_1419 = vector.shape_cast %get3A_1418 : vector<1x16xf32> to vector<16xf32>
      %get3A_1420 = arith.constant 5 : i32
      %get3A_1421 = arith.index_cast %get3A_1420 : i32 to index
      %get3A_1422 = arith.constant 32 : index
      %get3A_1423 = tpu.vector_load %arg10[%get3A_1421, %get3A_1422] {strides = array<i32>} : memref<8x256xf32, #tpu.memory_space<vmem>>, vector<1x16xf32>,
      %get3A_1424 = vector.shape_cast %get3A_1423 : vector<1x16xf32> to vector<16xf32>
      %add3A_1425 = arith.addf %get3A_1419, %get3A_1424 : vector<16xf32>
      %swap3A_1426 = arith.constant 5 : i32
      %swap3A_1427 = arith.index_cast %swap3A_1426 : i32 to index
      %swap3A_1428 = arith.constant 32 : index
      %swap3A_1429 = tpu.vector_load %arg9[%swap3A_1427, %swap3A_1428] {strides = array<i32>} : memref<8x256xf32, #tpu.memory_space<vmem>>, vector<1x16xf32>,
      %swap3A_1430 = vector.shape_cast %swap3A_1429 : vector<1x16xf32> to vector<16xf32>
      %swap3A_1431 = vector.shape_cast %add3A_1425 : vector<16xf32> to vector<1x16xf32>
      tpu.vector_store %arg9[%swap3A_1427, %swap3A_1428], %swap3A_1431 {strides = array<i32>} : memref<8x256xf32, #tpu.memory_space<vmem>>, vector<1x16xf32>,
      %get3A_1432 = arith.constant 5 : i32
      %get3A_1433 = arith.index_cast %get3A_1432 : i32 to index
      %get3A_1434 = arith.constant 48 : index
      %get3A_1435 = tpu.vector_load %arg9[%get3A_1433, %get3A_1434] {strides = array<i32>} : memref<8x256xf32, #tpu.memory_space<vmem>>, vector<1x16xf32>,
      %get3A_1436 = vector.shape_cast %get3A_1435 : vector<1x16xf32> to vector<16xf32>
      %get3A_1437 = arith.constant 5 : i32
      %get3A_1438 = arith.index_cast %get3A_1437 : i32 to index
      %get3A_1439 = arith.constant 48 : index
      %get3A_1440 = tpu.vector_load %arg10[%get3A_1438, %get3A_1439] {strides = array<i32>} : memref<8x256xf32, #tpu.memory_space<vmem>>, vector<1x16xf32>,
      %get3A_1441 = vector.shape_cast %get3A_1440 : vector<1x16xf32> to vector<16xf32>
      %add3A_1442 = arith.addf %get3A_1436, %get3A_1441 : vector<16xf32>
      %swap3A_1443 = arith.constant 5 : i32
      %swap3A_1444 = arith.index_cast %swap3A_1443 : i32 to index
      %swap3A_1445 = arith.constant 48 : index
      %swap3A_1446 = tpu.vector_load %arg9[%swap3A_1444, %swap3A_1445] {strides = array<i32>} : memref<8x256xf32, #tpu.memory_space<vmem>>, vector<1x16xf32>,
      %swap3A_1447 = vector.shape_cast %swap3A_1446 : vector<1x16xf32> to vector<16xf32>
      %swap3A_1448 = vector.shape_cast %add3A_1442 : vector<16xf32> to vector<1x16xf32>
      tpu.vector_store %arg9[%swap3A_1444, %swap3A_1445], %swap3A_1448 {strides = array<i32>} : memref<8x256xf32, #tpu.memory_space<vmem>>, vector<1x16xf32>,
      %get3A_1449 = arith.constant 5 : i32
      %get3A_1450 = arith.index_cast %get3A_1449 : i32 to index
      %get3A_1451 = arith.constant 64 : index
      %get3A_1452 = tpu.vector_load %arg9[%get3A_1450, %get3A_1451] {strides = array<i32>} : memref<8x256xf32, #tpu.memory_space<vmem>>, vector<1x16xf32>,
      %get3A_1453 = vector.shape_cast %get3A_1452 : vector<1x16xf32> to vector<16xf32>
      %get3A_1454 = arith.constant 5 : i32
      %get3A_1455 = arith.index_cast %get3A_1454 : i32 to index
      %get3A_1456 = arith.constant 64 : index
      %get3A_1457 = tpu.vector_load %arg10[%get3A_1455, %get3A_1456] {strides = array<i32>} : memref<8x256xf32, #tpu.memory_space<vmem>>, vector<1x16xf32>,
      %get3A_1458 = vector.shape_cast %get3A_1457 : vector<1x16xf32> to vector<16xf32>
      %add3A_1459 = arith.addf %get3A_1453, %get3A_1458 : vector<16xf32>
      %swap3A_1460 = arith.constant 5 : i32
      %swap3A_1461 = arith.index_cast %swap3A_1460 : i32 to index
      %swap3A_1462 = arith.constant 64 : index
      %swap3A_1463 = tpu.vector_load %arg9[%swap3A_1461, %swap3A_1462] {strides = array<i32>} : memref<8x256xf32, #tpu.memory_space<vmem>>, vector<1x16xf32>,
      %swap3A_1464 = vector.shape_cast %swap3A_1463 : vector<1x16xf32> to vector<16xf32>
      %swap3A_1465 = vector.shape_cast %add3A_1459 : vector<16xf32> to vector<1x16xf32>
      tpu.vector_store %arg9[%swap3A_1461, %swap3A_1462], %swap3A_1465 {strides = array<i32>} : memref<8x256xf32, #tpu.memory_space<vmem>>, vector<1x16xf32>,
      %get3A_1466 = arith.constant 5 : i32
      %get3A_1467 = arith.index_cast %get3A_1466 : i32 to index
      %get3A_1468 = arith.constant 80 : index
      %get3A_1469 = tpu.vector_load %arg9[%get3A_1467, %get3A_1468] {strides = array<i32>} : memref<8x256xf32, #tpu.memory_space<vmem>>, vector<1x16xf32>,
      %get3A_1470 = vector.shape_cast %get3A_1469 : vector<1x16xf32> to vector<16xf32>
      %get3A_1471 = arith.constant 5 : i32
      %get3A_1472 = arith.index_cast %get3A_1471 : i32 to index
      %get3A_1473 = arith.constant 80 : index
      %get3A_1474 = tpu.vector_load %arg10[%get3A_1472, %get3A_1473] {strides = array<i32>} : memref<8x256xf32, #tpu.memory_space<vmem>>, vector<1x16xf32>,
      %get3A_1475 = vector.shape_cast %get3A_1474 : vector<1x16xf32> to vector<16xf32>
      %add3A_1476 = arith.addf %get3A_1470, %get3A_1475 : vector<16xf32>
      %swap3A_1477 = arith.constant 5 : i32
      %swap3A_1478 = arith.index_cast %swap3A_1477 : i32 to index
      %swap3A_1479 = arith.constant 80 : index
      %swap3A_1480 = tpu.vector_load %arg9[%swap3A_1478, %swap3A_1479] {strides = array<i32>} : memref<8x256xf32, #tpu.memory_space<vmem>>, vector<1x16xf32>,
      %swap3A_1481 = vector.shape_cast %swap3A_1480 : vector<1x16xf32> to vector<16xf32>
      %swap3A_1482 = vector.shape_cast %add3A_1476 : vector<16xf32> to vector<1x16xf32>
      tpu.vector_store %arg9[%swap3A_1478, %swap3A_1479], %swap3A_1482 {strides = array<i32>} : memref<8x256xf32, #tpu.memory_space<vmem>>, vector<1x16xf32>,
      %get3A_1483 = arith.constant 5 : i32
      %get3A_1484 = arith.index_cast %get3A_1483 : i32 to index
      %get3A_1485 = arith.constant 96 : index
      %get3A_1486 = tpu.vector_load %arg9[%get3A_1484, %get3A_1485] {strides = array<i32>} : memref<8x256xf32, #tpu.memory_space<vmem>>, vector<1x16xf32>,
      %get3A_1487 = vector.shape_cast %get3A_1486 : vector<1x16xf32> to vector<16xf32>
      %get3A_1488 = arith.constant 5 : i32
      %get3A_1489 = arith.index_cast %get3A_1488 : i32 to index
      %get3A_1490 = arith.constant 96 : index
      %get3A_1491 = tpu.vector_load %arg10[%get3A_1489, %get3A_1490] {strides = array<i32>} : memref<8x256xf32, #tpu.memory_space<vmem>>, vector<1x16xf32>,
      %get3A_1492 = vector.shape_cast %get3A_1491 : vector<1x16xf32> to vector<16xf32>
      %add3A_1493 = arith.addf %get3A_1487, %get3A_1492 : vector<16xf32>
      %swap3A_1494 = arith.constant 5 : i32
      %swap3A_1495 = arith.index_cast %swap3A_1494 : i32 to index
      %swap3A_1496 = arith.constant 96 : index
      %swap3A_1497 = tpu.vector_load %arg9[%swap3A_1495, %swap3A_1496] {strides = array<i32>} : memref<8x256xf32, #tpu.memory_space<vmem>>, vector<1x16xf32>,
      %swap3A_1498 = vector.shape_cast %swap3A_1497 : vector<1x16xf32> to vector<16xf32>
      %swap3A_1499 = vector.shape_cast %add3A_1493 : vector<16xf32> to vector<1x16xf32>
      tpu.vector_store %arg9[%swap3A_1495, %swap3A_1496], %swap3A_1499 {strides = array<i32>} : memref<8x256xf32, #tpu.memory_space<vmem>>, vector<1x16xf32>,
      %get3A_1500 = arith.constant 5 : i32
      %get3A_1501 = arith.index_cast %get3A_1500 : i32 to index
      %get3A_1502 = arith.constant 112 : index
      %get3A_1503 = tpu.vector_load %arg9[%get3A_1501, %get3A_1502] {strides = array<i32>} : memref<8x256xf32, #tpu.memory_space<vmem>>, vector<1x16xf32>,
      %get3A_1504 = vector.shape_cast %get3A_1503 : vector<1x16xf32> to vector<16xf32>
      %get3A_1505 = arith.constant 5 : i32
      %get3A_1506 = arith.index_cast %get3A_1505 : i32 to index
      %get3A_1507 = arith.constant 112 : index
      %get3A_1508 = tpu.vector_load %arg10[%get3A_1506, %get3A_1507] {strides = array<i32>} : memref<8x256xf32, #tpu.memory_space<vmem>>, vector<1x16xf32>,
      %get3A_1509 = vector.shape_cast %get3A_1508 : vector<1x16xf32> to vector<16xf32>
      %add3A_1510 = arith.addf %get3A_1504, %get3A_1509 : vector<16xf32>
      %swap3A_1511 = arith.constant 5 : i32
      %swap3A_1512 = arith.index_cast %swap3A_1511 : i32 to index
      %swap3A_1513 = arith.constant 112 : index
      %swap3A_1514 = tpu.vector_load %arg9[%swap3A_1512, %swap3A_1513] {strides = array<i32>} : memref<8x256xf32, #tpu.memory_space<vmem>>, vector<1x16xf32>,
      %swap3A_1515 = vector.shape_cast %swap3A_1514 : vector<1x16xf32> to vector<16xf32>
      %swap3A_1516 = vector.shape_cast %add3A_1510 : vector<16xf32> to vector<1x16xf32>
      tpu.vector_store %arg9[%swap3A_1512, %swap3A_1513], %swap3A_1516 {strides = array<i32>} : memref<8x256xf32, #tpu.memory_space<vmem>>, vector<1x16xf32>,
      %get3A_1517 = arith.constant 5 : i32
      %get3A_1518 = arith.index_cast %get3A_1517 : i32 to index
      %get3A_1519 = arith.constant 128 : index
      %get3A_1520 = tpu.vector_load %arg9[%get3A_1518, %get3A_1519] {strides = array<i32>} : memref<8x256xf32, #tpu.memory_space<vmem>>, vector<1x16xf32>,
      %get3A_1521 = vector.shape_cast %get3A_1520 : vector<1x16xf32> to vector<16xf32>
      %get3A_1522 = arith.constant 5 : i32
      %get3A_1523 = arith.index_cast %get3A_1522 : i32 to index
      %get3A_1524 = arith.constant 128 : index
      %get3A_1525 = tpu.vector_load %arg10[%get3A_1523, %get3A_1524] {strides = array<i32>} : memref<8x256xf32, #tpu.memory_space<vmem>>, vector<1x16xf32>,
      %get3A_1526 = vector.shape_cast %get3A_1525 : vector<1x16xf32> to vector<16xf32>
      %add3A_1527 = arith.addf %get3A_1521, %get3A_1526 : vector<16xf32>
      %swap3A_1528 = arith.constant 5 : i32
      %swap3A_1529 = arith.index_cast %swap3A_1528 : i32 to index
      %swap3A_1530 = arith.constant 128 : index
      %swap3A_1531 = tpu.vector_load %arg9[%swap3A_1529, %swap3A_1530] {strides = array<i32>} : memref<8x256xf32, #tpu.memory_space<vmem>>, vector<1x16xf32>,
      %swap3A_1532 = vector.shape_cast %swap3A_1531 : vector<1x16xf32> to vector<16xf32>
      %swap3A_1533 = vector.shape_cast %add3A_1527 : vector<16xf32> to vector<1x16xf32>
      tpu.vector_store %arg9[%swap3A_1529, %swap3A_1530], %swap3A_1533 {strides = array<i32>} : memref<8x256xf32, #tpu.memory_space<vmem>>, vector<1x16xf32>,
      %get3A_1534 = arith.constant 5 : i32
      %get3A_1535 = arith.index_cast %get3A_1534 : i32 to index
      %get3A_1536 = arith.constant 144 : index
      %get3A_1537 = tpu.vector_load %arg9[%get3A_1535, %get3A_1536] {strides = array<i32>} : memref<8x256xf32, #tpu.memory_space<vmem>>, vector<1x16xf32>,
      %get3A_1538 = vector.shape_cast %get3A_1537 : vector<1x16xf32> to vector<16xf32>
      %get3A_1539 = arith.constant 5 : i32
      %get3A_1540 = arith.index_cast %get3A_1539 : i32 to index
      %get3A_1541 = arith.constant 144 : index
      %get3A_1542 = tpu.vector_load %arg10[%get3A_1540, %get3A_1541] {strides = array<i32>} : memref<8x256xf32, #tpu.memory_space<vmem>>, vector<1x16xf32>,
      %get3A_1543 = vector.shape_cast %get3A_1542 : vector<1x16xf32> to vector<16xf32>
      %add3A_1544 = arith.addf %get3A_1538, %get3A_1543 : vector<16xf32>
      %swap3A_1545 = arith.constant 5 : i32
      %swap3A_1546 = arith.index_cast %swap3A_1545 : i32 to index
      %swap3A_1547 = arith.constant 144 : index
      %swap3A_1548 = tpu.vector_load %arg9[%swap3A_1546, %swap3A_1547] {strides = array<i32>} : memref<8x256xf32, #tpu.memory_space<vmem>>, vector<1x16xf32>,
      %swap3A_1549 = vector.shape_cast %swap3A_1548 : vector<1x16xf32> to vector<16xf32>
      %swap3A_1550 = vector.shape_cast %add3A_1544 : vector<16xf32> to vector<1x16xf32>
      tpu.vector_store %arg9[%swap3A_1546, %swap3A_1547], %swap3A_1550 {strides = array<i32>} : memref<8x256xf32, #tpu.memory_space<vmem>>, vector<1x16xf32>,
      %get3A_1551 = arith.constant 5 : i32
      %get3A_1552 = arith.index_cast %get3A_1551 : i32 to index
      %get3A_1553 = arith.constant 160 : index
      %get3A_1554 = tpu.vector_load %arg9[%get3A_1552, %get3A_1553] {strides = array<i32>} : memref<8x256xf32, #tpu.memory_space<vmem>>, vector<1x16xf32>,
      %get3A_1555 = vector.shape_cast %get3A_1554 : vector<1x16xf32> to vector<16xf32>
      %get3A_1556 = arith.constant 5 : i32
      %get3A_1557 = arith.index_cast %get3A_1556 : i32 to index
      %get3A_1558 = arith.constant 160 : index
      %get3A_1559 = tpu.vector_load %arg10[%get3A_1557, %get3A_1558] {strides = array<i32>} : memref<8x256xf32, #tpu.memory_space<vmem>>, vector<1x16xf32>,
      %get3A_1560 = vector.shape_cast %get3A_1559 : vector<1x16xf32> to vector<16xf32>
      %add3A_1561 = arith.addf %get3A_1555, %get3A_1560 : vector<16xf32>
      %swap3A_1562 = arith.constant 5 : i32
      %swap3A_1563 = arith.index_cast %swap3A_1562 : i32 to index
      %swap3A_1564 = arith.constant 160 : index
      %swap3A_1565 = tpu.vector_load %arg9[%swap3A_1563, %swap3A_1564] {strides = array<i32>} : memref<8x256xf32, #tpu.memory_space<vmem>>, vector<1x16xf32>,
      %swap3A_1566 = vector.shape_cast %swap3A_1565 : vector<1x16xf32> to vector<16xf32>
      %swap3A_1567 = vector.shape_cast %add3A_1561 : vector<16xf32> to vector<1x16xf32>
      tpu.vector_store %arg9[%swap3A_1563, %swap3A_1564], %swap3A_1567 {strides = array<i32>} : memref<8x256xf32, #tpu.memory_space<vmem>>, vector<1x16xf32>,
      %get3A_1568 = arith.constant 5 : i32
      %get3A_1569 = arith.index_cast %get3A_1568 : i32 to index
      %get3A_1570 = arith.constant 176 : index
      %get3A_1571 = tpu.vector_load %arg9[%get3A_1569, %get3A_1570] {strides = array<i32>} : memref<8x256xf32, #tpu.memory_space<vmem>>, vector<1x16xf32>,
      %get3A_1572 = vector.shape_cast %get3A_1571 : vector<1x16xf32> to vector<16xf32>
      %get3A_1573 = arith.constant 5 : i32
      %get3A_1574 = arith.index_cast %get3A_1573 : i32 to index
      %get3A_1575 = arith.constant 176 : index
      %get3A_1576 = tpu.vector_load %arg10[%get3A_1574, %get3A_1575] {strides = array<i32>} : memref<8x256xf32, #tpu.memory_space<vmem>>, vector<1x16xf32>,
      %get3A_1577 = vector.shape_cast %get3A_1576 : vector<1x16xf32> to vector<16xf32>
      %add3A_1578 = arith.addf %get3A_1572, %get3A_1577 : vector<16xf32>
      %swap3A_1579 = arith.constant 5 : i32
      %swap3A_1580 = arith.index_cast %swap3A_1579 : i32 to index
      %swap3A_1581 = arith.constant 176 : index
      %swap3A_1582 = tpu.vector_load %arg9[%swap3A_1580, %swap3A_1581] {strides = array<i32>} : memref<8x256xf32, #tpu.memory_space<vmem>>, vector<1x16xf32>,
      %swap3A_1583 = vector.shape_cast %swap3A_1582 : vector<1x16xf32> to vector<16xf32>
      %swap3A_1584 = vector.shape_cast %add3A_1578 : vector<16xf32> to vector<1x16xf32>
      tpu.vector_store %arg9[%swap3A_1580, %swap3A_1581], %swap3A_1584 {strides = array<i32>} : memref<8x256xf32, #tpu.memory_space<vmem>>, vector<1x16xf32>,
      %get3A_1585 = arith.constant 5 : i32
      %get3A_1586 = arith.index_cast %get3A_1585 : i32 to index
      %get3A_1587 = arith.constant 192 : index
      %get3A_1588 = tpu.vector_load %arg9[%get3A_1586, %get3A_1587] {strides = array<i32>} : memref<8x256xf32, #tpu.memory_space<vmem>>, vector<1x16xf32>,
      %get3A_1589 = vector.shape_cast %get3A_1588 : vector<1x16xf32> to vector<16xf32>
      %get3A_1590 = arith.constant 5 : i32
      %get3A_1591 = arith.index_cast %get3A_1590 : i32 to index
      %get3A_1592 = arith.constant 192 : index
      %get3A_1593 = tpu.vector_load %arg10[%get3A_1591, %get3A_1592] {strides = array<i32>} : memref<8x256xf32, #tpu.memory_space<vmem>>, vector<1x16xf32>,
      %get3A_1594 = vector.shape_cast %get3A_1593 : vector<1x16xf32> to vector<16xf32>
      %add3A_1595 = arith.addf %get3A_1589, %get3A_1594 : vector<16xf32>
      %swap3A_1596 = arith.constant 5 : i32
      %swap3A_1597 = arith.index_cast %swap3A_1596 : i32 to index
      %swap3A_1598 = arith.constant 192 : index
      %swap3A_1599 = tpu.vector_load %arg9[%swap3A_1597, %swap3A_1598] {strides = array<i32>} : memref<8x256xf32, #tpu.memory_space<vmem>>, vector<1x16xf32>,
      %swap3A_1600 = vector.shape_cast %swap3A_1599 : vector<1x16xf32> to vector<16xf32>
      %swap3A_1601 = vector.shape_cast %add3A_1595 : vector<16xf32> to vector<1x16xf32>
      tpu.vector_store %arg9[%swap3A_1597, %swap3A_1598], %swap3A_1601 {strides = array<i32>} : memref<8x256xf32, #tpu.memory_space<vmem>>, vector<1x16xf32>,
      %get3A_1602 = arith.constant 5 : i32
      %get3A_1603 = arith.index_cast %get3A_1602 : i32 to index
      %get3A_1604 = arith.constant 208 : index
      %get3A_1605 = tpu.vector_load %arg9[%get3A_1603, %get3A_1604] {strides = array<i32>} : memref<8x256xf32, #tpu.memory_space<vmem>>, vector<1x16xf32>,
      %get3A_1606 = vector.shape_cast %get3A_1605 : vector<1x16xf32> to vector<16xf32>
      %get3A_1607 = arith.constant 5 : i32
      %get3A_1608 = arith.index_cast %get3A_1607 : i32 to index
      %get3A_1609 = arith.constant 208 : index
      %get3A_1610 = tpu.vector_load %arg10[%get3A_1608, %get3A_1609] {strides = array<i32>} : memref<8x256xf32, #tpu.memory_space<vmem>>, vector<1x16xf32>,
      %get3A_1611 = vector.shape_cast %get3A_1610 : vector<1x16xf32> to vector<16xf32>
      %add3A_1612 = arith.addf %get3A_1606, %get3A_1611 : vector<16xf32>
      %swap3A_1613 = arith.constant 5 : i32
      %swap3A_1614 = arith.index_cast %swap3A_1613 : i32 to index
      %swap3A_1615 = arith.constant 208 : index
      %swap3A_1616 = tpu.vector_load %arg9[%swap3A_1614, %swap3A_1615] {strides = array<i32>} : memref<8x256xf32, #tpu.memory_space<vmem>>, vector<1x16xf32>,
      %swap3A_1617 = vector.shape_cast %swap3A_1616 : vector<1x16xf32> to vector<16xf32>
      %swap3A_1618 = vector.shape_cast %add3A_1612 : vector<16xf32> to vector<1x16xf32>
      tpu.vector_store %arg9[%swap3A_1614, %swap3A_1615], %swap3A_1618 {strides = array<i32>} : memref<8x256xf32, #tpu.memory_space<vmem>>, vector<1x16xf32>,
      %get3A_1619 = arith.constant 5 : i32
      %get3A_1620 = arith.index_cast %get3A_1619 : i32 to index
      %get3A_1621 = arith.constant 224 : index
      %get3A_1622 = tpu.vector_load %arg9[%get3A_1620, %get3A_1621] {strides = array<i32>} : memref<8x256xf32, #tpu.memory_space<vmem>>, vector<1x16xf32>,
      %get3A_1623 = vector.shape_cast %get3A_1622 : vector<1x16xf32> to vector<16xf32>
      %get3A_1624 = arith.constant 5 : i32
      %get3A_1625 = arith.index_cast %get3A_1624 : i32 to index
      %get3A_1626 = arith.constant 224 : index
      %get3A_1627 = tpu.vector_load %arg10[%get3A_1625, %get3A_1626] {strides = array<i32>} : memref<8x256xf32, #tpu.memory_space<vmem>>, vector<1x16xf32>,
      %get3A_1628 = vector.shape_cast %get3A_1627 : vector<1x16xf32> to vector<16xf32>
      %add3A_1629 = arith.addf %get3A_1623, %get3A_1628 : vector<16xf32>
      %swap3A_1630 = arith.constant 5 : i32
      %swap3A_1631 = arith.index_cast %swap3A_1630 : i32 to index
      %swap3A_1632 = arith.constant 224 : index
      %swap3A_1633 = tpu.vector_load %arg9[%swap3A_1631, %swap3A_1632] {strides = array<i32>} : memref<8x256xf32, #tpu.memory_space<vmem>>, vector<1x16xf32>,
      %swap3A_1634 = vector.shape_cast %swap3A_1633 : vector<1x16xf32> to vector<16xf32>
      %swap3A_1635 = vector.shape_cast %add3A_1629 : vector<16xf32> to vector<1x16xf32>
      tpu.vector_store %arg9[%swap3A_1631, %swap3A_1632], %swap3A_1635 {strides = array<i32>} : memref<8x256xf32, #tpu.memory_space<vmem>>, vector<1x16xf32>,
      %get3A_1636 = arith.constant 5 : i32
      %get3A_1637 = arith.index_cast %get3A_1636 : i32 to index
      %get3A_1638 = arith.constant 240 : index
      %get3A_1639 = tpu.vector_load %arg9[%get3A_1637, %get3A_1638] {strides = array<i32>} : memref<8x256xf32, #tpu.memory_space<vmem>>, vector<1x16xf32>,
      %get3A_1640 = vector.shape_cast %get3A_1639 : vector<1x16xf32> to vector<16xf32>
      %get3A_1641 = arith.constant 5 : i32
      %get3A_1642 = arith.index_cast %get3A_1641 : i32 to index
      %get3A_1643 = arith.constant 240 : index
      %get3A_1644 = tpu.vector_load %arg10[%get3A_1642, %get3A_1643] {strides = array<i32>} : memref<8x256xf32, #tpu.memory_space<vmem>>, vector<1x16xf32>,
      %get3A_1645 = vector.shape_cast %get3A_1644 : vector<1x16xf32> to vector<16xf32>
      %add3A_1646 = arith.addf %get3A_1640, %get3A_1645 : vector<16xf32>
      %swap3A_1647 = arith.constant 5 : i32
      %swap3A_1648 = arith.index_cast %swap3A_1647 : i32 to index
      %swap3A_1649 = arith.constant 240 : index
      %swap3A_1650 = tpu.vector_load %arg9[%swap3A_1648, %swap3A_1649] {strides = array<i32>} : memref<8x256xf32, #tpu.memory_space<vmem>>, vector<1x16xf32>,
      %swap3A_1651 = vector.shape_cast %swap3A_1650 : vector<1x16xf32> to vector<16xf32>
      %swap3A_1652 = vector.shape_cast %add3A_1646 : vector<16xf32> to vector<1x16xf32>
      tpu.vector_store %arg9[%swap3A_1648, %swap3A_1649], %swap3A_1652 {strides = array<i32>} : memref<8x256xf32, #tpu.memory_space<vmem>>, vector<1x16xf32>,
      %get3A_1653 = arith.constant 6 : i32
      %get3A_1654 = arith.index_cast %get3A_1653 : i32 to index
      %get3A_1655 = arith.constant 0 : index
      %get3A_1656 = tpu.vector_load %arg9[%get3A_1654, %get3A_1655] {strides = array<i32>} : memref<8x256xf32, #tpu.memory_space<vmem>>, vector<1x16xf32>,
      %get3A_1657 = vector.shape_cast %get3A_1656 : vector<1x16xf32> to vector<16xf32>
      %get3A_1658 = arith.constant 6 : i32
      %get3A_1659 = arith.index_cast %get3A_1658 : i32 to index
      %get3A_1660 = arith.constant 0 : index
      %get3A_1661 = tpu.vector_load %arg10[%get3A_1659, %get3A_1660] {strides = array<i32>} : memref<8x256xf32, #tpu.memory_space<vmem>>, vector<1x16xf32>,
      %get3A_1662 = vector.shape_cast %get3A_1661 : vector<1x16xf32> to vector<16xf32>
      %add3A_1663 = arith.addf %get3A_1657, %get3A_1662 : vector<16xf32>
      %swap3A_1664 = arith.constant 6 : i32
      %swap3A_1665 = arith.index_cast %swap3A_1664 : i32 to index
      %swap3A_1666 = arith.constant 0 : index
      %swap3A_1667 = tpu.vector_load %arg9[%swap3A_1665, %swap3A_1666] {strides = array<i32>} : memref<8x256xf32, #tpu.memory_space<vmem>>, vector<1x16xf32>,
      %swap3A_1668 = vector.shape_cast %swap3A_1667 : vector<1x16xf32> to vector<16xf32>
      %swap3A_1669 = vector.shape_cast %add3A_1663 : vector<16xf32> to vector<1x16xf32>
      tpu.vector_store %arg9[%swap3A_1665, %swap3A_1666], %swap3A_1669 {strides = array<i32>} : memref<8x256xf32, #tpu.memory_space<vmem>>, vector<1x16xf32>,
      %get3A_1670 = arith.constant 6 : i32
      %get3A_1671 = arith.index_cast %get3A_1670 : i32 to index
      %get3A_1672 = arith.constant 16 : index
      %get3A_1673 = tpu.vector_load %arg9[%get3A_1671, %get3A_1672] {strides = array<i32>} : memref<8x256xf32, #tpu.memory_space<vmem>>, vector<1x16xf32>,
      %get3A_1674 = vector.shape_cast %get3A_1673 : vector<1x16xf32> to vector<16xf32>
      %get3A_1675 = arith.constant 6 : i32
      %get3A_1676 = arith.index_cast %get3A_1675 : i32 to index
      %get3A_1677 = arith.constant 16 : index
      %get3A_1678 = tpu.vector_load %arg10[%get3A_1676, %get3A_1677] {strides = array<i32>} : memref<8x256xf32, #tpu.memory_space<vmem>>, vector<1x16xf32>,
      %get3A_1679 = vector.shape_cast %get3A_1678 : vector<1x16xf32> to vector<16xf32>
      %add3A_1680 = arith.addf %get3A_1674, %get3A_1679 : vector<16xf32>
      %swap3A_1681 = arith.constant 6 : i32
      %swap3A_1682 = arith.index_cast %swap3A_1681 : i32 to index
      %swap3A_1683 = arith.constant 16 : index
      %swap3A_1684 = tpu.vector_load %arg9[%swap3A_1682, %swap3A_1683] {strides = array<i32>} : memref<8x256xf32, #tpu.memory_space<vmem>>, vector<1x16xf32>,
      %swap3A_1685 = vector.shape_cast %swap3A_1684 : vector<1x16xf32> to vector<16xf32>
      %swap3A_1686 = vector.shape_cast %add3A_1680 : vector<16xf32> to vector<1x16xf32>
      tpu.vector_store %arg9[%swap3A_1682, %swap3A_1683], %swap3A_1686 {strides = array<i32>} : memref<8x256xf32, #tpu.memory_space<vmem>>, vector<1x16xf32>,
      %get3A_1687 = arith.constant 6 : i32
      %get3A_1688 = arith.index_cast %get3A_1687 : i32 to index
      %get3A_1689 = arith.constant 32 : index
      %get3A_1690 = tpu.vector_load %arg9[%get3A_1688, %get3A_1689] {strides = array<i32>} : memref<8x256xf32, #tpu.memory_space<vmem>>, vector<1x16xf32>,
      %get3A_1691 = vector.shape_cast %get3A_1690 : vector<1x16xf32> to vector<16xf32>
      %get3A_1692 = arith.constant 6 : i32
      %get3A_1693 = arith.index_cast %get3A_1692 : i32 to index
      %get3A_1694 = arith.constant 32 : index
      %get3A_1695 = tpu.vector_load %arg10[%get3A_1693, %get3A_1694] {strides = array<i32>} : memref<8x256xf32, #tpu.memory_space<vmem>>, vector<1x16xf32>,
      %get3A_1696 = vector.shape_cast %get3A_1695 : vector<1x16xf32> to vector<16xf32>
      %add3A_1697 = arith.addf %get3A_1691, %get3A_1696 : vector<16xf32>
      %swap3A_1698 = arith.constant 6 : i32
      %swap3A_1699 = arith.index_cast %swap3A_1698 : i32 to index
      %swap3A_1700 = arith.constant 32 : index
      %swap3A_1701 = tpu.vector_load %arg9[%swap3A_1699, %swap3A_1700] {strides = array<i32>} : memref<8x256xf32, #tpu.memory_space<vmem>>, vector<1x16xf32>,
      %swap3A_1702 = vector.shape_cast %swap3A_1701 : vector<1x16xf32> to vector<16xf32>
      %swap3A_1703 = vector.shape_cast %add3A_1697 : vector<16xf32> to vector<1x16xf32>
      tpu.vector_store %arg9[%swap3A_1699, %swap3A_1700], %swap3A_1703 {strides = array<i32>} : memref<8x256xf32, #tpu.memory_space<vmem>>, vector<1x16xf32>,
      %get3A_1704 = arith.constant 6 : i32
      %get3A_1705 = arith.index_cast %get3A_1704 : i32 to index
      %get3A_1706 = arith.constant 48 : index
      %get3A_1707 = tpu.vector_load %arg9[%get3A_1705, %get3A_1706] {strides = array<i32>} : memref<8x256xf32, #tpu.memory_space<vmem>>, vector<1x16xf32>,
      %get3A_1708 = vector.shape_cast %get3A_1707 : vector<1x16xf32> to vector<16xf32>
      %get3A_1709 = arith.constant 6 : i32
      %get3A_1710 = arith.index_cast %get3A_1709 : i32 to index
      %get3A_1711 = arith.constant 48 : index
      %get3A_1712 = tpu.vector_load %arg10[%get3A_1710, %get3A_1711] {strides = array<i32>} : memref<8x256xf32, #tpu.memory_space<vmem>>, vector<1x16xf32>,
      %get3A_1713 = vector.shape_cast %get3A_1712 : vector<1x16xf32> to vector<16xf32>
      %add3A_1714 = arith.addf %get3A_1708, %get3A_1713 : vector<16xf32>
      %swap3A_1715 = arith.constant 6 : i32
      %swap3A_1716 = arith.index_cast %swap3A_1715 : i32 to index
      %swap3A_1717 = arith.constant 48 : index
      %swap3A_1718 = tpu.vector_load %arg9[%swap3A_1716, %swap3A_1717] {strides = array<i32>} : memref<8x256xf32, #tpu.memory_space<vmem>>, vector<1x16xf32>,
      %swap3A_1719 = vector.shape_cast %swap3A_1718 : vector<1x16xf32> to vector<16xf32>
      %swap3A_1720 = vector.shape_cast %add3A_1714 : vector<16xf32> to vector<1x16xf32>
      tpu.vector_store %arg9[%swap3A_1716, %swap3A_1717], %swap3A_1720 {strides = array<i32>} : memref<8x256xf32, #tpu.memory_space<vmem>>, vector<1x16xf32>,
      %get3A_1721 = arith.constant 6 : i32
      %get3A_1722 = arith.index_cast %get3A_1721 : i32 to index
      %get3A_1723 = arith.constant 64 : index
      %get3A_1724 = tpu.vector_load %arg9[%get3A_1722, %get3A_1723] {strides = array<i32>} : memref<8x256xf32, #tpu.memory_space<vmem>>, vector<1x16xf32>,
      %get3A_1725 = vector.shape_cast %get3A_1724 : vector<1x16xf32> to vector<16xf32>
      %get3A_1726 = arith.constant 6 : i32
      %get3A_1727 = arith.index_cast %get3A_1726 : i32 to index
      %get3A_1728 = arith.constant 64 : index
      %get3A_1729 = tpu.vector_load %arg10[%get3A_1727, %get3A_1728] {strides = array<i32>} : memref<8x256xf32, #tpu.memory_space<vmem>>, vector<1x16xf32>,
      %get3A_1730 = vector.shape_cast %get3A_1729 : vector<1x16xf32> to vector<16xf32>
      %add3A_1731 = arith.addf %get3A_1725, %get3A_1730 : vector<16xf32>
      %swap3A_1732 = arith.constant 6 : i32
      %swap3A_1733 = arith.index_cast %swap3A_1732 : i32 to index
      %swap3A_1734 = arith.constant 64 : index
      %swap3A_1735 = tpu.vector_load %arg9[%swap3A_1733, %swap3A_1734] {strides = array<i32>} : memref<8x256xf32, #tpu.memory_space<vmem>>, vector<1x16xf32>,
      %swap3A_1736 = vector.shape_cast %swap3A_1735 : vector<1x16xf32> to vector<16xf32>
      %swap3A_1737 = vector.shape_cast %add3A_1731 : vector<16xf32> to vector<1x16xf32>
      tpu.vector_store %arg9[%swap3A_1733, %swap3A_1734], %swap3A_1737 {strides = array<i32>} : memref<8x256xf32, #tpu.memory_space<vmem>>, vector<1x16xf32>,
      %get3A_1738 = arith.constant 6 : i32
      %get3A_1739 = arith.index_cast %get3A_1738 : i32 to index
      %get3A_1740 = arith.constant 80 : index
      %get3A_1741 = tpu.vector_load %arg9[%get3A_1739, %get3A_1740] {strides = array<i32>} : memref<8x256xf32, #tpu.memory_space<vmem>>, vector<1x16xf32>,
      %get3A_1742 = vector.shape_cast %get3A_1741 : vector<1x16xf32> to vector<16xf32>
      %get3A_1743 = arith.constant 6 : i32
      %get3A_1744 = arith.index_cast %get3A_1743 : i32 to index
      %get3A_1745 = arith.constant 80 : index
      %get3A_1746 = tpu.vector_load %arg10[%get3A_1744, %get3A_1745] {strides = array<i32>} : memref<8x256xf32, #tpu.memory_space<vmem>>, vector<1x16xf32>,
      %get3A_1747 = vector.shape_cast %get3A_1746 : vector<1x16xf32> to vector<16xf32>
      %add3A_1748 = arith.addf %get3A_1742, %get3A_1747 : vector<16xf32>
      %swap3A_1749 = arith.constant 6 : i32
      %swap3A_1750 = arith.index_cast %swap3A_1749 : i32 to index
      %swap3A_1751 = arith.constant 80 : index
      %swap3A_1752 = tpu.vector_load %arg9[%swap3A_1750, %swap3A_1751] {strides = array<i32>} : memref<8x256xf32, #tpu.memory_space<vmem>>, vector<1x16xf32>,
      %swap3A_1753 = vector.shape_cast %swap3A_1752 : vector<1x16xf32> to vector<16xf32>
      %swap3A_1754 = vector.shape_cast %add3A_1748 : vector<16xf32> to vector<1x16xf32>
      tpu.vector_store %arg9[%swap3A_1750, %swap3A_1751], %swap3A_1754 {strides = array<i32>} : memref<8x256xf32, #tpu.memory_space<vmem>>, vector<1x16xf32>,
      %get3A_1755 = arith.constant 6 : i32
      %get3A_1756 = arith.index_cast %get3A_1755 : i32 to index
      %get3A_1757 = arith.constant 96 : index
      %get3A_1758 = tpu.vector_load %arg9[%get3A_1756, %get3A_1757] {strides = array<i32>} : memref<8x256xf32, #tpu.memory_space<vmem>>, vector<1x16xf32>,
      %get3A_1759 = vector.shape_cast %get3A_1758 : vector<1x16xf32> to vector<16xf32>
      %get3A_1760 = arith.constant 6 : i32
      %get3A_1761 = arith.index_cast %get3A_1760 : i32 to index
      %get3A_1762 = arith.constant 96 : index
      %get3A_1763 = tpu.vector_load %arg10[%get3A_1761, %get3A_1762] {strides = array<i32>} : memref<8x256xf32, #tpu.memory_space<vmem>>, vector<1x16xf32>,
      %get3A_1764 = vector.shape_cast %get3A_1763 : vector<1x16xf32> to vector<16xf32>
      %add3A_1765 = arith.addf %get3A_1759, %get3A_1764 : vector<16xf32>
      %swap3A_1766 = arith.constant 6 : i32
      %swap3A_1767 = arith.index_cast %swap3A_1766 : i32 to index
      %swap3A_1768 = arith.constant 96 : index
      %swap3A_1769 = tpu.vector_load %arg9[%swap3A_1767, %swap3A_1768] {strides = array<i32>} : memref<8x256xf32, #tpu.memory_space<vmem>>, vector<1x16xf32>,
      %swap3A_1770 = vector.shape_cast %swap3A_1769 : vector<1x16xf32> to vector<16xf32>
      %swap3A_1771 = vector.shape_cast %add3A_1765 : vector<16xf32> to vector<1x16xf32>
      tpu.vector_store %arg9[%swap3A_1767, %swap3A_1768], %swap3A_1771 {strides = array<i32>} : memref<8x256xf32, #tpu.memory_space<vmem>>, vector<1x16xf32>,
      %get3A_1772 = arith.constant 6 : i32
      %get3A_1773 = arith.index_cast %get3A_1772 : i32 to index
      %get3A_1774 = arith.constant 112 : index
      %get3A_1775 = tpu.vector_load %arg9[%get3A_1773, %get3A_1774] {strides = array<i32>} : memref<8x256xf32, #tpu.memory_space<vmem>>, vector<1x16xf32>,
      %get3A_1776 = vector.shape_cast %get3A_1775 : vector<1x16xf32> to vector<16xf32>
      %get3A_1777 = arith.constant 6 : i32
      %get3A_1778 = arith.index_cast %get3A_1777 : i32 to index
      %get3A_1779 = arith.constant 112 : index
      %get3A_1780 = tpu.vector_load %arg10[%get3A_1778, %get3A_1779] {strides = array<i32>} : memref<8x256xf32, #tpu.memory_space<vmem>>, vector<1x16xf32>,
      %get3A_1781 = vector.shape_cast %get3A_1780 : vector<1x16xf32> to vector<16xf32>
      %add3A_1782 = arith.addf %get3A_1776, %get3A_1781 : vector<16xf32>
      %swap3A_1783 = arith.constant 6 : i32
      %swap3A_1784 = arith.index_cast %swap3A_1783 : i32 to index
      %swap3A_1785 = arith.constant 112 : index
      %swap3A_1786 = tpu.vector_load %arg9[%swap3A_1784, %swap3A_1785] {strides = array<i32>} : memref<8x256xf32, #tpu.memory_space<vmem>>, vector<1x16xf32>,
      %swap3A_1787 = vector.shape_cast %swap3A_1786 : vector<1x16xf32> to vector<16xf32>
      %swap3A_1788 = vector.shape_cast %add3A_1782 : vector<16xf32> to vector<1x16xf32>
      tpu.vector_store %arg9[%swap3A_1784, %swap3A_1785], %swap3A_1788 {strides = array<i32>} : memref<8x256xf32, #tpu.memory_space<vmem>>, vector<1x16xf32>,
      %get3A_1789 = arith.constant 6 : i32
      %get3A_1790 = arith.index_cast %get3A_1789 : i32 to index
      %get3A_1791 = arith.constant 128 : index
      %get3A_1792 = tpu.vector_load %arg9[%get3A_1790, %get3A_1791] {strides = array<i32>} : memref<8x256xf32, #tpu.memory_space<vmem>>, vector<1x16xf32>,
      %get3A_1793 = vector.shape_cast %get3A_1792 : vector<1x16xf32> to vector<16xf32>
      %get3A_1794 = arith.constant 6 : i32
      %get3A_1795 = arith.index_cast %get3A_1794 : i32 to index
      %get3A_1796 = arith.constant 128 : index
      %get3A_1797 = tpu.vector_load %arg10[%get3A_1795, %get3A_1796] {strides = array<i32>} : memref<8x256xf32, #tpu.memory_space<vmem>>, vector<1x16xf32>,
      %get3A_1798 = vector.shape_cast %get3A_1797 : vector<1x16xf32> to vector<16xf32>
      %add3A_1799 = arith.addf %get3A_1793, %get3A_1798 : vector<16xf32>
      %swap3A_1800 = arith.constant 6 : i32
      %swap3A_1801 = arith.index_cast %swap3A_1800 : i32 to index
      %swap3A_1802 = arith.constant 128 : index
      %swap3A_1803 = tpu.vector_load %arg9[%swap3A_1801, %swap3A_1802] {strides = array<i32>} : memref<8x256xf32, #tpu.memory_space<vmem>>, vector<1x16xf32>,
      %swap3A_1804 = vector.shape_cast %swap3A_1803 : vector<1x16xf32> to vector<16xf32>
      %swap3A_1805 = vector.shape_cast %add3A_1799 : vector<16xf32> to vector<1x16xf32>
      tpu.vector_store %arg9[%swap3A_1801, %swap3A_1802], %swap3A_1805 {strides = array<i32>} : memref<8x256xf32, #tpu.memory_space<vmem>>, vector<1x16xf32>,
      %get3A_1806 = arith.constant 6 : i32
      %get3A_1807 = arith.index_cast %get3A_1806 : i32 to index
      %get3A_1808 = arith.constant 144 : index
      %get3A_1809 = tpu.vector_load %arg9[%get3A_1807, %get3A_1808] {strides = array<i32>} : memref<8x256xf32, #tpu.memory_space<vmem>>, vector<1x16xf32>,
      %get3A_1810 = vector.shape_cast %get3A_1809 : vector<1x16xf32> to vector<16xf32>
      %get3A_1811 = arith.constant 6 : i32
      %get3A_1812 = arith.index_cast %get3A_1811 : i32 to index
      %get3A_1813 = arith.constant 144 : index
      %get3A_1814 = tpu.vector_load %arg10[%get3A_1812, %get3A_1813] {strides = array<i32>} : memref<8x256xf32, #tpu.memory_space<vmem>>, vector<1x16xf32>,
      %get3A_1815 = vector.shape_cast %get3A_1814 : vector<1x16xf32> to vector<16xf32>
      %add3A_1816 = arith.addf %get3A_1810, %get3A_1815 : vector<16xf32>
      %swap3A_1817 = arith.constant 6 : i32
      %swap3A_1818 = arith.index_cast %swap3A_1817 : i32 to index
      %swap3A_1819 = arith.constant 144 : index
      %swap3A_1820 = tpu.vector_load %arg9[%swap3A_1818, %swap3A_1819] {strides = array<i32>} : memref<8x256xf32, #tpu.memory_space<vmem>>, vector<1x16xf32>,
      %swap3A_1821 = vector.shape_cast %swap3A_1820 : vector<1x16xf32> to vector<16xf32>
      %swap3A_1822 = vector.shape_cast %add3A_1816 : vector<16xf32> to vector<1x16xf32>
      tpu.vector_store %arg9[%swap3A_1818, %swap3A_1819], %swap3A_1822 {strides = array<i32>} : memref<8x256xf32, #tpu.memory_space<vmem>>, vector<1x16xf32>,
      %get3A_1823 = arith.constant 6 : i32
      %get3A_1824 = arith.index_cast %get3A_1823 : i32 to index
      %get3A_1825 = arith.constant 160 : index
      %get3A_1826 = tpu.vector_load %arg9[%get3A_1824, %get3A_1825] {strides = array<i32>} : memref<8x256xf32, #tpu.memory_space<vmem>>, vector<1x16xf32>,
      %get3A_1827 = vector.shape_cast %get3A_1826 : vector<1x16xf32> to vector<16xf32>
      %get3A_1828 = arith.constant 6 : i32
      %get3A_1829 = arith.index_cast %get3A_1828 : i32 to index
      %get3A_1830 = arith.constant 160 : index
      %get3A_1831 = tpu.vector_load %arg10[%get3A_1829, %get3A_1830] {strides = array<i32>} : memref<8x256xf32, #tpu.memory_space<vmem>>, vector<1x16xf32>,
      %get3A_1832 = vector.shape_cast %get3A_1831 : vector<1x16xf32> to vector<16xf32>
      %add3A_1833 = arith.addf %get3A_1827, %get3A_1832 : vector<16xf32>
      %swap3A_1834 = arith.constant 6 : i32
      %swap3A_1835 = arith.index_cast %swap3A_1834 : i32 to index
      %swap3A_1836 = arith.constant 160 : index
      %swap3A_1837 = tpu.vector_load %arg9[%swap3A_1835, %swap3A_1836] {strides = array<i32>} : memref<8x256xf32, #tpu.memory_space<vmem>>, vector<1x16xf32>,
      %swap3A_1838 = vector.shape_cast %swap3A_1837 : vector<1x16xf32> to vector<16xf32>
      %swap3A_1839 = vector.shape_cast %add3A_1833 : vector<16xf32> to vector<1x16xf32>
      tpu.vector_store %arg9[%swap3A_1835, %swap3A_1836], %swap3A_1839 {strides = array<i32>} : memref<8x256xf32, #tpu.memory_space<vmem>>, vector<1x16xf32>,
      %get3A_1840 = arith.constant 6 : i32
      %get3A_1841 = arith.index_cast %get3A_1840 : i32 to index
      %get3A_1842 = arith.constant 176 : index
      %get3A_1843 = tpu.vector_load %arg9[%get3A_1841, %get3A_1842] {strides = array<i32>} : memref<8x256xf32, #tpu.memory_space<vmem>>, vector<1x16xf32>,
      %get3A_1844 = vector.shape_cast %get3A_1843 : vector<1x16xf32> to vector<16xf32>
      %get3A_1845 = arith.constant 6 : i32
      %get3A_1846 = arith.index_cast %get3A_1845 : i32 to index
      %get3A_1847 = arith.constant 176 : index
      %get3A_1848 = tpu.vector_load %arg10[%get3A_1846, %get3A_1847] {strides = array<i32>} : memref<8x256xf32, #tpu.memory_space<vmem>>, vector<1x16xf32>,
      %get3A_1849 = vector.shape_cast %get3A_1848 : vector<1x16xf32> to vector<16xf32>
      %add3A_1850 = arith.addf %get3A_1844, %get3A_1849 : vector<16xf32>
      %swap3A_1851 = arith.constant 6 : i32
      %swap3A_1852 = arith.index_cast %swap3A_1851 : i32 to index
      %swap3A_1853 = arith.constant 176 : index
      %swap3A_1854 = tpu.vector_load %arg9[%swap3A_1852, %swap3A_1853] {strides = array<i32>} : memref<8x256xf32, #tpu.memory_space<vmem>>, vector<1x16xf32>,
      %swap3A_1855 = vector.shape_cast %swap3A_1854 : vector<1x16xf32> to vector<16xf32>
      %swap3A_1856 = vector.shape_cast %add3A_1850 : vector<16xf32> to vector<1x16xf32>
      tpu.vector_store %arg9[%swap3A_1852, %swap3A_1853], %swap3A_1856 {strides = array<i32>} : memref<8x256xf32, #tpu.memory_space<vmem>>, vector<1x16xf32>,
      %get3A_1857 = arith.constant 6 : i32
      %get3A_1858 = arith.index_cast %get3A_1857 : i32 to index
      %get3A_1859 = arith.constant 192 : index
      %get3A_1860 = tpu.vector_load %arg9[%get3A_1858, %get3A_1859] {strides = array<i32>} : memref<8x256xf32, #tpu.memory_space<vmem>>, vector<1x16xf32>,
      %get3A_1861 = vector.shape_cast %get3A_1860 : vector<1x16xf32> to vector<16xf32>
      %get3A_1862 = arith.constant 6 : i32
      %get3A_1863 = arith.index_cast %get3A_1862 : i32 to index
      %get3A_1864 = arith.constant 192 : index
      %get3A_1865 = tpu.vector_load %arg10[%get3A_1863, %get3A_1864] {strides = array<i32>} : memref<8x256xf32, #tpu.memory_space<vmem>>, vector<1x16xf32>,
      %get3A_1866 = vector.shape_cast %get3A_1865 : vector<1x16xf32> to vector<16xf32>
      %add3A_1867 = arith.addf %get3A_1861, %get3A_1866 : vector<16xf32>
      %swap3A_1868 = arith.constant 6 : i32
      %swap3A_1869 = arith.index_cast %swap3A_1868 : i32 to index
      %swap3A_1870 = arith.constant 192 : index
      %swap3A_1871 = tpu.vector_load %arg9[%swap3A_1869, %swap3A_1870] {strides = array<i32>} : memref<8x256xf32, #tpu.memory_space<vmem>>, vector<1x16xf32>,
      %swap3A_1872 = vector.shape_cast %swap3A_1871 : vector<1x16xf32> to vector<16xf32>
      %swap3A_1873 = vector.shape_cast %add3A_1867 : vector<16xf32> to vector<1x16xf32>
      tpu.vector_store %arg9[%swap3A_1869, %swap3A_1870], %swap3A_1873 {strides = array<i32>} : memref<8x256xf32, #tpu.memory_space<vmem>>, vector<1x16xf32>,
      %get3A_1874 = arith.constant 6 : i32
      %get3A_1875 = arith.index_cast %get3A_1874 : i32 to index
      %get3A_1876 = arith.constant 208 : index
      %get3A_1877 = tpu.vector_load %arg9[%get3A_1875, %get3A_1876] {strides = array<i32>} : memref<8x256xf32, #tpu.memory_space<vmem>>, vector<1x16xf32>,
      %get3A_1878 = vector.shape_cast %get3A_1877 : vector<1x16xf32> to vector<16xf32>
      %get3A_1879 = arith.constant 6 : i32
      %get3A_1880 = arith.index_cast %get3A_1879 : i32 to index
      %get3A_1881 = arith.constant 208 : index
      %get3A_1882 = tpu.vector_load %arg10[%get3A_1880, %get3A_1881] {strides = array<i32>} : memref<8x256xf32, #tpu.memory_space<vmem>>, vector<1x16xf32>,
      %get3A_1883 = vector.shape_cast %get3A_1882 : vector<1x16xf32> to vector<16xf32>
      %add3A_1884 = arith.addf %get3A_1878, %get3A_1883 : vector<16xf32>
      %swap3A_1885 = arith.constant 6 : i32
      %swap3A_1886 = arith.index_cast %swap3A_1885 : i32 to index
      %swap3A_1887 = arith.constant 208 : index
      %swap3A_1888 = tpu.vector_load %arg9[%swap3A_1886, %swap3A_1887] {strides = array<i32>} : memref<8x256xf32, #tpu.memory_space<vmem>>, vector<1x16xf32>,
      %swap3A_1889 = vector.shape_cast %swap3A_1888 : vector<1x16xf32> to vector<16xf32>
      %swap3A_1890 = vector.shape_cast %add3A_1884 : vector<16xf32> to vector<1x16xf32>
      tpu.vector_store %arg9[%swap3A_1886, %swap3A_1887], %swap3A_1890 {strides = array<i32>} : memref<8x256xf32, #tpu.memory_space<vmem>>, vector<1x16xf32>,
      %get3A_1891 = arith.constant 6 : i32
      %get3A_1892 = arith.index_cast %get3A_1891 : i32 to index
      %get3A_1893 = arith.constant 224 : index
      %get3A_1894 = tpu.vector_load %arg9[%get3A_1892, %get3A_1893] {strides = array<i32>} : memref<8x256xf32, #tpu.memory_space<vmem>>, vector<1x16xf32>,
      %get3A_1895 = vector.shape_cast %get3A_1894 : vector<1x16xf32> to vector<16xf32>
      %get3A_1896 = arith.constant 6 : i32
      %get3A_1897 = arith.index_cast %get3A_1896 : i32 to index
      %get3A_1898 = arith.constant 224 : index
      %get3A_1899 = tpu.vector_load %arg10[%get3A_1897, %get3A_1898] {strides = array<i32>} : memref<8x256xf32, #tpu.memory_space<vmem>>, vector<1x16xf32>,
      %get3A_1900 = vector.shape_cast %get3A_1899 : vector<1x16xf32> to vector<16xf32>
      %add3A_1901 = arith.addf %get3A_1895, %get3A_1900 : vector<16xf32>
      %swap3A_1902 = arith.constant 6 : i32
      %swap3A_1903 = arith.index_cast %swap3A_1902 : i32 to index
      %swap3A_1904 = arith.constant 224 : index
      %swap3A_1905 = tpu.vector_load %arg9[%swap3A_1903, %swap3A_1904] {strides = array<i32>} : memref<8x256xf32, #tpu.memory_space<vmem>>, vector<1x16xf32>,
      %swap3A_1906 = vector.shape_cast %swap3A_1905 : vector<1x16xf32> to vector<16xf32>
      %swap3A_1907 = vector.shape_cast %add3A_1901 : vector<16xf32> to vector<1x16xf32>
      tpu.vector_store %arg9[%swap3A_1903, %swap3A_1904], %swap3A_1907 {strides = array<i32>} : memref<8x256xf32, #tpu.memory_space<vmem>>, vector<1x16xf32>,
      %get3A_1908 = arith.constant 6 : i32
      %get3A_1909 = arith.index_cast %get3A_1908 : i32 to index
      %get3A_1910 = arith.constant 240 : index
      %get3A_1911 = tpu.vector_load %arg9[%get3A_1909, %get3A_1910] {strides = array<i32>} : memref<8x256xf32, #tpu.memory_space<vmem>>, vector<1x16xf32>,
      %get3A_1912 = vector.shape_cast %get3A_1911 : vector<1x16xf32> to vector<16xf32>
      %get3A_1913 = arith.constant 6 : i32
      %get3A_1914 = arith.index_cast %get3A_1913 : i32 to index
      %get3A_1915 = arith.constant 240 : index
      %get3A_1916 = tpu.vector_load %arg10[%get3A_1914, %get3A_1915] {strides = array<i32>} : memref<8x256xf32, #tpu.memory_space<vmem>>, vector<1x16xf32>,
      %get3A_1917 = vector.shape_cast %get3A_1916 : vector<1x16xf32> to vector<16xf32>
      %add3A_1918 = arith.addf %get3A_1912, %get3A_1917 : vector<16xf32>
      %swap3A_1919 = arith.constant 6 : i32
      %swap3A_1920 = arith.index_cast %swap3A_1919 : i32 to index
      %swap3A_1921 = arith.constant 240 : index
      %swap3A_1922 = tpu.vector_load %arg9[%swap3A_1920, %swap3A_1921] {strides = array<i32>} : memref<8x256xf32, #tpu.memory_space<vmem>>, vector<1x16xf32>,
      %swap3A_1923 = vector.shape_cast %swap3A_1922 : vector<1x16xf32> to vector<16xf32>
      %swap3A_1924 = vector.shape_cast %add3A_1918 : vector<16xf32> to vector<1x16xf32>
      tpu.vector_store %arg9[%swap3A_1920, %swap3A_1921], %swap3A_1924 {strides = array<i32>} : memref<8x256xf32, #tpu.memory_space<vmem>>, vector<1x16xf32>,
      %get3A_1925 = arith.constant 7 : i32
      %get3A_1926 = arith.index_cast %get3A_1925 : i32 to index
      %get3A_1927 = arith.constant 0 : index
      %get3A_1928 = tpu.vector_load %arg9[%get3A_1926, %get3A_1927] {strides = array<i32>} : memref<8x256xf32, #tpu.memory_space<vmem>>, vector<1x16xf32>,
      %get3A_1929 = vector.shape_cast %get3A_1928 : vector<1x16xf32> to vector<16xf32>
      %get3A_1930 = arith.constant 7 : i32
      %get3A_1931 = arith.index_cast %get3A_1930 : i32 to index
      %get3A_1932 = arith.constant 0 : index
      %get3A_1933 = tpu.vector_load %arg10[%get3A_1931, %get3A_1932] {strides = array<i32>} : memref<8x256xf32, #tpu.memory_space<vmem>>, vector<1x16xf32>,
      %get3A_1934 = vector.shape_cast %get3A_1933 : vector<1x16xf32> to vector<16xf32>
      %add3A_1935 = arith.addf %get3A_1929, %get3A_1934 : vector<16xf32>
      %swap3A_1936 = arith.constant 7 : i32
      %swap3A_1937 = arith.index_cast %swap3A_1936 : i32 to index
      %swap3A_1938 = arith.constant 0 : index
      %swap3A_1939 = tpu.vector_load %arg9[%swap3A_1937, %swap3A_1938] {strides = array<i32>} : memref<8x256xf32, #tpu.memory_space<vmem>>, vector<1x16xf32>,
      %swap3A_1940 = vector.shape_cast %swap3A_1939 : vector<1x16xf32> to vector<16xf32>
      %swap3A_1941 = vector.shape_cast %add3A_1935 : vector<16xf32> to vector<1x16xf32>
      tpu.vector_store %arg9[%swap3A_1937, %swap3A_1938], %swap3A_1941 {strides = array<i32>} : memref<8x256xf32, #tpu.memory_space<vmem>>, vector<1x16xf32>,
      %get3A_1942 = arith.constant 7 : i32
      %get3A_1943 = arith.index_cast %get3A_1942 : i32 to index
      %get3A_1944 = arith.constant 16 : index
      %get3A_1945 = tpu.vector_load %arg9[%get3A_1943, %get3A_1944] {strides = array<i32>} : memref<8x256xf32, #tpu.memory_space<vmem>>, vector<1x16xf32>,
      %get3A_1946 = vector.shape_cast %get3A_1945 : vector<1x16xf32> to vector<16xf32>
      %get3A_1947 = arith.constant 7 : i32
      %get3A_1948 = arith.index_cast %get3A_1947 : i32 to index
      %get3A_1949 = arith.constant 16 : index
      %get3A_1950 = tpu.vector_load %arg10[%get3A_1948, %get3A_1949] {strides = array<i32>} : memref<8x256xf32, #tpu.memory_space<vmem>>, vector<1x16xf32>,
      %get3A_1951 = vector.shape_cast %get3A_1950 : vector<1x16xf32> to vector<16xf32>
      %add3A_1952 = arith.addf %get3A_1946, %get3A_1951 : vector<16xf32>
      %swap3A_1953 = arith.constant 7 : i32
      %swap3A_1954 = arith.index_cast %swap3A_1953 : i32 to index
      %swap3A_1955 = arith.constant 16 : index
      %swap3A_1956 = tpu.vector_load %arg9[%swap3A_1954, %swap3A_1955] {strides = array<i32>} : memref<8x256xf32, #tpu.memory_space<vmem>>, vector<1x16xf32>,
      %swap3A_1957 = vector.shape_cast %swap3A_1956 : vector<1x16xf32> to vector<16xf32>
      %swap3A_1958 = vector.shape_cast %add3A_1952 : vector<16xf32> to vector<1x16xf32>
      tpu.vector_store %arg9[%swap3A_1954, %swap3A_1955], %swap3A_1958 {strides = array<i32>} : memref<8x256xf32, #tpu.memory_space<vmem>>, vector<1x16xf32>,
      %get3A_1959 = arith.constant 7 : i32
      %get3A_1960 = arith.index_cast %get3A_1959 : i32 to index
      %get3A_1961 = arith.constant 32 : index
      %get3A_1962 = tpu.vector_load %arg9[%get3A_1960, %get3A_1961] {strides = array<i32>} : memref<8x256xf32, #tpu.memory_space<vmem>>, vector<1x16xf32>,
      %get3A_1963 = vector.shape_cast %get3A_1962 : vector<1x16xf32> to vector<16xf32>
      %get3A_1964 = arith.constant 7 : i32
      %get3A_1965 = arith.index_cast %get3A_1964 : i32 to index
      %get3A_1966 = arith.constant 32 : index
      %get3A_1967 = tpu.vector_load %arg10[%get3A_1965, %get3A_1966] {strides = array<i32>} : memref<8x256xf32, #tpu.memory_space<vmem>>, vector<1x16xf32>,
      %get3A_1968 = vector.shape_cast %get3A_1967 : vector<1x16xf32> to vector<16xf32>
      %add3A_1969 = arith.addf %get3A_1963, %get3A_1968 : vector<16xf32>
      %swap3A_1970 = arith.constant 7 : i32
      %swap3A_1971 = arith.index_cast %swap3A_1970 : i32 to index
      %swap3A_1972 = arith.constant 32 : index
      %swap3A_1973 = tpu.vector_load %arg9[%swap3A_1971, %swap3A_1972] {strides = array<i32>} : memref<8x256xf32, #tpu.memory_space<vmem>>, vector<1x16xf32>,
      %swap3A_1974 = vector.shape_cast %swap3A_1973 : vector<1x16xf32> to vector<16xf32>
      %swap3A_1975 = vector.shape_cast %add3A_1969 : vector<16xf32> to vector<1x16xf32>
      tpu.vector_store %arg9[%swap3A_1971, %swap3A_1972], %swap3A_1975 {strides = array<i32>} : memref<8x256xf32, #tpu.memory_space<vmem>>, vector<1x16xf32>,
      %get3A_1976 = arith.constant 7 : i32
      %get3A_1977 = arith.index_cast %get3A_1976 : i32 to index
      %get3A_1978 = arith.constant 48 : index
      %get3A_1979 = tpu.vector_load %arg9[%get3A_1977, %get3A_1978] {strides = array<i32>} : memref<8x256xf32, #tpu.memory_space<vmem>>, vector<1x16xf32>,
      %get3A_1980 = vector.shape_cast %get3A_1979 : vector<1x16xf32> to vector<16xf32>
      %get3A_1981 = arith.constant 7 : i32
      %get3A_1982 = arith.index_cast %get3A_1981 : i32 to index
      %get3A_1983 = arith.constant 48 : index
      %get3A_1984 = tpu.vector_load %arg10[%get3A_1982, %get3A_1983] {strides = array<i32>} : memref<8x256xf32, #tpu.memory_space<vmem>>, vector<1x16xf32>,
      %get3A_1985 = vector.shape_cast %get3A_1984 : vector<1x16xf32> to vector<16xf32>
      %add3A_1986 = arith.addf %get3A_1980, %get3A_1985 : vector<16xf32>
      %swap3A_1987 = arith.constant 7 : i32
      %swap3A_1988 = arith.index_cast %swap3A_1987 : i32 to index
      %swap3A_1989 = arith.constant 48 : index
      %swap3A_1990 = tpu.vector_load %arg9[%swap3A_1988, %swap3A_1989] {strides = array<i32>} : memref<8x256xf32, #tpu.memory_space<vmem>>, vector<1x16xf32>,
      %swap3A_1991 = vector.shape_cast %swap3A_1990 : vector<1x16xf32> to vector<16xf32>
      %swap3A_1992 = vector.shape_cast %add3A_1986 : vector<16xf32> to vector<1x16xf32>
      tpu.vector_store %arg9[%swap3A_1988, %swap3A_1989], %swap3A_1992 {strides = array<i32>} : memref<8x256xf32, #tpu.memory_space<vmem>>, vector<1x16xf32>,
      %get3A_1993 = arith.constant 7 : i32
      %get3A_1994 = arith.index_cast %get3A_1993 : i32 to index
      %get3A_1995 = arith.constant 64 : index
      %get3A_1996 = tpu.vector_load %arg9[%get3A_1994, %get3A_1995] {strides = array<i32>} : memref<8x256xf32, #tpu.memory_space<vmem>>, vector<1x16xf32>,
      %get3A_1997 = vector.shape_cast %get3A_1996 : vector<1x16xf32> to vector<16xf32>
      %get3A_1998 = arith.constant 7 : i32
      %get3A_1999 = arith.index_cast %get3A_1998 : i32 to index
      %get3A_2000 = arith.constant 64 : index
      %get3A_2001 = tpu.vector_load %arg10[%get3A_1999, %get3A_2000] {strides = array<i32>} : memref<8x256xf32, #tpu.memory_space<vmem>>, vector<1x16xf32>,
      %get3A_2002 = vector.shape_cast %get3A_2001 : vector<1x16xf32> to vector<16xf32>
      %add3A_2003 = arith.addf %get3A_1997, %get3A_2002 : vector<16xf32>
      %swap3A_2004 = arith.constant 7 : i32
      %swap3A_2005 = arith.index_cast %swap3A_2004 : i32 to index
      %swap3A_2006 = arith.constant 64 : index
      %swap3A_2007 = tpu.vector_load %arg9[%swap3A_2005, %swap3A_2006] {strides = array<i32>} : memref<8x256xf32, #tpu.memory_space<vmem>>, vector<1x16xf32>,
      %swap3A_2008 = vector.shape_cast %swap3A_2007 : vector<1x16xf32> to vector<16xf32>
      %swap3A_2009 = vector.shape_cast %add3A_2003 : vector<16xf32> to vector<1x16xf32>
      tpu.vector_store %arg9[%swap3A_2005, %swap3A_2006], %swap3A_2009 {strides = array<i32>} : memref<8x256xf32, #tpu.memory_space<vmem>>, vector<1x16xf32>,
      %get3A_2010 = arith.constant 7 : i32
      %get3A_2011 = arith.index_cast %get3A_2010 : i32 to index
      %get3A_2012 = arith.constant 80 : index
      %get3A_2013 = tpu.vector_load %arg9[%get3A_2011, %get3A_2012] {strides = array<i32>} : memref<8x256xf32, #tpu.memory_space<vmem>>, vector<1x16xf32>,
      %get3A_2014 = vector.shape_cast %get3A_2013 : vector<1x16xf32> to vector<16xf32>
      %get3A_2015 = arith.constant 7 : i32
      %get3A_2016 = arith.index_cast %get3A_2015 : i32 to index
      %get3A_2017 = arith.constant 80 : index
      %get3A_2018 = tpu.vector_load %arg10[%get3A_2016, %get3A_2017] {strides = array<i32>} : memref<8x256xf32, #tpu.memory_space<vmem>>, vector<1x16xf32>,
      %get3A_2019 = vector.shape_cast %get3A_2018 : vector<1x16xf32> to vector<16xf32>
      %add3A_2020 = arith.addf %get3A_2014, %get3A_2019 : vector<16xf32>
      %swap3A_2021 = arith.constant 7 : i32
      %swap3A_2022 = arith.index_cast %swap3A_2021 : i32 to index
      %swap3A_2023 = arith.constant 80 : index
      %swap3A_2024 = tpu.vector_load %arg9[%swap3A_2022, %swap3A_2023] {strides = array<i32>} : memref<8x256xf32, #tpu.memory_space<vmem>>, vector<1x16xf32>,
      %swap3A_2025 = vector.shape_cast %swap3A_2024 : vector<1x16xf32> to vector<16xf32>
      %swap3A_2026 = vector.shape_cast %add3A_2020 : vector<16xf32> to vector<1x16xf32>
      tpu.vector_store %arg9[%swap3A_2022, %swap3A_2023], %swap3A_2026 {strides = array<i32>} : memref<8x256xf32, #tpu.memory_space<vmem>>, vector<1x16xf32>,
      %get3A_2027 = arith.constant 7 : i32
      %get3A_2028 = arith.index_cast %get3A_2027 : i32 to index
      %get3A_2029 = arith.constant 96 : index
      %get3A_2030 = tpu.vector_load %arg9[%get3A_2028, %get3A_2029] {strides = array<i32>} : memref<8x256xf32, #tpu.memory_space<vmem>>, vector<1x16xf32>,
      %get3A_2031 = vector.shape_cast %get3A_2030 : vector<1x16xf32> to vector<16xf32>
      %get3A_2032 = arith.constant 7 : i32
      %get3A_2033 = arith.index_cast %get3A_2032 : i32 to index
      %get3A_2034 = arith.constant 96 : index
      %get3A_2035 = tpu.vector_load %arg10[%get3A_2033, %get3A_2034] {strides = array<i32>} : memref<8x256xf32, #tpu.memory_space<vmem>>, vector<1x16xf32>,
      %get3A_2036 = vector.shape_cast %get3A_2035 : vector<1x16xf32> to vector<16xf32>
      %add3A_2037 = arith.addf %get3A_2031, %get3A_2036 : vector<16xf32>
      %swap3A_2038 = arith.constant 7 : i32
      %swap3A_2039 = arith.index_cast %swap3A_2038 : i32 to index
      %swap3A_2040 = arith.constant 96 : index
      %swap3A_2041 = tpu.vector_load %arg9[%swap3A_2039, %swap3A_2040] {strides = array<i32>} : memref<8x256xf32, #tpu.memory_space<vmem>>, vector<1x16xf32>,
      %swap3A_2042 = vector.shape_cast %swap3A_2041 : vector<1x16xf32> to vector<16xf32>
      %swap3A_2043 = vector.shape_cast %add3A_2037 : vector<16xf32> to vector<1x16xf32>
      tpu.vector_store %arg9[%swap3A_2039, %swap3A_2040], %swap3A_2043 {strides = array<i32>} : memref<8x256xf32, #tpu.memory_space<vmem>>, vector<1x16xf32>,
      %get3A_2044 = arith.constant 7 : i32
      %get3A_2045 = arith.index_cast %get3A_2044 : i32 to index
      %get3A_2046 = arith.constant 112 : index
      %get3A_2047 = tpu.vector_load %arg9[%get3A_2045, %get3A_2046] {strides = array<i32>} : memref<8x256xf32, #tpu.memory_space<vmem>>, vector<1x16xf32>,
      %get3A_2048 = vector.shape_cast %get3A_2047 : vector<1x16xf32> to vector<16xf32>
      %get3A_2049 = arith.constant 7 : i32
      %get3A_2050 = arith.index_cast %get3A_2049 : i32 to index
      %get3A_2051 = arith.constant 112 : index
      %get3A_2052 = tpu.vector_load %arg10[%get3A_2050, %get3A_2051] {strides = array<i32>} : memref<8x256xf32, #tpu.memory_space<vmem>>, vector<1x16xf32>,
      %get3A_2053 = vector.shape_cast %get3A_2052 : vector<1x16xf32> to vector<16xf32>
      %add3A_2054 = arith.addf %get3A_2048, %get3A_2053 : vector<16xf32>
      %swap3A_2055 = arith.constant 7 : i32
      %swap3A_2056 = arith.index_cast %swap3A_2055 : i32 to index
      %swap3A_2057 = arith.constant 112 : index
      %swap3A_2058 = tpu.vector_load %arg9[%swap3A_2056, %swap3A_2057] {strides = array<i32>} : memref<8x256xf32, #tpu.memory_space<vmem>>, vector<1x16xf32>,
      %swap3A_2059 = vector.shape_cast %swap3A_2058 : vector<1x16xf32> to vector<16xf32>
      %swap3A_2060 = vector.shape_cast %add3A_2054 : vector<16xf32> to vector<1x16xf32>
      tpu.vector_store %arg9[%swap3A_2056, %swap3A_2057], %swap3A_2060 {strides = array<i32>} : memref<8x256xf32, #tpu.memory_space<vmem>>, vector<1x16xf32>,
      %get3A_2061 = arith.constant 7 : i32
      %get3A_2062 = arith.index_cast %get3A_2061 : i32 to index
      %get3A_2063 = arith.constant 128 : index
      %get3A_2064 = tpu.vector_load %arg9[%get3A_2062, %get3A_2063] {strides = array<i32>} : memref<8x256xf32, #tpu.memory_space<vmem>>, vector<1x16xf32>,
      %get3A_2065 = vector.shape_cast %get3A_2064 : vector<1x16xf32> to vector<16xf32>
      %get3A_2066 = arith.constant 7 : i32
      %get3A_2067 = arith.index_cast %get3A_2066 : i32 to index
      %get3A_2068 = arith.constant 128 : index
      %get3A_2069 = tpu.vector_load %arg10[%get3A_2067, %get3A_2068] {strides = array<i32>} : memref<8x256xf32, #tpu.memory_space<vmem>>, vector<1x16xf32>,
      %get3A_2070 = vector.shape_cast %get3A_2069 : vector<1x16xf32> to vector<16xf32>
      %add3A_2071 = arith.addf %get3A_2065, %get3A_2070 : vector<16xf32>
      %swap3A_2072 = arith.constant 7 : i32
      %swap3A_2073 = arith.index_cast %swap3A_2072 : i32 to index
      %swap3A_2074 = arith.constant 128 : index
      %swap3A_2075 = tpu.vector_load %arg9[%swap3A_2073, %swap3A_2074] {strides = array<i32>} : memref<8x256xf32, #tpu.memory_space<vmem>>, vector<1x16xf32>,
      %swap3A_2076 = vector.shape_cast %swap3A_2075 : vector<1x16xf32> to vector<16xf32>
      %swap3A_2077 = vector.shape_cast %add3A_2071 : vector<16xf32> to vector<1x16xf32>
      tpu.vector_store %arg9[%swap3A_2073, %swap3A_2074], %swap3A_2077 {strides = array<i32>} : memref<8x256xf32, #tpu.memory_space<vmem>>, vector<1x16xf32>,
      %get3A_2078 = arith.constant 7 : i32
      %get3A_2079 = arith.index_cast %get3A_2078 : i32 to index
      %get3A_2080 = arith.constant 144 : index
      %get3A_2081 = tpu.vector_load %arg9[%get3A_2079, %get3A_2080] {strides = array<i32>} : memref<8x256xf32, #tpu.memory_space<vmem>>, vector<1x16xf32>,
      %get3A_2082 = vector.shape_cast %get3A_2081 : vector<1x16xf32> to vector<16xf32>
      %get3A_2083 = arith.constant 7 : i32
      %get3A_2084 = arith.index_cast %get3A_2083 : i32 to index
      %get3A_2085 = arith.constant 144 : index
      %get3A_2086 = tpu.vector_load %arg10[%get3A_2084, %get3A_2085] {strides = array<i32>} : memref<8x256xf32, #tpu.memory_space<vmem>>, vector<1x16xf32>,
      %get3A_2087 = vector.shape_cast %get3A_2086 : vector<1x16xf32> to vector<16xf32>
      %add3A_2088 = arith.addf %get3A_2082, %get3A_2087 : vector<16xf32>
      %swap3A_2089 = arith.constant 7 : i32
      %swap3A_2090 = arith.index_cast %swap3A_2089 : i32 to index
      %swap3A_2091 = arith.constant 144 : index
      %swap3A_2092 = tpu.vector_load %arg9[%swap3A_2090, %swap3A_2091] {strides = array<i32>} : memref<8x256xf32, #tpu.memory_space<vmem>>, vector<1x16xf32>,
      %swap3A_2093 = vector.shape_cast %swap3A_2092 : vector<1x16xf32> to vector<16xf32>
      %swap3A_2094 = vector.shape_cast %add3A_2088 : vector<16xf32> to vector<1x16xf32>
      tpu.vector_store %arg9[%swap3A_2090, %swap3A_2091], %swap3A_2094 {strides = array<i32>} : memref<8x256xf32, #tpu.memory_space<vmem>>, vector<1x16xf32>,
      %get3A_2095 = arith.constant 7 : i32
      %get3A_2096 = arith.index_cast %get3A_2095 : i32 to index
      %get3A_2097 = arith.constant 160 : index
      %get3A_2098 = tpu.vector_load %arg9[%get3A_2096, %get3A_2097] {strides = array<i32>} : memref<8x256xf32, #tpu.memory_space<vmem>>, vector<1x16xf32>,
      %get3A_2099 = vector.shape_cast %get3A_2098 : vector<1x16xf32> to vector<16xf32>
      %get3A_2100 = arith.constant 7 : i32
      %get3A_2101 = arith.index_cast %get3A_2100 : i32 to index
      %get3A_2102 = arith.constant 160 : index
      %get3A_2103 = tpu.vector_load %arg10[%get3A_2101, %get3A_2102] {strides = array<i32>} : memref<8x256xf32, #tpu.memory_space<vmem>>, vector<1x16xf32>,
      %get3A_2104 = vector.shape_cast %get3A_2103 : vector<1x16xf32> to vector<16xf32>
      %add3A_2105 = arith.addf %get3A_2099, %get3A_2104 : vector<16xf32>
      %swap3A_2106 = arith.constant 7 : i32
      %swap3A_2107 = arith.index_cast %swap3A_2106 : i32 to index
      %swap3A_2108 = arith.constant 160 : index
      %swap3A_2109 = tpu.vector_load %arg9[%swap3A_2107, %swap3A_2108] {strides = array<i32>} : memref<8x256xf32, #tpu.memory_space<vmem>>, vector<1x16xf32>,
      %swap3A_2110 = vector.shape_cast %swap3A_2109 : vector<1x16xf32> to vector<16xf32>
      %swap3A_2111 = vector.shape_cast %add3A_2105 : vector<16xf32> to vector<1x16xf32>
      tpu.vector_store %arg9[%swap3A_2107, %swap3A_2108], %swap3A_2111 {strides = array<i32>} : memref<8x256xf32, #tpu.memory_space<vmem>>, vector<1x16xf32>,
      %get3A_2112 = arith.constant 7 : i32
      %get3A_2113 = arith.index_cast %get3A_2112 : i32 to index
      %get3A_2114 = arith.constant 176 : index
      %get3A_2115 = tpu.vector_load %arg9[%get3A_2113, %get3A_2114] {strides = array<i32>} : memref<8x256xf32, #tpu.memory_space<vmem>>, vector<1x16xf32>,
      %get3A_2116 = vector.shape_cast %get3A_2115 : vector<1x16xf32> to vector<16xf32>
      %get3A_2117 = arith.constant 7 : i32
      %get3A_2118 = arith.index_cast %get3A_2117 : i32 to index
      %get3A_2119 = arith.constant 176 : index
      %get3A_2120 = tpu.vector_load %arg10[%get3A_2118, %get3A_2119] {strides = array<i32>} : memref<8x256xf32, #tpu.memory_space<vmem>>, vector<1x16xf32>,
      %get3A_2121 = vector.shape_cast %get3A_2120 : vector<1x16xf32> to vector<16xf32>
      %add3A_2122 = arith.addf %get3A_2116, %get3A_2121 : vector<16xf32>
      %swap3A_2123 = arith.constant 7 : i32
      %swap3A_2124 = arith.index_cast %swap3A_2123 : i32 to index
      %swap3A_2125 = arith.constant 176 : index
      %swap3A_2126 = tpu.vector_load %arg9[%swap3A_2124, %swap3A_2125] {strides = array<i32>} : memref<8x256xf32, #tpu.memory_space<vmem>>, vector<1x16xf32>,
      %swap3A_2127 = vector.shape_cast %swap3A_2126 : vector<1x16xf32> to vector<16xf32>
      %swap3A_2128 = vector.shape_cast %add3A_2122 : vector<16xf32> to vector<1x16xf32>
      tpu.vector_store %arg9[%swap3A_2124, %swap3A_2125], %swap3A_2128 {strides = array<i32>} : memref<8x256xf32, #tpu.memory_space<vmem>>, vector<1x16xf32>,
      %get3A_2129 = arith.constant 7 : i32
      %get3A_2130 = arith.index_cast %get3A_2129 : i32 to index
      %get3A_2131 = arith.constant 192 : index
      %get3A_2132 = tpu.vector_load %arg9[%get3A_2130, %get3A_2131] {strides = array<i32>} : memref<8x256xf32, #tpu.memory_space<vmem>>, vector<1x16xf32>,
      %get3A_2133 = vector.shape_cast %get3A_2132 : vector<1x16xf32> to vector<16xf32>
      %get3A_2134 = arith.constant 7 : i32
      %get3A_2135 = arith.index_cast %get3A_2134 : i32 to index
      %get3A_2136 = arith.constant 192 : index
      %get3A_2137 = tpu.vector_load %arg10[%get3A_2135, %get3A_2136] {strides = array<i32>} : memref<8x256xf32, #tpu.memory_space<vmem>>, vector<1x16xf32>,
      %get3A_2138 = vector.shape_cast %get3A_2137 : vector<1x16xf32> to vector<16xf32>
      %add3A_2139 = arith.addf %get3A_2133, %get3A_2138 : vector<16xf32>
      %swap3A_2140 = arith.constant 7 : i32
      %swap3A_2141 = arith.index_cast %swap3A_2140 : i32 to index
      %swap3A_2142 = arith.constant 192 : index
      %swap3A_2143 = tpu.vector_load %arg9[%swap3A_2141, %swap3A_2142] {strides = array<i32>} : memref<8x256xf32, #tpu.memory_space<vmem>>, vector<1x16xf32>,
      %swap3A_2144 = vector.shape_cast %swap3A_2143 : vector<1x16xf32> to vector<16xf32>
      %swap3A_2145 = vector.shape_cast %add3A_2139 : vector<16xf32> to vector<1x16xf32>
      tpu.vector_store %arg9[%swap3A_2141, %swap3A_2142], %swap3A_2145 {strides = array<i32>} : memref<8x256xf32, #tpu.memory_space<vmem>>, vector<1x16xf32>,
      %get3A_2146 = arith.constant 7 : i32
      %get3A_2147 = arith.index_cast %get3A_2146 : i32 to index
      %get3A_2148 = arith.constant 208 : index
      %get3A_2149 = tpu.vector_load %arg9[%get3A_2147, %get3A_2148] {strides = array<i32>} : memref<8x256xf32, #tpu.memory_space<vmem>>, vector<1x16xf32>,
      %get3A_2150 = vector.shape_cast %get3A_2149 : vector<1x16xf32> to vector<16xf32>
      %get3A_2151 = arith.constant 7 : i32
      %get3A_2152 = arith.index_cast %get3A_2151 : i32 to index
      %get3A_2153 = arith.constant 208 : index
      %get3A_2154 = tpu.vector_load %arg10[%get3A_2152, %get3A_2153] {strides = array<i32>} : memref<8x256xf32, #tpu.memory_space<vmem>>, vector<1x16xf32>,
      %get3A_2155 = vector.shape_cast %get3A_2154 : vector<1x16xf32> to vector<16xf32>
      %add3A_2156 = arith.addf %get3A_2150, %get3A_2155 : vector<16xf32>
      %swap3A_2157 = arith.constant 7 : i32
      %swap3A_2158 = arith.index_cast %swap3A_2157 : i32 to index
      %swap3A_2159 = arith.constant 208 : index
      %swap3A_2160 = tpu.vector_load %arg9[%swap3A_2158, %swap3A_2159] {strides = array<i32>} : memref<8x256xf32, #tpu.memory_space<vmem>>, vector<1x16xf32>,
      %swap3A_2161 = vector.shape_cast %swap3A_2160 : vector<1x16xf32> to vector<16xf32>
      %swap3A_2162 = vector.shape_cast %add3A_2156 : vector<16xf32> to vector<1x16xf32>
      tpu.vector_store %arg9[%swap3A_2158, %swap3A_2159], %swap3A_2162 {strides = array<i32>} : memref<8x256xf32, #tpu.memory_space<vmem>>, vector<1x16xf32>,
      %get3A_2163 = arith.constant 7 : i32
      %get3A_2164 = arith.index_cast %get3A_2163 : i32 to index
      %get3A_2165 = arith.constant 224 : index
      %get3A_2166 = tpu.vector_load %arg9[%get3A_2164, %get3A_2165] {strides = array<i32>} : memref<8x256xf32, #tpu.memory_space<vmem>>, vector<1x16xf32>,
      %get3A_2167 = vector.shape_cast %get3A_2166 : vector<1x16xf32> to vector<16xf32>
      %get3A_2168 = arith.constant 7 : i32
      %get3A_2169 = arith.index_cast %get3A_2168 : i32 to index
      %get3A_2170 = arith.constant 224 : index
      %get3A_2171 = tpu.vector_load %arg10[%get3A_2169, %get3A_2170] {strides = array<i32>} : memref<8x256xf32, #tpu.memory_space<vmem>>, vector<1x16xf32>,
      %get3A_2172 = vector.shape_cast %get3A_2171 : vector<1x16xf32> to vector<16xf32>
      %add3A_2173 = arith.addf %get3A_2167, %get3A_2172 : vector<16xf32>
      %swap3A_2174 = arith.constant 7 : i32
      %swap3A_2175 = arith.index_cast %swap3A_2174 : i32 to index
      %swap3A_2176 = arith.constant 224 : index
      %swap3A_2177 = tpu.vector_load %arg9[%swap3A_2175, %swap3A_2176] {strides = array<i32>} : memref<8x256xf32, #tpu.memory_space<vmem>>, vector<1x16xf32>,
      %swap3A_2178 = vector.shape_cast %swap3A_2177 : vector<1x16xf32> to vector<16xf32>
      %swap3A_2179 = vector.shape_cast %add3A_2173 : vector<16xf32> to vector<1x16xf32>
      tpu.vector_store %arg9[%swap3A_2175, %swap3A_2176], %swap3A_2179 {strides = array<i32>} : memref<8x256xf32, #tpu.memory_space<vmem>>, vector<1x16xf32>,
      %get3A_2180 = arith.constant 7 : i32
      %get3A_2181 = arith.index_cast %get3A_2180 : i32 to index
      %get3A_2182 = arith.constant 240 : index
      %get3A_2183 = tpu.vector_load %arg9[%get3A_2181, %get3A_2182] {strides = array<i32>} : memref<8x256xf32, #tpu.memory_space<vmem>>, vector<1x16xf32>,
      %get3A_2184 = vector.shape_cast %get3A_2183 : vector<1x16xf32> to vector<16xf32>
      %get3A_2185 = arith.constant 7 : i32
      %get3A_2186 = arith.index_cast %get3A_2185 : i32 to index
      %get3A_2187 = arith.constant 240 : index
      %get3A_2188 = tpu.vector_load %arg10[%get3A_2186, %get3A_2187] {strides = array<i32>} : memref<8x256xf32, #tpu.memory_space<vmem>>, vector<1x16xf32>,
      %get3A_2189 = vector.shape_cast %get3A_2188 : vector<1x16xf32> to vector<16xf32>
      %add3A_2190 = arith.addf %get3A_2184, %get3A_2189 : vector<16xf32>
      %swap3A_2191 = arith.constant 7 : i32
      %swap3A_2192 = arith.index_cast %swap3A_2191 : i32 to index
      %swap3A_2193 = arith.constant 240 : index
      %swap3A_2194 = tpu.vector_load %arg9[%swap3A_2192, %swap3A_2193] {strides = array<i32>} : memref<8x256xf32, #tpu.memory_space<vmem>>, vector<1x16xf32>,
      %swap3A_2195 = vector.shape_cast %swap3A_2194 : vector<1x16xf32> to vector<16xf32>
      %swap3A_2196 = vector.shape_cast %add3A_2190 : vector<16xf32> to vector<1x16xf32>
      tpu.vector_store %arg9[%swap3A_2192, %swap3A_2193], %swap3A_2196 {strides = array<i32>} : memref<8x256xf32, #tpu.memory_space<vmem>>, vector<1x16xf32>,
      "tpu.region"() ({
        %run_scoped3A = tpu.sem_alloc : memref<!tpu.dma_semaphore, #tpu.memory_space<semaphore_mem>>
        %dma_start3A_2197 = arith.constant 0 : i32
        %dma_start3A_2198 = tpu.memref_slice %arg6[%mul3A_4, %dma_start3A_2197] : memref<200x256xf32, #tpu.memory_space<hbm>> -> memref<8x256xf32, #tpu.memory_space<hbm>>
        %dma_start3A_2199 = arith.constant 0 : i32
        %dma_start3A_2200 = tpu.memref_slice %arg6[%mul3A_4, %dma_start3A_2199] : memref<200x256xf32, #tpu.memory_space<hbm>> -> memref<8x256xf32, #tpu.memory_space<hbm>>
        tpu.enqueue_dma source(%arg9 : memref<8x256xf32, #tpu.memory_space<vmem>>) target(%dma_start3A_2200 : memref<8x256xf32, #tpu.memory_space<hbm>>) target_semaphore(%run_scoped3A : memref<!tpu.dma_semaphore, #tpu.memory_space<semaphore_mem>>)
        %dma_wait3A_2201 = arith.constant 0 : i32
        %dma_wait3A_2202 = tpu.memref_slice %arg6[%mul3A_4, %dma_wait3A_2201] : memref<200x256xf32, #tpu.memory_space<hbm>> -> memref<8x256xf32, #tpu.memory_space<hbm>>
        %dma_wait3A_2203 = arith.constant 0 : i32
        %dma_wait3A_2204 = tpu.memref_slice %arg6[%mul3A_4, %dma_wait3A_2203] : memref<200x256xf32, #tpu.memory_space<hbm>> -> memref<8x256xf32, #tpu.memory_space<hbm>>
        tpu.wait_dma2 semaphore(%run_scoped3A : memref<!tpu.dma_semaphore, #tpu.memory_space<semaphore_mem>>) src(%arg9 : memref<8x256xf32, #tpu.memory_space<vmem>>) dst(%dma_wait3A_2204 : memref<8x256xf32, #tpu.memory_space<hbm>>)
        tpu.yield
      }) : () -> ()
    } else {
    }
    return
  }
}

module attributes {stable_mosaic.version = 14 : i64} {
  func.func @_tc_stream_body(%arg0: i32, %arg1: memref<32x200xi32, #tpu.memory_space<vmem>>, %arg2: memref<200x256xf32, #tpu.memory_space<vmem>>, %arg3: memref<2x256xf32, #tpu.memory_space<vmem>>, %arg4: memref<32x200x256xf32, #tpu.memory_space<vmem>>) attributes {dimension_semantics = [#tpu.dimension_semantics<arbitrary>], iteration_bounds = array<i64: 32>, scalar_prefetch = 0 : i64, scratch_operands = 0 : i64, tpu.core_type = #tpu.core_type<tc>, window_params = [{transform_indices = @transform_0, window_bounds = array<i64: 32, 200>}, {pipeline_mode = #tpu.pipeline_mode<synchronous>, transform_indices = @transform_1, window_bounds = array<i64: 200, 256>}, {pipeline_mode = #tpu.pipeline_mode<synchronous>, transform_indices = @transform_2, window_bounds = array<i64: 2, 256>}, {transform_indices = @transform_3, window_bounds = array<i64: 32, 200, 256>}]} {
    %get3A = arith.constant 0 : index
    %get3A_0 = arith.constant 0 : index
    %get3A_1 = vector.load %arg1[%get3A, %get3A_0] : memref<32x200xi32, #tpu.memory_space<vmem>>, vector<32x200xi32>
    %convert_element_type3A = arith.sitofp %get3A_1 : vector<32x200xi32> to vector<32x200xf32>
    %get3A_2 = arith.constant 0 : index
    %get3A_3 = arith.constant 0 : index
    %get3A_4 = vector.load %arg2[%get3A_2, %get3A_3] : memref<200x256xf32, #tpu.memory_space<vmem>>, vector<200x256xf32>
    %get3A_5 = arith.constant 0 : index
    %get3A_6 = arith.constant 0 : index
    %get3A_7 = vector.load %arg3[%get3A_5, %get3A_6] : memref<2x256xf32, #tpu.memory_space<vmem>>, vector<1x256xf32>
    %get3A_8 = vector.shape_cast %get3A_7 : vector<1x256xf32> to vector<256xf32>
    %broadcast_in_dim3A = vector.shape_cast %get3A_8 : vector<256xf32> to vector<1x256xf32>
    %add3A = vector.broadcast %broadcast_in_dim3A : vector<1x256xf32> to vector<200x256xf32>
    %add3A_9 = arith.addf %get3A_4, %add3A : vector<200x256xf32>
    %get3A_10 = arith.constant 1 : index
    %get3A_11 = arith.constant 0 : index
    %get3A_12 = vector.load %arg3[%get3A_10, %get3A_11] : memref<2x256xf32, #tpu.memory_space<vmem>>, vector<1x256xf32>
    %get3A_13 = vector.shape_cast %get3A_12 : vector<1x256xf32> to vector<256xf32>
    %get3A_14 = arith.constant 0 : index
    %get3A_15 = arith.constant 0 : index
    %get3A_16 = vector.load %arg3[%get3A_14, %get3A_15] : memref<2x256xf32, #tpu.memory_space<vmem>>, vector<1x256xf32>
    %get3A_17 = vector.shape_cast %get3A_16 : vector<1x256xf32> to vector<256xf32>
    %sub3A = arith.subf %get3A_13, %get3A_17 : vector<256xf32>
    %broadcast_in_dim3A_18 = vector.shape_cast %add3A_9 : vector<200x256xf32> to vector<1x200x256xf32>
    %broadcast_in_dim3A_19 = vector.shape_cast %convert_element_type3A : vector<32x200xf32> to vector<32x200x1xf32>
    %broadcast_in_dim3A_20 = vector.shape_cast %sub3A : vector<256xf32> to vector<1x1x256xf32>
    %mul3A = vector.broadcast %broadcast_in_dim3A_19 : vector<32x200x1xf32> to vector<32x200x256xf32>
    %mul3A_21 = vector.broadcast %broadcast_in_dim3A_20 : vector<1x1x256xf32> to vector<32x200x256xf32>
    %mul3A_22 = arith.mulf %mul3A, %mul3A_21 : vector<32x200x256xf32>
    %add3A_23 = vector.broadcast %broadcast_in_dim3A_18 : vector<1x200x256xf32> to vector<32x200x256xf32>
    %add3A_24 = arith.addf %add3A_23, %mul3A_22 : vector<32x200x256xf32>
    %swap3A = arith.constant 0 : index
    %swap3A_25 = arith.constant 0 : index
    %swap3A_26 = arith.constant 0 : index
    %swap3A_27 = vector.load %arg4[%swap3A, %swap3A_25, %swap3A_26] : memref<32x200x256xf32, #tpu.memory_space<vmem>>, vector<32x200x256xf32>
    tpu.vector_store %arg4[%swap3A, %swap3A_25, %swap3A_26], %add3A_24 {strides = array<i32>} : memref<32x200x256xf32, #tpu.memory_space<vmem>>, vector<32x200x256xf32>,
    return
  }
  func.func @transform_0(%arg0: i32) -> (i32, i32) {
    %c0_i32 = arith.constant 0 : i32
    %c0_i32_0 = arith.constant 0 : i32
    return %arg0, %c0_i32 : i32, i32
  }
  func.func @transform_1(%arg0: i32) -> (i32, i32) {
    %c0_i32 = arith.constant 0 : i32
    %c0_i32_0 = arith.constant 0 : i32
    %c0_i32_1 = arith.constant 0 : i32
    return %c0_i32, %c0_i32_0 : i32, i32
  }
  func.func @transform_2(%arg0: i32) -> (i32, i32) {
    %c0_i32 = arith.constant 0 : i32
    %c0_i32_0 = arith.constant 0 : i32
    %c0_i32_1 = arith.constant 0 : i32
    return %c0_i32, %c0_i32_0 : i32, i32
  }
  func.func @transform_3(%arg0: i32) -> (i32, i32, i32) {
    %c0_i32 = arith.constant 0 : i32
    %c0_i32_0 = arith.constant 0 : i32
    %c0_i32_1 = arith.constant 0 : i32
    return %arg0, %c0_i32, %c0_i32_0 : i32, i32, i32
  }
}

</mosaic_0001>

<sc_bundles>
// kernel: kernel.4.cloned.1.call-start
scs
__scs_entry_jumppad:
0x0: {  	(pc) =	sbr.rel $0x88, $3  }
0x1: {  	(tag) =	ssettag $0x0;
	lr =	simm.s32 $0x1  }
0x2: {  	[smem:$0x3F9B] =	sst lr;
	_ =	strace $0xD0000000  }
0x3: {  	_ = 	snop  }
0x4: {  	_ = 	snop  }
0x5: {  	_ = 	snop  }
0x6: {  	_ = 	snop  }
0x7: {  	_ = 	snop  }
__scs_overlays_trampoline_lowered:
0x8: {  	[smem:$0x3FAA] =	sst s0  }
0x9: {  	[smem:$0x3FAB] =	sst s1  }
0xa: {  	[smem:$0x3FAC] =	sst s2  }
0xb: {  	[smem:$0x3FAD] =	sst s3  }
0xc: {  	[smem:$0x3FAE] =	sst s4  }
0xd: {  	[smem:$0x3FAF] =	sst s5  }
0xe: {  	[smem:$0x3FB0] =	sst s6  }
0xf: {  	[smem:$0x3FB1] =	sst s7  }
0x10: {  	[smem:$0x3FB2] =	sst s8  }
0x11: {  	[smem:$0x3FB3] =	sst s9;
	s0 =	simm.s32 @!p0 $0x0  }
0x12: {  	s1 =	sld [smem:$0x3F99];
	s0 =	simm.s32 @p0 $0x1  }
0x13: {  	[smem:$0x3FB4] =	sst s0;
	s0 =	simm.s32 @!p1 $0x0  }
0x14: {  	s2 =	sld [smem:$0x3F98];
	s0 =	simm.s32 @p1 $0x1  }
0x15: {  	[smem:$0x3FB5] =	sst s0;
	s0 =	simm.s32 @!p2 $0x0  }
0x16: {  	s3 =	sld [smem:$0x3FDB];
	s0 =	simm.s32 @p2 $0x1  }
0x17: {  	s4 =	simm.s32 $0x1BF5;
	[smem:$0x3FB7] =	sst s0  }
0x18: {  	s0 =	sld [smem:$0x3F9A];
	_ =	swait.ge [sflag:s4], $0x0  }
0x19: {  	s7 =	sld [smem:$0x3F9B]  }
0x1a: {  	s8 =	sadd.s32 $0xFFFFE003, lr  }
0x1b: {  	s9 =	sadd.s32 $0xFFFFFEF7, lr;
	s5 =	simm.s32 $0xFFFFFFFF;
	p2 =	slt.u32 s8, $0xFFFFF086  }
0x1c: {  	p1 =	slt.u32 s9, $0xF7A;
	s5 =	simm.s32 @!p2 $0x0  }
0x1d: {  	s5 =	simm.s32 @p1 $0x1;
	p0 =	seq.s32 s7, s2  }
0x1e: {  	s7 =	smul.u32 @!p0 $0xF7A, s2;
	p2 =	seq.s32 @!p0 s5, $0x0  }
0x1f: {  	s9 =	smul.u32 $0xF7A, s1;
	s8 =	simm.s32 @!p0 $0x1BF5;
	p2 =	por !p2, p0  }
0x20: {  	[sflag:s8] =	ssyncset.s32 @!p0 $0xFFFFF086;
	s6 =	sadd.s32 @!p0 s3, s7;
	s7 =	simm.s32 @!p0 $0x108  }
0x21: {  	s3 =	sadd.s32 s3, s9;
	s6 =	sadd.s32 @!p0 $0x88, s6;
	s7 =	simm.s32 @p2 $0x1082  }
0x22: {  	[simem:s7], [sflag:s8] =	dma.local @!p0 [hbm:s6], $0xF7A  }
0x23: {  	s9 =	sor.u32 $0xD0000000, s2;
	s6 =	simm.s32 $0x108;
	_ =	swait.ge @!p0 [sflag:s8], $0x0  }
0x24: {  	s3 =	sadd.s32 $0x88, s3;
	s6 =	simm.s32 @!p1 $0x1082;
	[sflag:s4] =	ssyncset.s32 $0xFFFFF086  }
0x25: {  	[simem:s6], [sflag:s4] =	dma.local [hbm:s3], $0xF7A  }
0x26: {  	[smem:$0x3F9B] =	sst s1;
	(tag) =	ssettag s2;
	_ =	strace s9  }
0x27: {  	s1 =	sld [smem:$0x3FAB]  }
0x28: {  	s2 =	sld [smem:$0x3FAC]  }
0x29: {  	s4 =	sld [smem:$0x3FAE]  }
0x2a: {  	p0 =	seq.s32 s5, $0x0;
	s5 =	sld [smem:$0x3FAF]  }
0x2b: {  	s6 =	sld [smem:$0x3FB0]  }
0x2c: {  	s7 =	sld [smem:$0x3FB1]  }
0x2d: {  	s3 =	simm.s32 $0x108;
	s8 =	sld [smem:$0x3FB2]  }
0x2e: {  	s3 =	simm.s32 @!p0 $0x1082;
	s9 =	sld [smem:$0x3FB3]  }
0x2f: {  	lr =	sadd.s32 s0, s3;
	s0 =	sld [smem:$0x3FAA]  }
0x30: {  	s3 =	sld [smem:$0x3FAD]  }
0x31: {  	[smem:$0x3FB6] =	sst s10  }
0x32: {  	s10 =	sld [smem:$0x3FB4];
	_ =	sdelay $0x3  }
0x33: {  	p0 =	seq.s32 s10, $0x1;
	s10 =	sld [smem:$0x3FB6];
	_ =	sdelay $0x3  }
0x34: {  	[smem:$0x3FB6] =	sst s10  }
0x35: {  	s10 =	sld [smem:$0x3FB5];
	_ =	sdelay $0x3  }
0x36: {  	p1 =	seq.s32 s10, $0x1;
	s10 =	sld [smem:$0x3FB6];
	_ =	sdelay $0x3  }
0x37: {  	[smem:$0x3FB6] =	sst s10  }
0x38: {  	s10 =	sld [smem:$0x3FB7]  }
0x39: {  	_ = 	snop;
	(pc) =	sbr.ind lr, $3  }
0x3a: {  	_ = 	snop  }
0x3b: {  	_ = 	snop  }
0x3c: {  	p2 =	seq.s32 s10, $0x1;
	s10 =	sld [smem:$0x3FB6]  }
0x3d: {  	_ =	shalt  }
0x3e: {  	_ =	shalt  }
0x3f: {  	_ =	shalt  }
0x40: {  	_ =	shalt  }
0x41: {  	_ =	shalt  }
0x42: {  	_ =	shalt  }
0x43: {  	_ =	shalt  }
0x44: {  	_ =	shalt  }
0x45: {  	_ =	shalt  }
0x46: {  	_ =	shalt  }
0x47: {  	_ =	shalt  }
0x48: {  	_ =	shalt  }
0x49: {  	_ =	shalt  }
0x4a: {  	_ =	shalt  }
0x4b: {  	_ =	shalt  }
0x4c: {  	_ =	shalt  }
0x4d: {  	_ =	shalt  }
0x4e: {  	_ =	shalt  }
0x4f: {  	_ =	shalt  }
0x50: {  	_ =	shalt  }
0x51: {  	_ =	shalt  }
0x52: {  	_ =	shalt  }
0x53: {  	_ =	shalt  }
0x54: {  	_ =	shalt  }
0x55: {  	_ =	shalt  }
0x56: {  	_ =	shalt  }
0x57: {  	_ =	shalt  }
0x58: {  	_ =	shalt  }
0x59: {  	_ =	shalt  }
0x5a: {  	_ =	shalt  }
0x5b: {  	_ =	shalt  }
0x5c: {  	_ =	shalt  }
0x5d: {  	_ =	shalt  }
0x5e: {  	_ =	shalt  }
0x5f: {  	_ =	shalt  }
0x60: {  	_ =	shalt  }
0x61: {  	_ =	shalt  }
0x62: {  	_ =	shalt  }
0x63: {  	_ =	shalt  }
0x64: {  	_ =	shalt  }
0x65: {  	_ =	shalt  }
0x66: {  	_ =	shalt  }
0x67: {  	_ =	shalt  }
0x68: {  	_ =	shalt  }
0x69: {  	_ =	shalt  }
0x6a: {  	_ =	shalt  }
0x6b: {  	_ =	shalt  }
0x6c: {  	_ =	shalt  }
0x6d: {  	_ =	shalt  }
0x6e: {  	_ =	shalt  }
0x6f: {  	_ =	shalt  }
0x70: {  	_ =	shalt  }
0x71: {  	_ =	shalt  }
0x72: {  	_ =	shalt  }
0x73: {  	_ =	shalt  }
0x74: {  	_ =	shalt  }
0x75: {  	_ =	shalt  }
0x76: {  	_ =	shalt  }
0x77: {  	_ =	shalt  }
0x78: {  	_ =	shalt  }
0x79: {  	_ =	shalt  }
0x7a: {  	_ =	shalt  }
0x7b: {  	_ =	shalt  }
0x7c: {  	_ =	shalt  }
0x7d: {  	_ =	shalt  }
0x7e: {  	_ =	shalt  }
0x7f: {  	_ =	shalt  }
0x80: {  	_ =	shalt  }
0x81: {  	_ =	shalt  }
0x82: {  	_ =	shalt  }
0x83: {  	_ =	shalt  }
0x84: {  	_ =	shalt  }
0x85: {  	_ =	shalt  }
0x86: {  	_ =	shalt  }
0x87: {  	_ =	shalt  }
.Lfunc_end0:
.L_simem_size_0:
called_computation_lowered:
.L_overlay_start_0:
0x88: {  	s2 =	sld [smem:$0x3FD9]  }
0x89: {  	s3 =	sld [smem:$0x3FFE];
	_ =	sdelay $0x1  }
0x8a: {  	s1 =	srdreg.scid  }
0x8b: {  	s0 =	sand.u32 $0x1, s1  }
0x8c: {  	s18 =	sshll.u32 s0, $0xA;
	s2 =	sadd.s32 s3, s2  }
0x8d: {  	s2 =	sadd.s32 s2, s18  }
0x8e: {  	[smem:$0x3FC2] =	sst s2  }
0x8f: {  	_ = 	snop  }
0x90: {  	s2 =	sld [smem:$0x3FC8]  }
0x91: {  	s19 =	sld [smem:$0x3FC7]  }
0x92: {  	s4 =	sld [smem:$0x3FC6]  }
0x93: {  	s5 =	sld [smem:$0x3FC5]  }
0x94: {  	s6 =	sld [smem:$0x3FD0];
	(tm) =	ssettm $0x1  }
0x95: {  	s7 =	sld [smem:$0x3FFB];
	_ =	sdelay $0x3  }
0x96: {  	_ =	strace s7  }
0x97: {  	s7 =	sld [smem:$0x3FFC];
	_ =	sdelay $0x3  }
0x98: {  	_ =	strace s7  }
0x99: {  	s7 =	sld [smem:$0x3FFD];
	_ =	sdelay $0x3  }
0x9a: {  	_ =	strace s7  }
0x9b: {  	_ =	strace $0x8FFFFFFF  }
0x9c: {  	s20 =	sld [smem:$0x3FDB];
	_ =	sdelay $0x1  }
0x9d: {  	s8 =	simm.s32 $_scs_section_size  }
0x9e: {  	s9 =	simm.s32 $_size__tile_overlayer_lowered;
	s10 =	simm.s32 $_tile_overlayer_lowered  }
0x9f: {  	s23 =	simm.s32 $0x1BFF;
	s22 =	sshll.u32 s10, $0x1;
	s7 =	sadd.s32 s8, s20  }
0xa0: {  	s11 =	simm.s32 $0x0;
	s21 =	sshll.u32 s9, $0x1;
	s9 =	sadd.s32 s22, s7  }
0xa1: {  	[timem:s11], [sflag:s23] =	dma.local [hbm:s9], s21  }
0xa2: {  	_ =	swait.ge [sflag:s23], s21  }
0xa3: {  	s8 =	ssub.s32 $0x0, s21;
	[sflag:s23] =	ssyncset.done $0x0  }
0xa4: {  	[sflag:s23] =	ssyncadd.s32 s8;
	_ =	sdelay $0x1  }
0xa5: {  	s24 =	simm.s32 $0x1B8B  }
0xa6: {  	_ =	swait.ge [sflag:s24], $0x1  }
0xa7: {  	[sflag:s24] =	ssyncset.done $0x0  }
0xa8: {  	s25 =	simm.s32 $0x1B8E;
	[sflag:s24] =	ssyncadd.s32 $0xFFFFFFFF  }
0xa9: {  	s26 =	simm.s32 $execute0_lowered;
	[smem:$0x3FD2] =	sst s25  }
0xaa: {  	s8 =	sshll.u32 s26, $0x1;
	_ =	strace $0x80000046;
	[dreg:$0x1] =	wrdreg $0xFFFFFFFF  }
0xab: {  	s28 =	simm.s32 $_size_execute0_lowered;
	s7 =	sadd.s32 s7, s8;
	[dreg:$0x0] =	wrdreg $0x0  }
0xac: {  	s8 =	sshll.u32 s28, $0x1;
	[dreg:$0x2] =	wrdreg s7  }
0xad: {  	[dreg:$0x3] =	wrdreg s8  }
0xae: {  	[dreg:$0x4] =	wrdreg $0xC0  }
0xaf: {  	_ =	task [dreg:s11], $0x5FFFF  }
0xb0: {  	[dreg:$0x1] =	wrdreg $0xFFFFFFFF  }
0xb1: {  	[dreg:$0x0] =	wrdreg $0x60  }
0xb2: {  	[dreg:$0x2] =	wrdreg s2  }
0xb3: {  	[dreg:$0x3] =	wrdreg s19  }
0xb4: {  	[dreg:$0x4] =	wrdreg s4  }
0xb5: {  	[dreg:$0x5] =	wrdreg s5  }
0xb6: {  	[dreg:$0x6] =	wrdreg s6  }
0xb7: {  	[dreg:$0x7] =	wrdreg $0x9  }
0xb8: {  	_ =	task.clear_ibuf [dreg:s11], $0x8FFFF;
	_ =	strace $0x90000046  }
0xb9: {  	s29 =	simm.s32 $0x9;
	_ =	strace $0x80000048  }
0xba: {  	_ =	swait.ge [sflag:s29], $0x1  }
0xbb: {  	[sflag:s29] =	ssyncadd.s32 $0xFFFFFFFF  }
0xbc: {  	_ =	strace $0x90000048  }
0xbd: {  	_ =	sfence  }
0xbe: {  	s30 =	sld [smem:$0x0];
	_ =	sdelay $0x2  }
0xbf: {  	s31 =	sshll.u32 s1, $0xD;
	s1 =	sshrl.u32 s1, $0x2  }
0xc0: {  	s3 =	sand.u32 $0x4000, s31;
	s1 =	sadd.s32 s1, s30  }
0xc1: {  	s0 =	sor.u32 s3, s0;
	s1 =	sshll.u32 s1, $0x11  }
0xc2: {  	s0 =	sor.u32 s1, s0  }
0xc3: {  	s0 =	sadd.s32 $0x8F2B, s0  }
0xc4: {  	[sflag:s0] =	ssyncadd.remote.s32 $0x1  }
0xc5: {  	_ =	sfence.sel $0xFFFF  }
0xc6: {  	[dreg:$0x0] =	wrdreg $0xFFFFFFFF;
	(pc) =	sbr.abs _section_cstart, $3  }
0xc7: {  	[dreg:$0x1] =	wrdreg $0xFFFFFFFF  }
0xc8: {  	_ =	task.clear_ibuf [dreg:s11], $0x2FFFF;
	_ =	strace $0x9FFFFFFF  }
0xc9: {  	(tm) =	ssettm $0x7FFFFFFF  }
tec
execute0_lowered:
.L_overlay_start_1:
0x0: {  	(tag) =	ssettag $0x1  }
0x1: {  	s2 =	srdreg.scid;
	s0 =	stileid.u32  }
0x2: {  	s9 =	sand.u32 $0x1, s2;
	s8 =	sshll.u32 s0, $0x1  }
0x3: {  	s7 =	rddreg [dreg:$0x0];
	s8 =	sor.u32 s9, s8  }
0x4: {  	s6 =	rddreg [dreg:$0x1];
	p0 =	sgt.u32 s8, $0x18  }
.Ltmp0:
0x5: {  	s1 =	rddreg [dreg:$0x2];
	(pc) =	sbr.rel @p0 .LBB2_3-.Ltmp0, $4  }
0x6: {  	s3 =	rddreg [dreg:$0x3]  }
0x7: {  	s5 =	rddreg [dreg:$0x4];
	s4 =	simm.s32 $0x0  }
0x8: {  	[smem:$0x7FF] =	sst s4  }
0x9: {  	s2 =	rddreg [dreg:$0x5];
	_ =	strace $0x80000047  }
0xa: {  	s10 =	sshll.u32 s8, $0x8;
	v0 =	vlaneseq.u32  }
0xb: {  	s9 =	ssub.s32 $0x2, s9;
	s6 =	sadd.s32 s6, s8;
	s7 =	sadd.s32 s7, s8;
	v1 =	vshrl.u32 v0, $0x3  }
0xc: {  	s11 =	simm.s32 $0x100;
	s12 =	simm.s32 $0x900;
	s31 =	sshrl.u32 s9, $0x1;
	v0 =	vand.u32 $0x7, v0;
	v63 =	vmul.u32 $0x8, v1  }
0xd: {  	s13 =	simm.s32 $0x2;
	s5 =	sadd.s32 s5, s10;
	s9 =	ssub.s32 s9, s31;
	[tilespmem:$0x1FFE0] =	vst v0  }
0xe: {  	vm0 =	vmmov $0xffff;
	s10 =	simm.s32 $0x1;
	s8 =	smax.u32 s9, $0x1;
	s9 =	simm.s32 $0x80;
	[tilespmem:$0x1FFF0] =	vst v63  }
.LBB2_2:
0xf: {  	[tilespmem:s4], [sflag:$0x1] =	stream.linear.gather [hbm4b:s7+s4], $0x8, $0x38;
	[tilespmem:$0x1100] =	vst v63  }
0x10: {  	_ = 	snop  }
0x11: {  	[tilespmem:s9], [sflag:$0x1] =	stream.linear.gather [hbm4b:s6+s4], $0x8, $0x38;
	[tilespmem:$0x1100] =	vst v63  }
0x12: {  	_ =	swait.ge [sflag:s10], $0x8  }
0x13: {  	[sflag:s10] =	ssyncset.done $0x0  }
0x14: {  	[sflag:s10] =	ssyncadd.s32 $0xFFFFFFF8  }
0x15: {  	_ =	swait.ge [sflag:s10], $0x8  }
0x16: {  	[sflag:s10] =	ssyncset.done $0x0  }
0x17: {  	[sflag:s10] =	ssyncadd.s32 $0xFFFFFFF8  }
0x18: {  	v0 =	vld.msk [tilespmem:$0x0], $0xff;
	_ =	sdelay $0x2  }
0x19: {  	v2 =	vld [tilespmem:$0x1FFE0];
	_ =	sdelay $0x1  }
0x1a: {  	v3 =	vld [tilespmem:$0x1FFF0];
	v1 =	vshll.u32 v0, $0x1  }
0x1b: {  	v0 =	vand.u32 $0x7, v0;
	v1 =	vand.u32 $0xFFFFFFF0, v1  }
0x1c: {  	v0 =	vor.u32 v0, v1  }
0x1d: {  	v0 =	vperm.xlane v0, v2;
	_ =	sdelay $0x1  }
0x1e: {  	v0 =	vadd.s32 v3, v0;
	_ =	sdelay $0x4  }
0x1f: {  	[tilespmem:s11], [sflag:$0x1] =	stream.indirect_vreg.gather [hbm4b:s1+s4], $0x80, v0, vm0, $0xb8;
	[tilespmem:$0x1100] =	vst v63  }
0x20: {  	v0 =	vld.msk [tilespmem:$0x80], $0xff;
	_ =	sdelay $0x4  }
0x21: {  	v62 =	vshll.u32 v0, $0x1  }
0x22: {  	v0 =	vand.u32 $0x7, v0;
	v1 =	vand.u32 $0xFFFFFFF0, v62  }
0x23: {  	v0 =	vor.u32 v0, v1  }
0x24: {  	v0 =	vperm.xlane v0, v2;
	_ =	sdelay $0x1  }
0x25: {  	v0 =	vadd.s32 v3, v0;
	_ =	sdelay $0x4  }
0x26: {  	[tilespmem:s12], [sflag:$0x1] =	stream.indirect_vreg.gather [hbm4b:s3+s4], $0x80, v0, vm0, $0xb8;
	[tilespmem:$0x1100] =	vst v63  }
0x27: {  	_ =	swait.ge [sflag:s10], $0x800  }
0x28: {  	[sflag:s10] =	ssyncset.done $0x0  }
0x29: {  	[sflag:s10] =	ssyncadd.s32 $0xFFFFF800  }
0x2a: {  	_ =	swait.ge [sflag:s10], $0x800  }
0x2b: {  	[sflag:s10] =	ssyncset.done $0x0  }
0x2c: {  	[sflag:s10] =	ssyncadd.s32 $0xFFFFF800  }
0x2d: {  	v3 =	vld [tilespmem:$0x100]  }
0x2e: {  	v0 =	vld [tilespmem:$0x900]  }
0x2f: {  	v4 =	vld [tilespmem:$0x110]  }
0x30: {  	v1 =	vld [tilespmem:$0x910]  }
0x31: {  	v6 =	vld [tilespmem:$0x120]  }
0x32: {  	v2 =	vld [tilespmem:$0x920]  }
0x33: {  	v8 =	vld [tilespmem:$0x130]  }
0x34: {  	v5 =	vld [tilespmem:$0x930]  }
0x35: {  	v10 =	vld [tilespmem:$0x140]  }
0x36: {  	v7 =	vld [tilespmem:$0x940]  }
0x37: {  	v12 =	vld [tilespmem:$0x150]  }
0x38: {  	v9 =	vld [tilespmem:$0x950]  }
0x39: {  	v14 =	vld [tilespmem:$0x160]  }
0x3a: {  	v11 =	vld [tilespmem:$0x960]  }
0x3b: {  	v16 =	vld [tilespmem:$0x170]  }
0x3c: {  	v13 =	vld [tilespmem:$0x970]  }
0x3d: {  	v18 =	vld [tilespmem:$0x500]  }
0x3e: {  	v15 =	vld [tilespmem:$0xD00]  }
0x3f: {  	v20 =	vld [tilespmem:$0x510]  }
0x40: {  	v17 =	vld [tilespmem:$0xD10]  }
0x41: {  	v22 =	vld [tilespmem:$0x520]  }
0x42: {  	v19 =	vld [tilespmem:$0xD20]  }
0x43: {  	v24 =	vld [tilespmem:$0x530]  }
0x44: {  	v21 =	vld [tilespmem:$0xD30]  }
0x45: {  	v26 =	vld [tilespmem:$0x540]  }
0x46: {  	v23 =	vld [tilespmem:$0xD40]  }
0x47: {  	v28 =	vld [tilespmem:$0x550]  }
0x48: {  	v25 =	vld [tilespmem:$0xD50]  }
0x49: {  	v60 =	vld [tilespmem:$0x560]  }
0x4a: {  	v27 =	vld [tilespmem:$0xD60]  }
0x4b: {  	v61 =	vld [tilespmem:$0x570]  }
0x4c: {  	v29 =	vld [tilespmem:$0xD70]  }
0x4d: {  	v50 =	vld [tilespmem:$0x180]  }
0x4e: {  	v30 =	vld [tilespmem:$0x980]  }
0x4f: {  	v47 =	vld [tilespmem:$0x190]  }
0x50: {  	v31 =	vld [tilespmem:$0x990]  }
0x51: {  	v38 =	vld [tilespmem:$0x1A0]  }
0x52: {  	v32 =	vld [tilespmem:$0x9A0]  }
0x53: {  	v39 =	vld [tilespmem:$0x1B0]  }
0x54: {  	v33 =	vld [tilespmem:$0x9B0]  }
0x55: {  	v36 =	vld [tilespmem:$0x1C0]  }
0x56: {  	v34 =	vld [tilespmem:$0x9C0]  }
0x57: {  	v40 =	vld [tilespmem:$0x1D0]  }
0x58: {  	v35 =	vld [tilespmem:$0x9D0]  }
0x59: {  	v42 =	vld [tilespmem:$0x1E0]  }
0x5a: {  	v37 =	vld [tilespmem:$0x9E0]  }
0x5b: {  	v43 =	vld [tilespmem:$0x1F0]  }
0x5c: {  	v41 =	vld [tilespmem:$0x9F0]  }
0x5d: {  	v46 =	vld [tilespmem:$0x580]  }
0x5e: {  	v44 =	vld [tilespmem:$0xD80]  }
0x5f: {  	v49 =	vld [tilespmem:$0x590]  }
0x60: {  	v45 =	vld [tilespmem:$0xD90]  }
0x61: {  	v52 =	vld [tilespmem:$0x5A0]  }
0x62: {  	v48 =	vld [tilespmem:$0xDA0]  }
0x63: {  	v63 =	vld [tilespmem:$0x200];
	_ =	sdelay $0x4  }
0x64: {  	[tilespmem:$0x1FAC0] =	vst v63;
	v63 =	vld [tilespmem:$0xA00];
	_ =	sdelay $0x4  }
0x65: {  	[tilespmem:$0x1FAD0] =	vst v63;
	v63 =	vld [tilespmem:$0x210];
	_ =	sdelay $0x4  }
0x66: {  	[tilespmem:$0x1FAE0] =	vst v63;
	v63 =	vld [tilespmem:$0xA10];
	_ =	sdelay $0x4  }
0x67: {  	[tilespmem:$0x1FAF0] =	vst v63;
	v63 =	vld [tilespmem:$0x220];
	_ =	sdelay $0x4  }
0x68: {  	[tilespmem:$0x1FB00] =	vst v63;
	v63 =	vld [tilespmem:$0xA20];
	_ =	sdelay $0x4  }
0x69: {  	[tilespmem:$0x1FB10] =	vst v63;
	v63 =	vld [tilespmem:$0x230];
	_ =	sdelay $0x4  }
0x6a: {  	[tilespmem:$0x1FB20] =	vst v63;
	v63 =	vld [tilespmem:$0xA30];
	_ =	sdelay $0x4  }
0x6b: {  	[tilespmem:$0x1FB30] =	vst v63;
	v63 =	vld [tilespmem:$0x240];
	_ =	sdelay $0x4  }
0x6c: {  	[tilespmem:$0x1FB40] =	vst v63;
	v63 =	vld [tilespmem:$0xA40];
	_ =	sdelay $0x4  }
0x6d: {  	[tilespmem:$0x1FB50] =	vst v63;
	v63 =	vld [tilespmem:$0x250];
	_ =	sdelay $0x4  }
0x6e: {  	[tilespmem:$0x1FB60] =	vst v63;
	v63 =	vld [tilespmem:$0xA50];
	_ =	sdelay $0x4  }
0x6f: {  	[tilespmem:$0x1FB70] =	vst v63;
	v63 =	vld [tilespmem:$0x260];
	_ =	sdelay $0x4  }
0x70: {  	[tilespmem:$0x1FB80] =	vst v63;
	v63 =	vld [tilespmem:$0xA60];
	_ =	sdelay $0x4  }
0x71: {  	[tilespmem:$0x1FB90] =	vst v63;
	v63 =	vld [tilespmem:$0x270];
	_ =	sdelay $0x4  }
0x72: {  	[tilespmem:$0x1FBA0] =	vst v63;
	v63 =	vld [tilespmem:$0xA70];
	_ =	sdelay $0x4  }
0x73: {  	[tilespmem:$0x1FBB0] =	vst v63;
	v63 =	vld [tilespmem:$0x600];
	_ =	sdelay $0x4  }
0x74: {  	[tilespmem:$0x1FBC0] =	vst v63;
	v63 =	vld [tilespmem:$0xE00];
	_ =	sdelay $0x4  }
0x75: {  	[tilespmem:$0x1FBD0] =	vst v63;
	v63 =	vld [tilespmem:$0x610];
	_ =	sdelay $0x4  }
0x76: {  	[tilespmem:$0x1FBE0] =	vst v63;
	v63 =	vld [tilespmem:$0xE10];
	_ =	sdelay $0x4  }
0x77: {  	[tilespmem:$0x1FBF0] =	vst v63;
	v63 =	vld [tilespmem:$0x620];
	_ =	sdelay $0x4  }
0x78: {  	[tilespmem:$0x1FC00] =	vst v63;
	v63 =	vld [tilespmem:$0xE20];
	_ =	sdelay $0x4  }
0x79: {  	[tilespmem:$0x1FC10] =	vst v63;
	v63 =	vld [tilespmem:$0x630];
	_ =	sdelay $0x4  }
0x7a: {  	[tilespmem:$0x1FC20] =	vst v63;
	v63 =	vld [tilespmem:$0xE30];
	_ =	sdelay $0x4  }
0x7b: {  	[tilespmem:$0x1FC30] =	vst v63;
	v63 =	vld [tilespmem:$0x640];
	_ =	sdelay $0x4  }
0x7c: {  	[tilespmem:$0x1FC40] =	vst v63;
	v63 =	vld [tilespmem:$0xE40];
	_ =	sdelay $0x4  }
0x7d: {  	[tilespmem:$0x1FC50] =	vst v63;
	v63 =	vld [tilespmem:$0x650];
	_ =	sdelay $0x4  }
0x7e: {  	[tilespmem:$0x1FC60] =	vst v63;
	v63 =	vld [tilespmem:$0xE50];
	_ =	sdelay $0x4  }
0x7f: {  	[tilespmem:$0x1FC70] =	vst v63;
	v63 =	vld [tilespmem:$0x660];
	_ =	sdelay $0x4  }
0x80: {  	[tilespmem:$0x1FC80] =	vst v63;
	v63 =	vld [tilespmem:$0xE60];
	_ =	sdelay $0x4  }
0x81: {  	[tilespmem:$0x1FC90] =	vst v63;
	v63 =	vld [tilespmem:$0x670]  }
0x82: {  	v54 =	vld [tilespmem:$0x5B0]  }
0x83: {  	v51 =	vld [tilespmem:$0xDB0]  }
0x84: {  	v56 =	vld [tilespmem:$0x5C0]  }
0x85: {  	v53 =	vld [tilespmem:$0xDC0]  }
0x86: {  	[tilespmem:$0x1FCA0] =	vst v63;
	v63 =	vld [tilespmem:$0xE70]  }
0x87: {  	v57 =	vld [tilespmem:$0x5D0]  }
0x88: {  	v59 =	vld [tilespmem:$0x5F0]  }
0x89: {  	v55 =	vld [tilespmem:$0xDD0]  }
0x8a: {  	v62 =	vld [tilespmem:$0x5E0]  }
0x8b: {  	[tilespmem:$0x1FCB0] =	vst v63;
	v63 =	vld [tilespmem:$0x280]  }
0x8c: {  	v58 =	vld [tilespmem:$0xDE0]  }
0x8d: {  	[tilespmem:$0x1FAB0] =	vst v59;
	v59 =	vld [tilespmem:$0xDF0]  }
0x8e: {  	v1 =	vadd.f32 v1, v4;
	v4 =	vld [tilespmem:$0xB30]  }
0x8f: {  	v5 =	vadd.f32 v5, v8;
	v8 =	vld [tilespmem:$0xB40]  }
0x90: {  	[tilespmem:$0x1FCC0] =	vst v63;
	v63 =	vld [tilespmem:$0xA80]  }
0x91: {  	v7 =	vadd.f32 v7, v10;
	v10 =	vld [tilespmem:$0x350]  }
0x92: {  	v9 =	vadd.f32 v9, v12;
	v12 =	vld [tilespmem:$0xB50]  }
0x93: {  	v11 =	vadd.f32 v11, v14;
	v14 =	vld [tilespmem:$0x360]  }
0x94: {  	v13 =	vadd.f32 v13, v16;
	v16 =	vld [tilespmem:$0xB60]  }
0x95: {  	[tilespmem:$0x1FCD0] =	vst v63;
	v63 =	vld [tilespmem:$0x290]  }
0x96: {  	v15 =	vadd.f32 v15, v18;
	v18 =	vld [tilespmem:$0x370]  }
0x97: {  	v17 =	vadd.f32 v17, v20;
	v20 =	vld [tilespmem:$0xB70]  }
0x98: {  	v19 =	vadd.f32 v19, v22;
	v22 =	vld [tilespmem:$0x700]  }
0x99: {  	v21 =	vadd.f32 v21, v24;
	v24 =	vld [tilespmem:$0xF00]  }
0x9a: {  	[tilespmem:$0x1FCE0] =	vst v63;
	v63 =	vld [tilespmem:$0xA90]  }
0x9b: {  	v23 =	vadd.f32 v23, v26;
	v26 =	vld [tilespmem:$0x710]  }
0x9c: {  	v25 =	vadd.f32 v25, v28;
	v28 =	vadd.f32 v27, v60;
	v60 =	vld [tilespmem:$0xF10]  }
0x9d: {  	v29 =	vadd.f32 v29, v61;
	v61 =	vld [tilespmem:$0x720]  }
0x9e: {  	v0 =	vadd.f32 v0, v3;
	v30 =	vadd.f32 v30, v50;
	v50 =	vld [tilespmem:$0xF20]  }
0x9f: {  	[tilespmem:$0x1FCF0] =	vst v63;
	v63 =	vld [tilespmem:$0x2A0]  }
0xa0: {  	v31 =	vadd.f32 v31, v47;
	v47 =	vld [tilespmem:$0x730];
	[tilespmem:$0x100] =	vst v0  }
0xa1: {  	v32 =	vadd.f32 v32, v38;
	v38 =	vld [tilespmem:$0xF30];
	[tilespmem:$0x110] =	vst v1  }
0xa2: {  	v33 =	vadd.f32 v33, v39;
	v39 =	vld [tilespmem:$0x740];
	[tilespmem:$0x130] =	vst v5  }
0xa3: {  	v27 =	vld [tilespmem:$0x750];
	[tilespmem:$0x140] =	vst v7  }
0xa4: {  	[tilespmem:$0x1FD00] =	vst v63;
	v63 =	vld [tilespmem:$0xAA0]  }
0xa5: {  	v3 =	vld [tilespmem:$0x390];
	[tilespmem:$0x150] =	vst v9  }
0xa6: {  	v0 =	vadd.f32 v2, v6;
	v6 =	vld [tilespmem:$0x340];
	[tilespmem:$0x160] =	vst v11  }
0xa7: {  	[tilespmem:$0x180] =	vst v30;
	v30 =	vld [tilespmem:$0xF40]  }
0xa8: {  	[tilespmem:$0x520] =	vst v19;
	v19 =	vld [tilespmem:$0x760]  }
0xa9: {  	[tilespmem:$0x1FD10] =	vst v63;
	v63 =	vld [tilespmem:$0x2B0]  }
0xaa: {  	[tilespmem:$0x170] =	vst v13;
	v7 =	vld [tilespmem:$0x770]  }
0xab: {  	[tilespmem:$0x500] =	vst v15;
	v1 =	vld [tilespmem:$0x380]  }
0xac: {  	[tilespmem:$0x510] =	vst v17;
	v2 =	vld [tilespmem:$0xB80]  }
0xad: {  	[tilespmem:$0x530] =	vst v21;
	v13 =	vld [tilespmem:$0x1FAB0]  }
0xae: {  	[tilespmem:$0x1FD20] =	vst v63;
	v63 =	vld [tilespmem:$0xAB0]  }
0xaf: {  	v5 =	vld [tilespmem:$0x3A0];
	[tilespmem:$0x120] =	vst v0  }
0xb0: {  	v15 =	vld [tilespmem:$0x1FAC0];
	[tilespmem:$0x1FF20] =	vst v4  }
0xb1: {  	v0 =	vld [tilespmem:$0xF70];
	[tilespmem:$0x1FF40] =	vst v8  }
0xb2: {  	[tilespmem:$0x1FF90] =	vst v18;
	v18 =	vld [tilespmem:$0xF50]  }
0xb3: {  	[tilespmem:$0x1FD30] =	vst v63;
	v63 =	vld [tilespmem:$0x2C0]  }
0xb4: {  	[tilespmem:$0x1FF50] =	vst v10;
	v10 =	vld [tilespmem:$0xF60]  }
0xb5: {  	[tilespmem:$0x1FF80] =	vst v16;
	v8 =	vadd.f32 v51, v54;
	v4 =	vld [tilespmem:$0xB90]  }
0xb6: {  	v16 =	vld [tilespmem:$0x1FAD0];
	[tilespmem:$0x1FF30] =	vst v6  }
0xb7: {  	v6 =	vadd.f32 v48, v52;
	[tilespmem:$0x5B0] =	vst v8;
	v8 =	vld [tilespmem:$0x3B0]  }
0xb8: {  	v9 =	vadd.f32 v53, v56;
	[tilespmem:$0x1FD40] =	vst v63;
	v63 =	vld [tilespmem:$0xAC0]  }
0xb9: {  	[tilespmem:$0x5A0] =	vst v6;
	v6 =	vld [tilespmem:$0xBA0]  }
0xba: {  	[tilespmem:$0x5C0] =	vst v9;
	v17 =	vld [tilespmem:$0x1FAE0]  }
0xbb: {  	[tilespmem:$0x1FFA0] =	vst v20;
	v20 =	vld [tilespmem:$0x1FAF0]  }
0xbc: {  	[tilespmem:$0x1FF60] =	vst v12;
	v21 =	vld [tilespmem:$0x1FB00]  }
0xbd: {  	v11 =	vadd.f32 v55, v57;
	[tilespmem:$0x1FD50] =	vst v63;
	v63 =	vld [tilespmem:$0x2D0]  }
0xbe: {  	[tilespmem:$0x1FFB0] =	vst v22;
	v12 =	vadd.f32 v58, v62;
	v22 =	vld [tilespmem:$0x1FB10]  }
0xbf: {  	[tilespmem:$0x5D0] =	vst v11;
	v0 =	vadd.f32 v0, v7;
	v7 =	vld [tilespmem:$0x820];
	v9 =	vadd.f32 v16, v15  }
0xc0: {  	[tilespmem:$0x5E0] =	vst v12;
	v10 =	vadd.f32 v10, v19;
	v19 =	vld [tilespmem:$0x1010]  }
0xc1: {  	[tilespmem:$0x200] =	vst v9;
	v9 =	vld [tilespmem:$0xBB0];
	v11 =	vadd.f32 v20, v17  }
0xc2: {  	[tilespmem:$0x1FD60] =	vst v63;
	v63 =	vld [tilespmem:$0xAD0]  }
0xc3: {  	[tilespmem:$0x210] =	vst v11;
	v11 =	vld [tilespmem:$0x3C0];
	v12 =	vadd.f32 v22, v21  }
0xc4: {  	[tilespmem:$0x540] =	vst v23;
	v23 =	vld [tilespmem:$0x1FB20]  }
0xc5: {  	[tilespmem:$0x220] =	vst v12;
	v12 =	vld [tilespmem:$0xBC0]  }
0xc6: {  	[tilespmem:$0x1FFC0] =	vst v24;
	v24 =	vld [tilespmem:$0x1FB30]  }
0xc7: {  	[tilespmem:$0x1FD70] =	vst v63;
	v63 =	vld [tilespmem:$0x2E0]  }
0xc8: {  	[tilespmem:$0x550] =	vst v25;
	v25 =	vld [tilespmem:$0x1FB40]  }
0xc9: {  	[tilespmem:$0x1FFD0] =	vst v26;
	v26 =	vld [tilespmem:$0x1FB50]  }
0xca: {  	[tilespmem:$0x760] =	vst v10;
	v10 =	vadd.f32 v9, v8;
	v8 =	vld [tilespmem:$0x850]  }
0xcb: {  	[tilespmem:$0x1FF70] =	vst v14;
	v9 =	vld [tilespmem:$0x1050]  }
0xcc: {  	v14 =	vadd.f32 v59, v13;
	[tilespmem:$0x1FD80] =	vst v63;
	v63 =	vld [tilespmem:$0xAE0]  }
0xcd: {  	[tilespmem:$0x3B0] =	vst v10;
	v10 =	vld [tilespmem:$0x860];
	v13 =	vadd.f32 v24, v23  }
0xce: {  	[tilespmem:$0x5F0] =	vst v14;
	v12 =	vadd.f32 v12, v11;
	v11 =	vld [tilespmem:$0x1060];
	v14 =	vadd.f32 v26, v25  }
0xcf: {  	[tilespmem:$0x230] =	vst v13;
	v13 =	vld [tilespmem:$0x3D0]  }
0xd0: {  	[tilespmem:$0x240] =	vst v14;
	v14 =	vld [tilespmem:$0xBD0]  }
0xd1: {  	[tilespmem:$0x1FD90] =	vst v63;
	v63 =	vld [tilespmem:$0x2F0]  }
0xd2: {  	[tilespmem:$0x3C0] =	vst v12;
	v12 =	vld [tilespmem:$0x870]  }
0xd3: {  	[tilespmem:$0x560] =	vst v28;
	v28 =	vld [tilespmem:$0x1FB60]  }
0xd4: {  	v26 =	vld [tilespmem:$0xF90]  }
0xd5: {  	[tilespmem:$0x570] =	vst v29;
	v29 =	vld [tilespmem:$0x1FB70]  }
0xd6: {  	v14 =	vadd.f32 v14, v13;
	[tilespmem:$0x1FDA0] =	vst v63;
	v63 =	vld [tilespmem:$0xAF0]  }
0xd7: {  	v13 =	vld [tilespmem:$0x1070]  }
0xd8: {  	[tilespmem:$0x3D0] =	vst v14;
	v14 =	vld [tilespmem:$0x480]  }
0xd9: {  	[tilespmem:$0x190] =	vst v31;
	v31 =	vld [tilespmem:$0x1FB80]  }
0xda: {  	[tilespmem:$0x1A0] =	vst v32;
	v32 =	vld [tilespmem:$0x1FB90]  }
0xdb: {  	[tilespmem:$0x1FDB0] =	vst v63;
	v63 =	vld [tilespmem:$0x680]  }
0xdc: {  	v15 =	vadd.f32 v29, v28;
	v28 =	vld [tilespmem:$0x7A0]  }
0xdd: {  	v29 =	vld [tilespmem:$0xFA0]  }
0xde: {  	[tilespmem:$0x250] =	vst v15;
	v15 =	vld [tilespmem:$0x3E0]  }
0xdf: {  	[tilespmem:$0x1B0] =	vst v33;
	v16 =	vadd.f32 v32, v31;
	v33 =	vld [tilespmem:$0x1FBA0]  }
0xe0: {  	[tilespmem:$0x1FDC0] =	vst v63;
	v63 =	vld [tilespmem:$0xE80]  }
0xe1: {  	[tilespmem:$0x260] =	vst v16;
	v16 =	vld [tilespmem:$0xBE0]  }
0xe2: {  	v31 =	vld [tilespmem:$0x7B0]  }
0xe3: {  	v36 =	vadd.f32 v34, v36;
	v34 =	vld [tilespmem:$0x1FBB0]  }
0xe4: {  	v18 =	vadd.f32 v18, v27;
	v32 =	vld [tilespmem:$0xFB0]  }
0xe5: {  	[tilespmem:$0x1FDD0] =	vst v63;
	v63 =	vld [tilespmem:$0x690]  }
0xe6: {  	[tilespmem:$0x750] =	vst v18;
	v18 =	vadd.f32 v16, v15;
	v15 =	vld [tilespmem:$0xC80]  }
0xe7: {  	v16 =	vld [tilespmem:$0x490]  }
0xe8: {  	v17 =	vadd.f32 v34, v33;
	v33 =	vld [tilespmem:$0x7C0]  }
0xe9: {  	v34 =	vld [tilespmem:$0xFC0]  }
0xea: {  	[tilespmem:$0x1FDE0] =	vst v63;
	v63 =	vld [tilespmem:$0xE90]  }
0xeb: {  	v40 =	vadd.f32 v35, v40;
	v32 =	vadd.f32 v32, v31;
	v35 =	vld [tilespmem:$0x1FBC0]  }
0xec: {  	[tilespmem:$0x1C0] =	vst v36;
	v36 =	vld [tilespmem:$0x1FBD0]  }
0xed: {  	[tilespmem:$0x7B0] =	vst v32;
	v32 =	vld [tilespmem:$0x890]  }
0xee: {  	[tilespmem:$0x3E0] =	vst v18;
	v18 =	vld [tilespmem:$0x4A0]  }
0xef: {  	v34 =	vadd.f32 v34, v33;
	[tilespmem:$0x1FDF0] =	vst v63;
	v63 =	vld [tilespmem:$0x6A0]  }
0xf0: {  	[tilespmem:$0x270] =	vst v17;
	v17 =	vld [tilespmem:$0x3F0]  }
0xf1: {  	[tilespmem:$0x7C0] =	vst v34;
	v34 =	vld [tilespmem:$0x1090];
	v20 =	vadd.f32 v36, v35  }
0xf2: {  	v42 =	vadd.f32 v37, v42;
	v37 =	vld [tilespmem:$0x1FBE0]  }
0xf3: {  	[tilespmem:$0x600] =	vst v20;
	v20 =	vld [tilespmem:$0xBF0]  }
0xf4: {  	[tilespmem:$0x1FE00] =	vst v63;
	v63 =	vld [tilespmem:$0xEA0]  }
0xf5: {  	[tilespmem:$0x1D0] =	vst v40;
	v40 =	vld [tilespmem:$0x1FBF0]  }
0xf6: {  	v43 =	vadd.f32 v41, v43;
	v41 =	vld [tilespmem:$0x1FC00]  }
0xf7: {  	[tilespmem:$0x1E0] =	vst v42;
	v42 =	vld [tilespmem:$0x1FC10]  }
0xf8: {  	[tilespmem:$0x1F0] =	vst v43;
	v43 =	vld [tilespmem:$0x1FC20]  }
0xf9: {  	[tilespmem:$0x1FE10] =	vst v63;
	v63 =	vld [tilespmem:$0x6B0]  }
0xfa: {  	v46 =	vadd.f32 v44, v46;
	v44 =	vld [tilespmem:$0x1FC30]  }
0xfb: {  	v35 =	vld [tilespmem:$0x7D0];
	v21 =	vadd.f32 v40, v37  }
0xfc: {  	v20 =	vadd.f32 v20, v17;
	v17 =	vld [tilespmem:$0xC90]  }
0xfd: {  	[tilespmem:$0x610] =	vst v21;
	v21 =	vld [tilespmem:$0x780];
	v22 =	vadd.f32 v42, v41  }
0xfe: {  	[tilespmem:$0x1FE20] =	vst v63;
	v63 =	vld [tilespmem:$0xEB0]  }
0xff: {  	[tilespmem:$0x620] =	vst v22;
	v22 =	vld [tilespmem:$0xF80];
	v23 =	vadd.f32 v44, v43  }
0x100: {  	v49 =	vadd.f32 v45, v49;
	v45 =	vld [tilespmem:$0x1FC40]  }
0x101: {  	[tilespmem:$0x630] =	vst v23;
	v23 =	vld [tilespmem:$0x790]  }
0x102: {  	[tilespmem:$0x580] =	vst v46;
	v46 =	vld [tilespmem:$0x1FC50]  }
0x103: {  	[tilespmem:$0x1FE30] =	vst v63;
	v63 =	vld [tilespmem:$0x6C0]  }
0x104: {  	v48 =	vld [tilespmem:$0x1FC60]  }
0x105: {  	[tilespmem:$0x590] =	vst v49;
	v49 =	vld [tilespmem:$0x1FC70]  }
0x106: {  	v51 =	vld [tilespmem:$0x1FC80]  }
0x107: {  	v53 =	vld [tilespmem:$0x1FCA0]  }
0x108: {  	[tilespmem:$0x1FE40] =	vst v63;
	v63 =	vld [tilespmem:$0xEC0]  }
0x109: {  	v54 =	vld [tilespmem:$0x1FCB0]  }
0x10a: {  	v57 =	vld [tilespmem:$0x1FCE0]  }
0x10b: {  	v58 =	vld [tilespmem:$0x1FCF0]  }
0x10c: {  	v36 =	vld [tilespmem:$0x1FD20]  }
0x10d: {  	v25 =	vadd.f32 v49, v48;
	[tilespmem:$0x1FE50] =	vst v63;
	v63 =	vld [tilespmem:$0x6D0]  }
0x10e: {  	v37 =	vld [tilespmem:$0x1FD30]  }
0x10f: {  	[tilespmem:$0x650] =	vst v25;
	v52 =	vld [tilespmem:$0x1FC90];
	v25 =	vadd.f32 v54, v53  }
0x110: {  	v55 =	vld [tilespmem:$0x1FCC0]  }
0x111: {  	[tilespmem:$0x670] =	vst v25;
	v56 =	vld [tilespmem:$0x1FCD0];
	v25 =	vadd.f32 v58, v57  }
0x112: {  	[tilespmem:$0x1FE60] =	vst v63;
	v63 =	vld [tilespmem:$0xED0]  }
0x113: {  	[tilespmem:$0x290] =	vst v25;
	v25 =	vadd.f32 v37, v36;
	v36 =	vld [tilespmem:$0xFD0]  }
0x114: {  	v24 =	vadd.f32 v46, v45;
	v59 =	vld [tilespmem:$0x1FD00]  }
0x115: {  	v62 =	vld [tilespmem:$0x1FD10]  }
0x116: {  	[tilespmem:$0x640] =	vst v24;
	v40 =	vld [tilespmem:$0x1FD40]  }
0x117: {  	v24 =	vadd.f32 v52, v51;
	[tilespmem:$0x1FE70] =	vst v63;
	v63 =	vld [tilespmem:$0x6E0]  }
0x118: {  	v41 =	vld [tilespmem:$0x1FD50];
	v36 =	vadd.f32 v36, v35  }
0x119: {  	[tilespmem:$0x660] =	vst v24;
	v24 =	vadd.f32 v56, v55;
	v37 =	vld [tilespmem:$0x7E0]  }
0x11a: {  	[tilespmem:$0x7D0] =	vst v36;
	v36 =	vld [tilespmem:$0x8A0]  }
0x11b: {  	[tilespmem:$0x280] =	vst v24;
	v24 =	vadd.f32 v62, v59;
	v42 =	vld [tilespmem:$0x1FD60]  }
0x11c: {  	[tilespmem:$0x1FE80] =	vst v63;
	v63 =	vld [tilespmem:$0xEE0]  }
0x11d: {  	[tilespmem:$0x2A0] =	vst v24;
	v24 =	vadd.f32 v41, v40;
	v40 =	vld [tilespmem:$0xFE0]  }
0x11e: {  	v43 =	vld [tilespmem:$0x1FD70]  }
0x11f: {  	v44 =	vld [tilespmem:$0x1FD80]  }
0x120: {  	v45 =	vld [tilespmem:$0x1FD90]  }
0x121: {  	[tilespmem:$0x1FE90] =	vst v63;
	v63 =	vld [tilespmem:$0x6F0]  }
0x122: {  	v41 =	vld [tilespmem:$0x7F0]  }
0x123: {  	[tilespmem:$0x2B0] =	vst v25;
	v25 =	vadd.f32 v43, v42;
	v42 =	vld [tilespmem:$0xFF0]  }
0x124: {  	v43 =	vld [tilespmem:$0x400]  }
0x125: {  	[tilespmem:$0x2C0] =	vst v24;
	v24 =	vadd.f32 v45, v44;
	v44 =	vld [tilespmem:$0xC00]  }
0x126: {  	[tilespmem:$0x1FEA0] =	vst v63;
	v63 =	vld [tilespmem:$0xEF0]  }
0x127: {  	v46 =	vld [tilespmem:$0x1FDA0]  }
0x128: {  	v45 =	vld [tilespmem:$0x410]  }
0x129: {  	v48 =	vld [tilespmem:$0x1FDB0]  }
0x12a: {  	v37 =	vadd.f32 v40, v37;
	v40 =	vadd.f32 v44, v43;
	v44 =	vld [tilespmem:$0xCB0]  }
0x12b: {  	[tilespmem:$0x1FEB0] =	vst v63;
	v63 =	vld [tilespmem:$0x300]  }
0x12c: {  	[tilespmem:$0x400] =	vst v40;
	v40 =	vld [tilespmem:$0x8B0]  }
0x12d: {  	v49 =	vld [tilespmem:$0x1FDC0]  }
0x12e: {  	[tilespmem:$0x2D0] =	vst v25;
	v25 =	vadd.f32 v48, v46;
	v46 =	vld [tilespmem:$0xC10]  }
0x12f: {  	v51 =	vld [tilespmem:$0x1FDD0]  }
0x130: {  	[tilespmem:$0x1FEC0] =	vst v63;
	v63 =	vld [tilespmem:$0xB00]  }
0x131: {  	v52 =	vld [tilespmem:$0x1FDE0]  }
0x132: {  	v53 =	vld [tilespmem:$0x1FDF0]  }
0x133: {  	v54 =	vld [tilespmem:$0x1FE00]  }
0x134: {  	v55 =	vld [tilespmem:$0x1FE10]  }
0x135: {  	[tilespmem:$0x1FED0] =	vst v63;
	v63 =	vld [tilespmem:$0x310]  }
0x136: {  	v56 =	vld [tilespmem:$0x1FE20]  }
0x137: {  	v57 =	vld [tilespmem:$0x1FE30]  }
0x138: {  	v58 =	vld [tilespmem:$0x1FE40]  }
0x139: {  	v62 =	vld [tilespmem:$0x1FE60]  }
0x13a: {  	[tilespmem:$0x1FEE0] =	vst v63;
	v63 =	vld [tilespmem:$0xB10]  }
0x13b: {  	[tilespmem:$0x2E0] =	vst v24;
	v24 =	vadd.f32 v51, v49;
	v48 =	vld [tilespmem:$0x1FE70]  }
0x13c: {  	[tilespmem:$0x2F0] =	vst v25;
	v25 =	vadd.f32 v53, v52;
	v59 =	vld [tilespmem:$0x1FE50]  }
0x13d: {  	[tilespmem:$0x680] =	vst v24;
	v49 =	vld [tilespmem:$0x1FE80]  }
0x13e: {  	[tilespmem:$0x690] =	vst v25;
	v25 =	vadd.f32 v57, v56;
	v51 =	vld [tilespmem:$0x1FE90]  }
0x13f: {  	v24 =	vadd.f32 v55, v54;
	[tilespmem:$0x1FEF0] =	vst v63;
	v63 =	vld [tilespmem:$0x320]  }
0x140: {  	[tilespmem:$0x6B0] =	vst v25;
	v25 =	vadd.f32 v48, v62;
	v48 =	vld [tilespmem:$0x420]  }
0x141: {  	[tilespmem:$0x6A0] =	vst v24;
	v24 =	vadd.f32 v59, v58;
	v62 =	vld [tilespmem:$0x1FF20]  }
0x142: {  	v52 =	vld [tilespmem:$0x1FEA0]  }
0x143: {  	[tilespmem:$0x6C0] =	vst v24;
	v24 =	vadd.f32 v51, v49;
	v49 =	vld [tilespmem:$0xC20]  }
0x144: {  	[tilespmem:$0x1FF00] =	vst v63;
	v63 =	vld [tilespmem:$0xB20]  }
0x145: {  	v53 =	vld [tilespmem:$0x1FEB0]  }
0x146: {  	v56 =	vld [tilespmem:$0x1FEE0]  }
0x147: {  	v57 =	vld [tilespmem:$0x1FEF0]  }
0x148: {  	v54 =	vld [tilespmem:$0x1FEC0]  }
0x149: {  	[tilespmem:$0x1FF10] =	vst v63;
	v63 =	vld [tilespmem:$0x330]  }
0x14a: {  	[tilespmem:$0x6D0] =	vst v25;
	v25 =	vadd.f32 v53, v52;
	v55 =	vld [tilespmem:$0x1FED0]  }
0x14b: {  	v58 =	vld [tilespmem:$0x1FF00]  }
0x14c: {  	[tilespmem:$0x6F0] =	vst v25;
	v25 =	vadd.f32 v57, v56;
	v59 =	vld [tilespmem:$0x1FF10]  }
0x14d: {  	v57 =	vld [tilespmem:$0x1FF40]  }
0x14e: {  	[tilespmem:$0x310] =	vst v25;
	v25 =	vadd.f32 v62, v63;
	v63 =	vld [tilespmem:$0x1FF30]  }
0x14f: {  	v51 =	vld [tilespmem:$0x430];
	[tilespmem:$0x6E0] =	vst v24;
	v24 =	vadd.f32 v55, v54  }
0x150: {  	v43 =	vadd.f32 v49, v48;
	v48 =	vld [tilespmem:$0xCC0]  }
0x151: {  	v52 =	vld [tilespmem:$0xC30];
	[tilespmem:$0x300] =	vst v24;
	v24 =	vadd.f32 v59, v58  }
0x152: {  	v1 =	vadd.f32 v2, v1;
	v62 =	vld [tilespmem:$0x1FF70]  }
0x153: {  	[tilespmem:$0x320] =	vst v24;
	v24 =	vadd.f32 v57, v63;
	v63 =	vld [tilespmem:$0x1FF80]  }
0x154: {  	[tilespmem:$0x380] =	vst v1;
	v29 =	vadd.f32 v29, v28;
	v55 =	vld [tilespmem:$0x450]  }
0x155: {  	[tilespmem:$0x770] =	vst v0;
	v31 =	vadd.f32 v9, v8;
	v56 =	vld [tilespmem:$0xC50]  }
0x156: {  	[tilespmem:$0x7A0] =	vst v29;
	v58 =	vld [tilespmem:$0x1FF50]  }
0x157: {  	[tilespmem:$0x850] =	vst v31;
	v33 =	vadd.f32 v11, v10;
	v59 =	vld [tilespmem:$0x1FF60]  }
0x158: {  	[tilespmem:$0x340] =	vst v24;
	v24 =	vadd.f32 v63, v62;
	v62 =	vld [tilespmem:$0x1FF90]  }
0x159: {  	[tilespmem:$0x860] =	vst v33;
	v27 =	vadd.f32 v26, v23;
	v63 =	vld [tilespmem:$0x1FFA0]  }
0x15a: {  	[tilespmem:$0x3F0] =	vst v20;
	v53 =	vld [tilespmem:$0x440]  }
0x15b: {  	[tilespmem:$0x790] =	vst v27;
	v54 =	vld [tilespmem:$0xC40]  }
0x15c: {  	v49 =	vadd.f32 v56, v55;
	v55 =	vld [tilespmem:$0x4E0];
	[tilespmem:$0x330] =	vst v25;
	v25 =	vadd.f32 v59, v58  }
0x15d: {  	v35 =	vadd.f32 v13, v12;
	[tilespmem:$0x7E0] =	vst v37;
	v59 =	vld [tilespmem:$0x1FFD0]  }
0x15e: {  	v37 =	vadd.f32 v15, v14;
	[tilespmem:$0x350] =	vst v25;
	v25 =	vadd.f32 v63, v62;
	v62 =	vld [tilespmem:$0x1FFB0]  }
0x15f: {  	[tilespmem:$0x870] =	vst v35;
	v63 =	vld [tilespmem:$0x1FFC0]  }
0x160: {  	[tilespmem:$0x480] =	vst v37;
	v57 =	vld [tilespmem:$0x460]  }
0x161: {  	[tilespmem:$0x420] =	vst v43;
	v58 =	vld [tilespmem:$0xC60]  }
0x162: {  	[tilespmem:$0x370] =	vst v25;
	v25 =	vadd.f32 v60, v59;
	v59 =	vld [tilespmem:$0x470]  }
0x163: {  	[tilespmem:$0x360] =	vst v24;
	v60 =	vld [tilespmem:$0x1020]  }
0x164: {  	[tilespmem:$0x710] =	vst v25;
	v25 =	vld [tilespmem:$0x810];
	v24 =	vadd.f32 v63, v62  }
0x165: {  	[tilespmem:$0x450] =	vst v49;
	v62 =	vadd.f32 v50, v61;
	v50 =	vld [tilespmem:$0xC70]  }
0x166: {  	v63 =	vadd.f32 v38, v47;
	v38 =	vld [tilespmem:$0x800];
	[tilespmem:$0x700] =	vst v24  }
0x167: {  	v47 =	vadd.f32 v30, v39;
	v30 =	vld [tilespmem:$0x1000];
	[tilespmem:$0x720] =	vst v62  }
0x168: {  	v61 =	vadd.f32 v4, v3;
	v3 =	vld [tilespmem:$0x830];
	[tilespmem:$0x730] =	vst v63  }
0x169: {  	v39 =	vadd.f32 v42, v41;
	v41 =	vld [tilespmem:$0xCA0];
	[tilespmem:$0x740] =	vst v47  }
0x16a: {  	v42 =	vadd.f32 v46, v45;
	v46 =	vld [tilespmem:$0x4C0];
	[tilespmem:$0x390] =	vst v61  }
0x16b: {  	v45 =	vadd.f32 v52, v51;
	v51 =	vld [tilespmem:$0x4D0];
	[tilespmem:$0x7F0] =	vst v39  }
0x16c: {  	v52 =	vadd.f32 v58, v57;
	v57 =	vld [tilespmem:$0xCE0];
	[tilespmem:$0x410] =	vst v42  }
0x16d: {  	v62 =	vadd.f32 v6, v5;
	v63 =	vld [tilespmem:$0x1030];
	[tilespmem:$0x430] =	vst v45  }
0x16e: {  	v5 =	vld [tilespmem:$0x840];
	v24 =	vadd.f32 v22, v21;
	[tilespmem:$0x460] =	vst v52  }
0x16f: {  	v6 =	vld [tilespmem:$0x1040];
	v47 =	vadd.f32 v54, v53;
	[tilespmem:$0x3A0] =	vst v62  }
0x170: {  	v21 =	vld [tilespmem:$0x4B0];
	v60 =	vadd.f32 v60, v7;
	[tilespmem:$0x780] =	vst v24  }
0x171: {  	v53 =	vld [tilespmem:$0xCD0];
	v39 =	vadd.f32 v17, v16;
	[tilespmem:$0x440] =	vst v47  }
0x172: {  	v61 =	vld [tilespmem:$0xCF0];
	v58 =	vadd.f32 v19, v25;
	[tilespmem:$0x820] =	vst v60  }
0x173: {  	v42 =	vld [tilespmem:$0x10B0];
	[tilespmem:$0x490] =	vst v39;
	v54 =	vadd.f32 v50, v59  }
0x174: {  	v52 =	vld [tilespmem:$0x8E0];
	v56 =	vadd.f32 v30, v38;
	[tilespmem:$0x810] =	vst v58  }
0x175: {  	v59 =	vld [tilespmem:$0x4F0];
	v41 =	vadd.f32 v41, v18;
	[tilespmem:$0x470] =	vst v54  }
0x176: {  	v30 =	vld [tilespmem:$0x1080];
	v45 =	vadd.f32 v48, v46;
	[tilespmem:$0x800] =	vst v56  }
0x177: {  	v38 =	vld [tilespmem:$0x10A0];
	v49 =	vadd.f32 v57, v55;
	[tilespmem:$0x4A0] =	vst v41  }
0x178: {  	v46 =	vld [tilespmem:$0x10C0];
	v55 =	vadd.f32 v34, v32;
	[tilespmem:$0x4C0] =	vst v45  }
0x179: {  	v48 =	vld [tilespmem:$0x8D0];
	v62 =	vadd.f32 v63, v3;
	[tilespmem:$0x4E0] =	vst v49  }
0x17a: {  	v50 =	vld [tilespmem:$0x10D0];
	v25 =	vadd.f32 v6, v5;
	[tilespmem:$0x890] =	vst v55  }
0x17b: {  	v58 =	vld [tilespmem:$0x10F0];
	v43 =	vadd.f32 v44, v21;
	[tilespmem:$0x830] =	vst v62  }
0x17c: {  	v63 =	vld [tilespmem:$0x880];
	v47 =	vadd.f32 v53, v51;
	[tilespmem:$0x840] =	vst v25  }
0x17d: {  	v44 =	vld [tilespmem:$0x8C0];
	[tilespmem:$0x4B0] =	vst v43;
	v51 =	vadd.f32 v61, v59  }
0x17e: {  	v54 =	vld [tilespmem:$0x10E0];
	[tilespmem:$0x4D0] =	vst v47;
	v57 =	vadd.f32 v38, v36  }
0x17f: {  	v56 =	vld [tilespmem:$0x8F0];
	v59 =	vadd.f32 v42, v40;
	[tilespmem:$0x4F0] =	vst v51  }
0x180: {  	v61 =	vadd.f32 v50, v48;
	[tilespmem:$0x8A0] =	vst v57  }
0x181: {  	v53 =	vadd.f32 v30, v63;
	[tilespmem:$0x8B0] =	vst v59  }
0x182: {  	v60 =	vadd.f32 v46, v44;
	[tilespmem:$0x8D0] =	vst v61  }
0x183: {  	v62 =	vadd.f32 v54, v52;
	[tilespmem:$0x880] =	vst v53  }
0x184: {  	v63 =	vadd.f32 v58, v56;
	[tilespmem:$0x8C0] =	vst v60  }
0x185: {  	p0 =	sne.s32 s8, $0x1;
	[tilespmem:$0x8E0] =	vst v62  }
.Ltmp1:
0x186: {  	[tilespmem:$0x8F0] =	vst v63;
	(pc) =	sbr.rel @p0 .LBB2_2-.Ltmp1, $4  }
0x187: {  	[hbm4b:s5+s4] =	stream.linear.scatter [tilespmem:s11], [sflag:$0x2], $0x800, $0x38;
	[tilespmem:$0x1100] =	vst v63  }
0x188: {  	_ =	swait.ge [sflag:s13], $0x800  }
0x189: {  	[sflag:s13] =	ssyncset.done $0x0  }
0x18a: {  	s8 =	sadd.s32 $0xFFFFFFFF, s8;
	[sflag:s13] =	ssyncadd.s32 $0xFFFFF800  }
.LBB2_3:
0x18b: {  	_ =	sfence.sel $0x180000  }
0x18c: {  	[bflag:$0x0] =	sbarrier.arrive $0xFFFF  }
0x18d: {  	p0 =	sne.s32 s0, $0x0;
	_ =	strace $0x90000047  }
0x18e: {  	s0 =	sadd.s32 @!p0 $0x100000, s2;
	[bflag:$0x2] =	sbarrier.arrive $0xFFFF  }
0x18f: {  	[sflag:s0] =	ssyncadd.tile.s32 @!p0 $0x1;
	_ =	shalt  }
.Lfunc_end2:
_tile_overlayer_lowered:
.L_overlay_start_2:
0x190: {  	(tag) =	ssettag $0x2  }
0x191: {  	s0 =	rddreg [dreg:$0x0];
	s2 =	stileid.u32  }
0x192: {  	s1 =	rddreg [dreg:$0x1];
	p0 =	sne.s32 s2, $0x0  }
0x193: {  	s3 =	rddreg [dreg:$0x2];
	[bflag:$0x3] =	sbarrier.arrive $0xFFFF;
	s2 =	simm.s32 @!p0 $0x1C02  }
0x194: {  	[timem:s3], [sflag:s2] =	dma.local @!p0 [hbm:s0], s1  }
0x195: {  	s0 =	simm.s32 @!p0 $0x2  }
0x196: {  	_ =	swait.ge @!p0 [sflag:s0], s1  }
0x197: {  	s1 =	ssub.s32 @!p0 $0x0, s1;
	[sflag:s0] =	ssyncset.done @!p0 $0x0  }
0x198: {  	[sflag:s0] =	ssyncadd.s32 @!p0 s1  }
0x199: {  	[bflag:$0x3] =	sbarrier.arrive $0xFFFF  }
0x19a: {  	_ =	shalt  }

</sc_bundles>
